<compile_context>
chip_gen: v7x
topology: tpu7x:2x2x1
jax: 0.10.2.dev20260603
libtpu: 0.0.44.dev20260713+nightly
codegen_flags: <defaults>
</compile_context>

<pallas_src>
import functools

import jax
import jax.numpy as jnp
from jax import lax
from jax.experimental import pallas as pl
from jax.experimental.pallas import tpu as pltpu
from jax.experimental.pallas import tpu_sc as plsc

NC = 2
NS = 16
NW = NC * NS
NQ = 4
NP = 4
K = 2048
H = 16
BM = 1024



def _sc_degree(e1, epad, npad, epw):
    mesh = plsc.VectorSubcoreMesh(core_axis_name="c", subcore_axis_name="s")

    @functools.partial(
        pl.kernel, mesh=mesh,
        compiler_params=pltpu.CompilerParams(use_tc_tiling_on_sc=True,
                                             needs_layout_passes=False),
        out_type=jax.ShapeDtypeStruct((NS, npad), jnp.float32),
        scratch_types=[
            pltpu.VMEM((npad,), jnp.float32),
            pltpu.VMEM((epw,), jnp.int32),
            pltpu.SemaphoreType.DMA,
        ],
    )
    def deg_kernel(e_hbm, deg_hbm, acc_v, idx_v, sem):
        c = lax.axis_index("c")
        s = lax.axis_index("s")

        @pl.when(c == 0)
        def _():
            pltpu.async_copy(e_hbm.at[pl.ds(epad + s * epw, epw)], idx_v,
                             sem)

            @plsc.parallel_loop(0, npad // 16, unroll=8)
            def _z(j):
                acc_v[pl.ds(j * 16, 16)] = jnp.zeros((16,), jnp.float32)

            pltpu.make_async_copy(e_hbm.at[pl.ds(0, epw)], idx_v,
                                  sem).wait()
            ones = jnp.ones((16,), jnp.float32)

            @plsc.parallel_loop(0, epw // 16, unroll=4)
            def _h(i):
                cc = idx_v[pl.ds(i * 16, 16)]
                plsc.addupdate_scatter(acc_v, [cc], ones)

            pltpu.sync_copy(acc_v, deg_hbm.at[s])

    return deg_kernel(e1)


def _sc_message(gt, e1, epad, npad, nch0, nch1, k2):
    assert nch0 % 2 == 0 and nch1 % 2 == 0
    hq = H // NQ
    mesh = plsc.VectorSubcoreMesh(core_axis_name="c", subcore_axis_name="s")

    @functools.partial(
        pl.kernel, mesh=mesh,
        compiler_params=pltpu.CompilerParams(use_tc_tiling_on_sc=True,
                                             needs_layout_passes=False),
        out_type=jax.ShapeDtypeStruct((NC, NS, NQ, npad), jnp.float32),
        scratch_types=[
            pltpu.VMEM((hq, npad), jnp.float32),
            pltpu.VMEM((hq, npad), jnp.float32),
            pltpu.VMEM((k2,), jnp.int32),
            pltpu.VMEM((k2,), jnp.int32),
            pltpu.VMEM((k2,), jnp.int32),
            pltpu.VMEM((k2,), jnp.int32),
            pltpu.SemaphoreType.DMA,
            pltpu.SemaphoreType.DMA,
            pltpu.SemaphoreType.DMA,
        ],
    )
    def msg_kernel(gt_hbm, e_hbm, out_hbm,
                   gq_v, acc_v, ridx0, ridx1, cidx0, cidx1,
                   semg, sem0, sem1):
        ridx = (ridx0, ridx1)
        cidx = (cidx0, cidx1)
        c = lax.axis_index("c")
        s = lax.axis_index("s")
        q = s % NQ
        p = s // NQ
        nch = lax.select(c == 0, nch0, nch1)
        base = lax.select(c == 0, p * nch0, NP * nch0 + p * nch1) * k2

        def ld(t, buf, sem):
            off = base + t * k2
            pltpu.async_copy(e_hbm.at[pl.ds(off, k2)], ridx[buf], sem)
            pltpu.async_copy(e_hbm.at[pl.ds(epad + off, k2)], cidx[buf],
                             sem)

        pltpu.async_copy(gt_hbm.at[pl.ds(q * hq, hq)], gq_v, semg)
        ld(0, 0, sem0)

        @plsc.parallel_loop(0, npad // 16, unroll=8)
        def _z(j):
            for f in range(hq):
                acc_v[f, pl.ds(j * 16, 16)] = jnp.zeros((16,), jnp.float32)

        pltpu.make_async_copy(gt_hbm.at[pl.ds(0, hq)], gq_v, semg).wait()

        fvecs = [jnp.full((16,), f, jnp.int32) for f in range(hq)]

        def chunk(t, buf, sem_cur, sem_nxt):
            @pl.when(t + 1 < nch)
            def _():
                ld(t + 1, 1 - buf, sem_nxt)

            rb = ridx[buf]
            cb = cidx[buf]
            pltpu.make_async_copy(e_hbm.at[pl.ds(0, k2)], rb,
                                  sem_cur).wait()
            pltpu.make_async_copy(e_hbm.at[pl.ds(0, k2)], cb,
                                  sem_cur).wait()

            @plsc.parallel_loop(0, k2 // 16, unroll=8)
            def _i(i):
                r = rb[pl.ds(i * 16, 16)]
                cc = cb[pl.ds(i * 16, 16)]
                for f in range(hq):
                    v = plsc.load_gather(gq_v, [fvecs[f], r])
                    plsc.addupdate_scatter(acc_v, [fvecs[f], cc], v)

        def body(t2, carry):
            t = t2 * 2
            chunk(t, 0, sem0, sem1)
            chunk(t + 1, 1, sem1, sem0)
            return carry

        lax.fori_loop(0, nch // 2, body, 0)
        pltpu.sync_copy(acc_v, out_hbm.at[c, s])

    return msg_kernel(gt, e1)



def _tc_linear1(x, w1, b1, degp, npad):
    n, d = x.shape
    bm = 2 * BM

    def body(x_ref, w_ref, b_ref, deg_ref, g_ref, dinv_ref):
        deg = jnp.sum(deg_ref[...], axis=0) + 1.0
        dinv = lax.rsqrt(deg)
        hid = lax.dot_general(w_ref[...], x_ref[...],
                              (((1,), (1,)), ((), ())),
                              preferred_element_type=jnp.float32)
        g_ref[...] = dinv[None, :] * (hid + b_ref[...][:, None])
        dinv_ref[...] = dinv

    return pl.pallas_call(
        body,
        grid=(npad // bm,),
        in_specs=[
            pl.BlockSpec((bm, d), lambda i: (i, 0)),
            pl.BlockSpec((H, d), lambda i: (0, 0)),
            pl.BlockSpec((H,), lambda i: (0,)),
            pl.BlockSpec((NS, bm), lambda i: (0, i)),
        ],
        out_specs=[
            pl.BlockSpec((H, bm), lambda i: (0, i)),
            pl.BlockSpec((bm,), lambda i: (i,)),
        ],
        out_shape=[
            jax.ShapeDtypeStruct((H, npad), jnp.float32),
            jax.ShapeDtypeStruct((npad,), jnp.float32),
        ],
    )(x, w1, b1, degp)


def _assemble(s_ref):
    rows = []
    for q in range(NQ):
        t = None
        for c in range(NC):
            for p in range(NP):
                term = s_ref[c, p * NQ + q]
                t = term if t is None else t + term
        rows.append(t)
    return jnp.concatenate(rows, axis=0)


def _tc_mid(s1, gt, dinv, w2p, b2p, npad):
    bm = 2 * BM

    def body(s_ref, g_ref, dinv_ref, w_ref, b_ref, o_ref):
        di = dinv_ref[...]
        h1 = jnp.maximum(di[None, :] * (_assemble(s_ref) + g_ref[...]), 0.0)
        h2 = lax.dot_general(w_ref[...], h1, (((1,), (0,)), ((), ())),
                             preferred_element_type=jnp.float32)
        o_ref[...] = di[None, :] * (h2 + b_ref[...][:, None])

    return pl.pallas_call(
        body,
        grid=(npad // bm,),
        in_specs=[
            pl.BlockSpec((NC, NS, NQ, bm), lambda i: (0, 0, 0, i)),
            pl.BlockSpec((H, bm), lambda i: (0, i)),
            pl.BlockSpec((bm,), lambda i: (i,)),
            pl.BlockSpec((H, H), lambda i: (0, 0)),
            pl.BlockSpec((H,), lambda i: (0,)),
        ],
        out_specs=pl.BlockSpec((H, bm), lambda i: (0, i)),
        out_shape=jax.ShapeDtypeStruct((H, npad), jnp.float32),
    )(s1, gt, dinv, w2p, b2p)


def _tc_out(s2, g2t, dinv, ncls, npad):
    bm = 2 * BM

    def body(s_ref, g_ref, dinv_ref, o_ref):
        di = dinv_ref[...]
        o = di[None, :] * (_assemble(s_ref) + g_ref[...])
        logits = o[:ncls, :]
        m = jnp.max(logits, axis=0, keepdims=True)
        lse = jnp.log(jnp.sum(jnp.exp(logits - m), axis=0, keepdims=True))
        o_ref[...] = logits - m - lse

    return pl.pallas_call(
        body,
        grid=(npad // bm,),
        in_specs=[
            pl.BlockSpec((NC, NS, NQ, bm), lambda i: (0, 0, 0, i)),
            pl.BlockSpec((H, bm), lambda i: (0, i)),
            pl.BlockSpec((bm,), lambda i: (i,)),
        ],
        out_specs=pl.BlockSpec((ncls, bm), lambda i: (0, i)),
        out_shape=jax.ShapeDtypeStruct((ncls, npad), jnp.float32),
    )(s2, g2t, dinv)



def kernel(x, edge_index, W1, b1, W2, b2):
    n, d = x.shape
    hid = W1.shape[0]
    ncls = W2.shape[0]
    assert hid == H

    npad = ((n + 2 * BM - 1) // (2 * BM)) * 2 * BM
    e = edge_index.shape[1]
    k2 = 1024
    unit = 2 * NC * NP * k2
    epad = ((e + unit - 1) // unit) * unit
    pairs = epad // (NP * 2 * k2)
    a2 = max(1, min(pairs - 1, round(0.75 * pairs)))
    nch0, nch1 = 2 * a2, 2 * (pairs - a2)
    epw = epad // NS

    ei = edge_index.astype(jnp.int32)
    e1 = jnp.pad(ei, ((0, 0), (0, epad - e)),
                 constant_values=n).reshape(2 * epad)

    w2p = jnp.zeros((H, H), jnp.float32).at[:ncls].set(W2)
    b2p = jnp.zeros((H,), jnp.float32).at[:ncls].set(b2)

    degp = _sc_degree(e1, epad, npad, epw)
    gt, dinv = _tc_linear1(x, W1, b1, degp, npad)
    s1 = _sc_message(gt, e1, epad, npad, nch0, nch1, k2)
    g2t = _tc_mid(s1, gt, dinv, w2p, b2p, npad)
    s2 = _sc_message(g2t, e1, epad, npad, nch0, nch1, k2)
    out_t = _tc_out(s2, g2t, dinv, ncls, npad)
    return out_t[:, :n].T

# --- scband reference (transcript-rebuilt; emitter-appended) ---
"""Pipeline reference for scband-net-66228395704885 (READ-ONLY COPY).

The authoritative reference and input builder live on the scoring server;
editing this copy changes nothing except your own understanding.
"""

import jax, jax.numpy as jnp
import numpy as np

N_NODES = 10000
D_FEAT = 256
N_EDGES = 160000
HIDDEN = 16
N_CLASSES = 7


def gcn_conv(x, edge_index, W, b):
    n = x.shape[0]
    loops = jnp.arange(n, dtype=edge_index.dtype)
    ei = jnp.concatenate([edge_index, jnp.stack([loops, loops], axis=0)], axis=1)
    x = x @ W.T + b
    row, col = ei[0], ei[1]
    deg = jnp.zeros((n,), dtype=x.dtype).at[col].add(1.0)
    deg_inv_sqrt = deg ** -0.5
    norm = deg_inv_sqrt[row] * deg_inv_sqrt[col]
    msg = norm[:, None] * jnp.take(x, row, axis=0)
    out = jnp.zeros_like(x).at[col].add(msg)
    return out


def setup_inputs(seed: int = 0) -> dict:
    key = jax.random.key(seed)
    k1, k2, k3, k4, k5, k6 = jax.random.split(key, 6)
    x = jax.random.normal(k1, (N_NODES, D_FEAT), dtype=jnp.float32)
    edge_index = jax.random.randint(k2, (2, N_EDGES), 0, N_NODES, dtype=jnp.int64)
    W1 = jax.random.normal(k3, (HIDDEN, D_FEAT), dtype=jnp.float32) * 0.05
    b1 = jnp.zeros((HIDDEN,), dtype=jnp.float32)
    W2 = jax.random.normal(k4, (N_CLASSES, HIDDEN), dtype=jnp.float32) * 0.05
    b2 = jnp.zeros((N_CLASSES,), dtype=jnp.float32)
    return {"x": x, "edge_index": edge_index, "W1": W1, "b1": b1, "W2": W2, "b2": b2}


def reference(x, edge_index, W1, b1, W2, b2):
    h = gcn_conv(x, edge_index, W1, b1)
    h = jax.nn.relu(h)
    # dropout is identity in eval mode (training=False)
    out = gcn_conv(h, edge_index, W2, b2)
    return jax.nn.log_softmax(out, axis=1)

if __name__ == "__main__":
    import jax
    _d = setup_inputs()
    print(jax.jit(kernel)(*tuple(_d.values())))

</pallas_src>

<mosaic_0001>
#map = affine_map<(d0, d1) -> (0, 0)>
#map1 = affine_map<(d0, d1) -> (0)>
#map2 = affine_map<(d0, d1) -> (0, 0, 0, 0)>
module attributes {stable_mosaic.version = 14 : i64} {
  func.func @msg_kernel(%arg0: i32, %arg1: i32, %arg2: memref<16x10240xf32, #tpu.memory_space<hbm>>, %arg3: memref<327680xi32, #tpu.memory_space<hbm>>, %arg4: memref<2x16x4x10240xf32, #tpu.memory_space<hbm>>, %arg5: memref<4x10240xf32, #tpu.memory_space<vmem>>, %arg6: memref<4x10240xf32, #tpu.memory_space<vmem>>, %arg7: memref<1024xi32, #tpu.memory_space<vmem>>, %arg8: memref<1024xi32, #tpu.memory_space<vmem>>, %arg9: memref<1024xi32, #tpu.memory_space<vmem>>, %arg10: memref<1024xi32, #tpu.memory_space<vmem>>, %arg11: memref<!tpu.dma_semaphore, #tpu.memory_space<semaphore_mem>>, %arg12: memref<!tpu.dma_semaphore, #tpu.memory_space<semaphore_mem>>, %arg13: memref<!tpu.dma_semaphore, #tpu.memory_space<semaphore_mem>>) attributes {dimension_semantics = [#tpu.dimension_semantics<core_parallel>, #tpu.dimension_semantics<subcore_parallel>], iteration_bounds = array<i64: 2, 16>, scalar_prefetch = 0 : i64, scratch_operands = 9 : i64, tpu.core_type = #tpu.core_type<sc_vector_subcore>, window_params = [{transform_indices = #map}, {transform_indices = #map1}, {transform_indices = #map2}]} {
    %jit3A = arith.constant 4 : i32
    %eq3A = arith.constant 0 : i32
    %eq3A_0 = arith.cmpi eq, %jit3A, %eq3A : i32
    %jit3A_1 = arith.constant 1 : i32
    %select_n3A = arith.select %eq3A_0, %jit3A_1, %jit3A : i32
    %rem3A = arith.remsi %arg1, %select_n3A : i32
    %ne3A = arith.constant 0 : i32
    %ne3A_2 = arith.cmpi ne, %rem3A, %ne3A : i32
    %lt3A = arith.constant 0 : i32
    %lt3A_3 = arith.cmpi slt, %rem3A, %lt3A : i32
    %lt3A_4 = arith.constant 0 : i32
    %lt3A_5 = arith.cmpi slt, %select_n3A, %lt3A_4 : i32
    %ne3A_6 = arith.xori %lt3A_3, %lt3A_5 : i1
    %and3A = arith.andi %ne3A_6, %ne3A_2 : i1
    %add3A = arith.addi %rem3A, %select_n3A : i32
    %select_n3A_7 = arith.select %and3A, %add3A, %rem3A : i32
    %jit3A_8 = arith.constant 4 : i32
    %div3A = arith.divsi %arg1, %jit3A_8 : i32
    %sign3A = arith.constant 0 : i32
    %sign3A_9 = arith.cmpi sgt, %arg1, %sign3A : i32
    %sign3A_10 = arith.extui %sign3A_9 : i1 to i32
    %sign3A_11 = arith.constant 0 : i32
    %sign3A_12 = arith.cmpi slt, %arg1, %sign3A_11 : i32
    %sign3A_13 = arith.extui %sign3A_12 : i1 to i32
    %sign3A_14 = arith.subi %sign3A_10, %sign3A_13 : i32
    %sign3A_15 = arith.constant 0 : i32
    %sign3A_16 = arith.cmpi sgt, %jit3A_8, %sign3A_15 : i32
    %sign3A_17 = arith.extui %sign3A_16 : i1 to i32
    %sign3A_18 = arith.constant 0 : i32
    %sign3A_19 = arith.cmpi slt, %jit3A_8, %sign3A_18 : i32
    %sign3A_20 = arith.extui %sign3A_19 : i1 to i32
    %sign3A_21 = arith.subi %sign3A_17, %sign3A_20 : i32
    %ne3A_22 = arith.cmpi ne, %sign3A_14, %sign3A_21 : i32
    %rem3A_23 = arith.remsi %arg1, %jit3A_8 : i32
    %ne3A_24 = arith.constant 0 : i32
    %ne3A_25 = arith.cmpi ne, %rem3A_23, %ne3A_24 : i32
    %and3A_26 = arith.andi %ne3A_22, %ne3A_25 : i1
    %sub3A = arith.constant 1 : i32
    %sub3A_27 = arith.subi %div3A, %sub3A : i32
    %select_n3A_28 = arith.select %and3A_26, %sub3A_27, %div3A : i32
    %eq3A_29 = arith.constant 0 : i32
    %eq3A_30 = arith.cmpi eq, %arg0, %eq3A_29 : i32
    %select_n3A_31 = arith.constant 10 : i32
    %select_n3A_32 = arith.constant 30 : i32
    %select_n3A_33 = arith.select %eq3A_30, %select_n3A_32, %select_n3A_31 : i32
    %eq3A_34 = arith.constant 0 : i32
    %eq3A_35 = arith.cmpi eq, %arg0, %eq3A_34 : i32
    %mul3A = arith.constant 30 : i32
    %mul3A_36 = arith.muli %select_n3A_28, %mul3A : i32
    %mul3A_37 = arith.constant 10 : i32
    %mul3A_38 = arith.muli %select_n3A_28, %mul3A_37 : i32
    %add3A_39 = arith.constant 120 : i32
    %add3A_40 = arith.addi %add3A_39, %mul3A_38 : i32
    %select_n3A_41 = arith.select %eq3A_35, %mul3A_36, %add3A_40 : i32
    %mul3A_42 = arith.constant 1024 : i32
    %mul3A_43 = arith.muli %select_n3A_41, %mul3A_42 : i32
    %mul3A_44 = arith.constant 4 : i32
    %mul3A_45 = arith.muli %select_n3A_7, %mul3A_44 : i32
    %dma_start3A = arith.constant 0 : i32
    %dma_start3A_46 = tpu.memref_slice %arg2[%mul3A_45, %dma_start3A] : memref<16x10240xf32, #tpu.memory_space<hbm>> -> memref<4x10240xf32, #tpu.memory_space<hbm>>
    %dma_start3A_47 = arith.constant 0 : i32
    %dma_start3A_48 = tpu.memref_slice %arg2[%mul3A_45, %dma_start3A_47] : memref<16x10240xf32, #tpu.memory_space<hbm>> -> memref<4x10240xf32, #tpu.memory_space<hbm>>
    tpu.enqueue_dma source(%dma_start3A_48 : memref<4x10240xf32, #tpu.memory_space<hbm>>) target(%arg5 : memref<4x10240xf32, #tpu.memory_space<vmem>>) target_semaphore(%arg11 : memref<!tpu.dma_semaphore, #tpu.memory_space<semaphore_mem>>)
    %add3A_49 = arith.constant 0 : i32
    %add3A_50 = arith.addi %mul3A_43, %add3A_49 : i32
    %dma_start3A_51 = tpu.memref_slice %arg3[%add3A_50] : memref<327680xi32, #tpu.memory_space<hbm>> -> memref<1024xi32, #tpu.memory_space<hbm>>
    %dma_start3A_52 = tpu.memref_slice %arg3[%add3A_50] : memref<327680xi32, #tpu.memory_space<hbm>> -> memref<1024xi32, #tpu.memory_space<hbm>>
    tpu.enqueue_dma source(%dma_start3A_52 : memref<1024xi32, #tpu.memory_space<hbm>>) target(%arg7 : memref<1024xi32, #tpu.memory_space<vmem>>) target_semaphore(%arg12 : memref<!tpu.dma_semaphore, #tpu.memory_space<semaphore_mem>>)
    %add3A_53 = arith.constant 163840 : i32
    %add3A_54 = arith.addi %add3A_53, %add3A_50 : i32
    %dma_start3A_55 = tpu.memref_slice %arg3[%add3A_54] : memref<327680xi32, #tpu.memory_space<hbm>> -> memref<1024xi32, #tpu.memory_space<hbm>>
    %dma_start3A_56 = tpu.memref_slice %arg3[%add3A_54] : memref<327680xi32, #tpu.memory_space<hbm>> -> memref<1024xi32, #tpu.memory_space<hbm>>
    tpu.enqueue_dma source(%dma_start3A_56 : memref<1024xi32, #tpu.memory_space<hbm>>) target(%arg9 : memref<1024xi32, #tpu.memory_space<vmem>>) target_semaphore(%arg12 : memref<!tpu.dma_semaphore, #tpu.memory_space<semaphore_mem>>)
    %parallel_loop3A = arith.constant 0 : i32
    %parallel_loop3A_57 = arith.constant 640 : i32
    %parallel_loop3A_58 = arith.constant 1 : i32
    scf.for %parallel_loop3A_104 = %parallel_loop3A to %parallel_loop3A_57 step %parallel_loop3A_58  : i32 {
      %parallel_loop3A_105 = arith.constant 0.000000e+00 : f32
      %parallel_loop3A_106 = vector.broadcast %parallel_loop3A_105 : f32 to vector<16xf32>
      %parallel_loop3A_107 = arith.constant 16 : i32
      %parallel_loop3A_108 = arith.muli %parallel_loop3A_104, %parallel_loop3A_107 : i32
      %parallel_loop3A_109 = arith.constant 0 : i32
      %parallel_loop3A_110 = arith.index_cast %parallel_loop3A_109 : i32 to index
      %parallel_loop3A_111 = arith.index_cast %parallel_loop3A_108 : i32 to index
      %parallel_loop3A_112 = tpu.vector_load %arg6[%parallel_loop3A_110, %parallel_loop3A_111] {strides = array<i32>} : memref<4x10240xf32, #tpu.memory_space<vmem>>, vector<16xf32>,
      tpu.vector_store %arg6[%parallel_loop3A_110, %parallel_loop3A_111], %parallel_loop3A_106 {strides = array<i32>} : memref<4x10240xf32, #tpu.memory_space<vmem>>, vector<16xf32>,
      %parallel_loop3A_113 = arith.constant 0.000000e+00 : f32
      %parallel_loop3A_114 = vector.broadcast %parallel_loop3A_113 : f32 to vector<16xf32>
      %parallel_loop3A_115 = arith.constant 16 : i32
      %parallel_loop3A_116 = arith.muli %parallel_loop3A_104, %parallel_loop3A_115 : i32
      %parallel_loop3A_117 = arith.constant 1 : i32
      %parallel_loop3A_118 = arith.index_cast %parallel_loop3A_117 : i32 to index
      %parallel_loop3A_119 = arith.index_cast %parallel_loop3A_116 : i32 to index
      %parallel_loop3A_120 = tpu.vector_load %arg6[%parallel_loop3A_118, %parallel_loop3A_119] {strides = array<i32>} : memref<4x10240xf32, #tpu.memory_space<vmem>>, vector<16xf32>,
      tpu.vector_store %arg6[%parallel_loop3A_118, %parallel_loop3A_119], %parallel_loop3A_114 {strides = array<i32>} : memref<4x10240xf32, #tpu.memory_space<vmem>>, vector<16xf32>,
      %parallel_loop3A_121 = arith.constant 0.000000e+00 : f32
      %parallel_loop3A_122 = vector.broadcast %parallel_loop3A_121 : f32 to vector<16xf32>
      %parallel_loop3A_123 = arith.constant 16 : i32
      %parallel_loop3A_124 = arith.muli %parallel_loop3A_104, %parallel_loop3A_123 : i32
      %parallel_loop3A_125 = arith.constant 2 : i32
      %parallel_loop3A_126 = arith.index_cast %parallel_loop3A_125 : i32 to index
      %parallel_loop3A_127 = arith.index_cast %parallel_loop3A_124 : i32 to index
      %parallel_loop3A_128 = tpu.vector_load %arg6[%parallel_loop3A_126, %parallel_loop3A_127] {strides = array<i32>} : memref<4x10240xf32, #tpu.memory_space<vmem>>, vector<16xf32>,
      tpu.vector_store %arg6[%parallel_loop3A_126, %parallel_loop3A_127], %parallel_loop3A_122 {strides = array<i32>} : memref<4x10240xf32, #tpu.memory_space<vmem>>, vector<16xf32>,
      %parallel_loop3A_129 = arith.constant 0.000000e+00 : f32
      %parallel_loop3A_130 = vector.broadcast %parallel_loop3A_129 : f32 to vector<16xf32>
      %parallel_loop3A_131 = arith.constant 16 : i32
      %parallel_loop3A_132 = arith.muli %parallel_loop3A_104, %parallel_loop3A_131 : i32
      %parallel_loop3A_133 = arith.constant 3 : i32
      %parallel_loop3A_134 = arith.index_cast %parallel_loop3A_133 : i32 to index
      %parallel_loop3A_135 = arith.index_cast %parallel_loop3A_132 : i32 to index
      %parallel_loop3A_136 = tpu.vector_load %arg6[%parallel_loop3A_134, %parallel_loop3A_135] {strides = array<i32>} : memref<4x10240xf32, #tpu.memory_space<vmem>>, vector<16xf32>,
      tpu.vector_store %arg6[%parallel_loop3A_134, %parallel_loop3A_135], %parallel_loop3A_130 {strides = array<i32>} : memref<4x10240xf32, #tpu.memory_space<vmem>>, vector<16xf32>,
    } {sc.loop_unroll_factor = 8 : i64, sc.parallel_access}
    %dma_wait3A = arith.constant 0 : i32
    %dma_wait3A_59 = arith.constant 0 : i32
    %dma_wait3A_60 = tpu.memref_slice %arg2[%dma_wait3A, %dma_wait3A_59] : memref<16x10240xf32, #tpu.memory_space<hbm>> -> memref<4x10240xf32, #tpu.memory_space<hbm>>
    %dma_wait3A_61 = arith.constant 0 : i32
    %dma_wait3A_62 = arith.constant 0 : i32
    %dma_wait3A_63 = tpu.memref_slice %arg2[%dma_wait3A_61, %dma_wait3A_62] : memref<16x10240xf32, #tpu.memory_space<hbm>> -> memref<4x10240xf32, #tpu.memory_space<hbm>>
    tpu.wait_dma2 semaphore(%arg11 : memref<!tpu.dma_semaphore, #tpu.memory_space<semaphore_mem>>) src(%dma_wait3A_63 : memref<4x10240xf32, #tpu.memory_space<hbm>>) dst(%arg5 : memref<4x10240xf32, #tpu.memory_space<vmem>>)
    %broadcast_in_dim3A = arith.constant 0 : i32
    %broadcast_in_dim3A_64 = vector.broadcast %broadcast_in_dim3A : i32 to vector<16xi32>
    %broadcast_in_dim3A_65 = arith.constant 1 : i32
    %broadcast_in_dim3A_66 = vector.broadcast %broadcast_in_dim3A_65 : i32 to vector<16xi32>
    %broadcast_in_dim3A_67 = arith.constant 2 : i32
    %broadcast_in_dim3A_68 = vector.broadcast %broadcast_in_dim3A_67 : i32 to vector<16xi32>
    %broadcast_in_dim3A_69 = arith.constant 3 : i32
    %broadcast_in_dim3A_70 = vector.broadcast %broadcast_in_dim3A_69 : i32 to vector<16xi32>
    %jit3A_71 = arith.constant 2 : i32
    %div3A_72 = arith.divsi %select_n3A_33, %jit3A_71 : i32
    %sign3A_73 = arith.constant 0 : i32
    %sign3A_74 = arith.cmpi sgt, %select_n3A_33, %sign3A_73 : i32
    %sign3A_75 = arith.extui %sign3A_74 : i1 to i32
    %sign3A_76 = arith.constant 0 : i32
    %sign3A_77 = arith.cmpi slt, %select_n3A_33, %sign3A_76 : i32
    %sign3A_78 = arith.extui %sign3A_77 : i1 to i32
    %sign3A_79 = arith.subi %sign3A_75, %sign3A_78 : i32
    %sign3A_80 = arith.constant 0 : i32
    %sign3A_81 = arith.cmpi sgt, %jit3A_71, %sign3A_80 : i32
    %sign3A_82 = arith.extui %sign3A_81 : i1 to i32
    %sign3A_83 = arith.constant 0 : i32
    %sign3A_84 = arith.cmpi slt, %jit3A_71, %sign3A_83 : i32
    %sign3A_85 = arith.extui %sign3A_84 : i1 to i32
    %sign3A_86 = arith.subi %sign3A_82, %sign3A_85 : i32
    %ne3A_87 = arith.cmpi ne, %sign3A_79, %sign3A_86 : i32
    %rem3A_88 = arith.remsi %select_n3A_33, %jit3A_71 : i32
    %ne3A_89 = arith.constant 0 : i32
    %ne3A_90 = arith.cmpi ne, %rem3A_88, %ne3A_89 : i32
    %and3A_91 = arith.andi %ne3A_87, %ne3A_90 : i1
    %sub3A_92 = arith.constant 1 : i32
    %sub3A_93 = arith.subi %div3A_72, %sub3A_92 : i32
    %select_n3A_94 = arith.select %and3A_91, %sub3A_93, %div3A_72 : i32
    %while3A = arith.constant 0 : i32
    %while3A_95 = arith.constant 0 : i32
    %while3A_96 = arith.subi %select_n3A_94, %while3A_95 : i32
    %while3A_97 = arith.addi %while3A_95, %while3A_96 : i32
    %while3A_98 = arith.constant 1 : i32
    %while3A_99 = arith.divsi %while3A_96, %while3A_98 : i32
    %while3A_100 = arith.muli %while3A_99, %while3A_98 : i32
    %while3A_101 = arith.addi %while3A_95, %while3A_100 : i32
    %while3A_102 = arith.constant 1 : i32
    scf.for %while3A_104 = %while3A_95 to %while3A_101 step %while3A_102  : i32 {
      %mul3A_105 = arith.constant 2 : i32
      %mul3A_106 = arith.muli %while3A_104, %mul3A_105 : i32
      %add3A_107 = arith.constant 1 : i32
      %add3A_108 = arith.addi %mul3A_106, %add3A_107 : i32
      %lt3A_109 = arith.cmpi slt, %add3A_108, %select_n3A_33 : i32
      %convert_element_type3A = arith.extui %lt3A_109 : i1 to i32
      %cond3A = arith.constant 0 : i32
      %cond3A_110 = arith.cmpi ne, %convert_element_type3A, %cond3A : i32
      scf.if %cond3A_110 {
        %add3A_141 = arith.constant 1 : i32
        %add3A_142 = arith.addi %mul3A_106, %add3A_141 : i32
        %mul3A_143 = arith.constant 1024 : i32
        %mul3A_144 = arith.muli %add3A_142, %mul3A_143 : i32
        %add3A_145 = arith.addi %mul3A_43, %mul3A_144 : i32
        %dma_start3A_146 = tpu.memref_slice %arg3[%add3A_145] : memref<327680xi32, #tpu.memory_space<hbm>> -> memref<1024xi32, #tpu.memory_space<hbm>>
        %dma_start3A_147 = tpu.memref_slice %arg3[%add3A_145] : memref<327680xi32, #tpu.memory_space<hbm>> -> memref<1024xi32, #tpu.memory_space<hbm>>
        tpu.enqueue_dma source(%dma_start3A_147 : memref<1024xi32, #tpu.memory_space<hbm>>) target(%arg8 : memref<1024xi32, #tpu.memory_space<vmem>>) target_semaphore(%arg13 : memref<!tpu.dma_semaphore, #tpu.memory_space<semaphore_mem>>)
        %add3A_148 = arith.constant 163840 : i32
        %add3A_149 = arith.addi %add3A_148, %add3A_145 : i32
        %dma_start3A_150 = tpu.memref_slice %arg3[%add3A_149] : memref<327680xi32, #tpu.memory_space<hbm>> -> memref<1024xi32, #tpu.memory_space<hbm>>
        %dma_start3A_151 = tpu.memref_slice %arg3[%add3A_149] : memref<327680xi32, #tpu.memory_space<hbm>> -> memref<1024xi32, #tpu.memory_space<hbm>>
        tpu.enqueue_dma source(%dma_start3A_151 : memref<1024xi32, #tpu.memory_space<hbm>>) target(%arg10 : memref<1024xi32, #tpu.memory_space<vmem>>) target_semaphore(%arg13 : memref<!tpu.dma_semaphore, #tpu.memory_space<semaphore_mem>>)
      } else {
      }
      %dma_wait3A_111 = arith.constant 0 : i32
      %dma_wait3A_112 = tpu.memref_slice %arg3[%dma_wait3A_111] : memref<327680xi32, #tpu.memory_space<hbm>> -> memref<1024xi32, #tpu.memory_space<hbm>>
      %dma_wait3A_113 = arith.constant 0 : i32
      %dma_wait3A_114 = tpu.memref_slice %arg3[%dma_wait3A_113] : memref<327680xi32, #tpu.memory_space<hbm>> -> memref<1024xi32, #tpu.memory_space<hbm>>
      tpu.wait_dma2 semaphore(%arg12 : memref<!tpu.dma_semaphore, #tpu.memory_space<semaphore_mem>>) src(%dma_wait3A_114 : memref<1024xi32, #tpu.memory_space<hbm>>) dst(%arg7 : memref<1024xi32, #tpu.memory_space<vmem>>)
      %dma_wait3A_115 = arith.constant 0 : i32
      %dma_wait3A_116 = tpu.memref_slice %arg3[%dma_wait3A_115] : memref<327680xi32, #tpu.memory_space<hbm>> -> memref<1024xi32, #tpu.memory_space<hbm>>
      %dma_wait3A_117 = arith.constant 0 : i32
      %dma_wait3A_118 = tpu.memref_slice %arg3[%dma_wait3A_117] : memref<327680xi32, #tpu.memory_space<hbm>> -> memref<1024xi32, #tpu.memory_space<hbm>>
      tpu.wait_dma2 semaphore(%arg12 : memref<!tpu.dma_semaphore, #tpu.memory_space<semaphore_mem>>) src(%dma_wait3A_118 : memref<1024xi32, #tpu.memory_space<hbm>>) dst(%arg9 : memref<1024xi32, #tpu.memory_space<vmem>>)
      %parallel_loop3A_119 = arith.constant 0 : i32
      %parallel_loop3A_120 = arith.constant 64 : i32
      %parallel_loop3A_121 = arith.constant 1 : i32
      scf.for %parallel_loop3A_141 = %parallel_loop3A_119 to %parallel_loop3A_120 step %parallel_loop3A_121  : i32 {
        %parallel_loop3A_142 = arith.constant 16 : i32
        %parallel_loop3A_143 = arith.muli %parallel_loop3A_141, %parallel_loop3A_142 : i32
        %parallel_loop3A_144 = arith.index_cast %parallel_loop3A_143 : i32 to index
        %parallel_loop3A_145 = tpu.vector_load %arg7[%parallel_loop3A_144] {strides = array<i32>} : memref<1024xi32, #tpu.memory_space<vmem>>, vector<16xi32>,
        %parallel_loop3A_146 = arith.constant 16 : i32
        %parallel_loop3A_147 = arith.muli %parallel_loop3A_141, %parallel_loop3A_146 : i32
        %parallel_loop3A_148 = arith.index_cast %parallel_loop3A_147 : i32 to index
        %parallel_loop3A_149 = tpu.vector_load %arg9[%parallel_loop3A_148] {strides = array<i32>} : memref<1024xi32, #tpu.memory_space<vmem>>, vector<16xi32>,
        %parallel_loop3A_150 = tpu.vector_load_idx %arg5[%broadcast_in_dim3A_64, %parallel_loop3A_145] : memref<4x10240xf32, #tpu.memory_space<vmem>>[vector<16xi32>, vector<16xi32>], vector<16xf32>,
        tpu.vector_store_idx %arg6[%broadcast_in_dim3A_64, %parallel_loop3A_149], %parallel_loop3A_150 {add = true} : memref<4x10240xf32, #tpu.memory_space<vmem>>[vector<16xi32>, vector<16xi32>], vector<16xf32>,
        %parallel_loop3A_151 = tpu.vector_load_idx %arg5[%broadcast_in_dim3A_66, %parallel_loop3A_145] : memref<4x10240xf32, #tpu.memory_space<vmem>>[vector<16xi32>, vector<16xi32>], vector<16xf32>,
        tpu.vector_store_idx %arg6[%broadcast_in_dim3A_66, %parallel_loop3A_149], %parallel_loop3A_151 {add = true} : memref<4x10240xf32, #tpu.memory_space<vmem>>[vector<16xi32>, vector<16xi32>], vector<16xf32>,
        %parallel_loop3A_152 = tpu.vector_load_idx %arg5[%broadcast_in_dim3A_68, %parallel_loop3A_145] : memref<4x10240xf32, #tpu.memory_space<vmem>>[vector<16xi32>, vector<16xi32>], vector<16xf32>,
        tpu.vector_store_idx %arg6[%broadcast_in_dim3A_68, %parallel_loop3A_149], %parallel_loop3A_152 {add = true} : memref<4x10240xf32, #tpu.memory_space<vmem>>[vector<16xi32>, vector<16xi32>], vector<16xf32>,
        %parallel_loop3A_153 = tpu.vector_load_idx %arg5[%broadcast_in_dim3A_70, %parallel_loop3A_145] : memref<4x10240xf32, #tpu.memory_space<vmem>>[vector<16xi32>, vector<16xi32>], vector<16xf32>,
        tpu.vector_store_idx %arg6[%broadcast_in_dim3A_70, %parallel_loop3A_149], %parallel_loop3A_153 {add = true} : memref<4x10240xf32, #tpu.memory_space<vmem>>[vector<16xi32>, vector<16xi32>], vector<16xf32>,
      } {sc.loop_unroll_factor = 8 : i64, sc.parallel_access}
      %add3A_122 = arith.constant 1 : i32
      %add3A_123 = arith.addi %mul3A_106, %add3A_122 : i32
      %add3A_124 = arith.constant 1 : i32
      %add3A_125 = arith.addi %add3A_123, %add3A_124 : i32
      %lt3A_126 = arith.cmpi slt, %add3A_125, %select_n3A_33 : i32
      %convert_element_type3A_127 = arith.extui %lt3A_126 : i1 to i32
      %cond3A_128 = arith.constant 0 : i32
      %cond3A_129 = arith.cmpi ne, %convert_element_type3A_127, %cond3A_128 : i32
      scf.if %cond3A_129 {
        %add3A_141 = arith.constant 1 : i32
        %add3A_142 = arith.addi %add3A_123, %add3A_141 : i32
        %mul3A_143 = arith.constant 1024 : i32
        %mul3A_144 = arith.muli %add3A_142, %mul3A_143 : i32
        %add3A_145 = arith.addi %mul3A_43, %mul3A_144 : i32
        %dma_start3A_146 = tpu.memref_slice %arg3[%add3A_145] : memref<327680xi32, #tpu.memory_space<hbm>> -> memref<1024xi32, #tpu.memory_space<hbm>>
        %dma_start3A_147 = tpu.memref_slice %arg3[%add3A_145] : memref<327680xi32, #tpu.memory_space<hbm>> -> memref<1024xi32, #tpu.memory_space<hbm>>
        tpu.enqueue_dma source(%dma_start3A_147 : memref<1024xi32, #tpu.memory_space<hbm>>) target(%arg7 : memref<1024xi32, #tpu.memory_space<vmem>>) target_semaphore(%arg12 : memref<!tpu.dma_semaphore, #tpu.memory_space<semaphore_mem>>)
        %add3A_148 = arith.constant 163840 : i32
        %add3A_149 = arith.addi %add3A_148, %add3A_145 : i32
        %dma_start3A_150 = tpu.memref_slice %arg3[%add3A_149] : memref<327680xi32, #tpu.memory_space<hbm>> -> memref<1024xi32, #tpu.memory_space<hbm>>
        %dma_start3A_151 = tpu.memref_slice %arg3[%add3A_149] : memref<327680xi32, #tpu.memory_space<hbm>> -> memref<1024xi32, #tpu.memory_space<hbm>>
        tpu.enqueue_dma source(%dma_start3A_151 : memref<1024xi32, #tpu.memory_space<hbm>>) target(%arg9 : memref<1024xi32, #tpu.memory_space<vmem>>) target_semaphore(%arg12 : memref<!tpu.dma_semaphore, #tpu.memory_space<semaphore_mem>>)
      } else {
      }
      %dma_wait3A_130 = arith.constant 0 : i32
      %dma_wait3A_131 = tpu.memref_slice %arg3[%dma_wait3A_130] : memref<327680xi32, #tpu.memory_space<hbm>> -> memref<1024xi32, #tpu.memory_space<hbm>>
      %dma_wait3A_132 = arith.constant 0 : i32
      %dma_wait3A_133 = tpu.memref_slice %arg3[%dma_wait3A_132] : memref<327680xi32, #tpu.memory_space<hbm>> -> memref<1024xi32, #tpu.memory_space<hbm>>
      tpu.wait_dma2 semaphore(%arg13 : memref<!tpu.dma_semaphore, #tpu.memory_space<semaphore_mem>>) src(%dma_wait3A_133 : memref<1024xi32, #tpu.memory_space<hbm>>) dst(%arg8 : memref<1024xi32, #tpu.memory_space<vmem>>)
      %dma_wait3A_134 = arith.constant 0 : i32
      %dma_wait3A_135 = tpu.memref_slice %arg3[%dma_wait3A_134] : memref<327680xi32, #tpu.memory_space<hbm>> -> memref<1024xi32, #tpu.memory_space<hbm>>
      %dma_wait3A_136 = arith.constant 0 : i32
      %dma_wait3A_137 = tpu.memref_slice %arg3[%dma_wait3A_136] : memref<327680xi32, #tpu.memory_space<hbm>> -> memref<1024xi32, #tpu.memory_space<hbm>>
      tpu.wait_dma2 semaphore(%arg13 : memref<!tpu.dma_semaphore, #tpu.memory_space<semaphore_mem>>) src(%dma_wait3A_137 : memref<1024xi32, #tpu.memory_space<hbm>>) dst(%arg10 : memref<1024xi32, #tpu.memory_space<vmem>>)
      %parallel_loop3A_138 = arith.constant 0 : i32
      %parallel_loop3A_139 = arith.constant 64 : i32
      %parallel_loop3A_140 = arith.constant 1 : i32
      scf.for %parallel_loop3A_141 = %parallel_loop3A_138 to %parallel_loop3A_139 step %parallel_loop3A_140  : i32 {
        %parallel_loop3A_142 = arith.constant 16 : i32
        %parallel_loop3A_143 = arith.muli %parallel_loop3A_141, %parallel_loop3A_142 : i32
        %parallel_loop3A_144 = arith.index_cast %parallel_loop3A_143 : i32 to index
        %parallel_loop3A_145 = tpu.vector_load %arg8[%parallel_loop3A_144] {strides = array<i32>} : memref<1024xi32, #tpu.memory_space<vmem>>, vector<16xi32>,
        %parallel_loop3A_146 = arith.constant 16 : i32
        %parallel_loop3A_147 = arith.muli %parallel_loop3A_141, %parallel_loop3A_146 : i32
        %parallel_loop3A_148 = arith.index_cast %parallel_loop3A_147 : i32 to index
        %parallel_loop3A_149 = tpu.vector_load %arg10[%parallel_loop3A_148] {strides = array<i32>} : memref<1024xi32, #tpu.memory_space<vmem>>, vector<16xi32>,
        %parallel_loop3A_150 = tpu.vector_load_idx %arg5[%broadcast_in_dim3A_64, %parallel_loop3A_145] : memref<4x10240xf32, #tpu.memory_space<vmem>>[vector<16xi32>, vector<16xi32>], vector<16xf32>,
        tpu.vector_store_idx %arg6[%broadcast_in_dim3A_64, %parallel_loop3A_149], %parallel_loop3A_150 {add = true} : memref<4x10240xf32, #tpu.memory_space<vmem>>[vector<16xi32>, vector<16xi32>], vector<16xf32>,
        %parallel_loop3A_151 = tpu.vector_load_idx %arg5[%broadcast_in_dim3A_66, %parallel_loop3A_145] : memref<4x10240xf32, #tpu.memory_space<vmem>>[vector<16xi32>, vector<16xi32>], vector<16xf32>,
        tpu.vector_store_idx %arg6[%broadcast_in_dim3A_66, %parallel_loop3A_149], %parallel_loop3A_151 {add = true} : memref<4x10240xf32, #tpu.memory_space<vmem>>[vector<16xi32>, vector<16xi32>], vector<16xf32>,
        %parallel_loop3A_152 = tpu.vector_load_idx %arg5[%broadcast_in_dim3A_68, %parallel_loop3A_145] : memref<4x10240xf32, #tpu.memory_space<vmem>>[vector<16xi32>, vector<16xi32>], vector<16xf32>,
        tpu.vector_store_idx %arg6[%broadcast_in_dim3A_68, %parallel_loop3A_149], %parallel_loop3A_152 {add = true} : memref<4x10240xf32, #tpu.memory_space<vmem>>[vector<16xi32>, vector<16xi32>], vector<16xf32>,
        %parallel_loop3A_153 = tpu.vector_load_idx %arg5[%broadcast_in_dim3A_70, %parallel_loop3A_145] : memref<4x10240xf32, #tpu.memory_space<vmem>>[vector<16xi32>, vector<16xi32>], vector<16xf32>,
        tpu.vector_store_idx %arg6[%broadcast_in_dim3A_70, %parallel_loop3A_149], %parallel_loop3A_153 {add = true} : memref<4x10240xf32, #tpu.memory_space<vmem>>[vector<16xi32>, vector<16xi32>], vector<16xf32>,
      } {sc.loop_unroll_factor = 8 : i64, sc.parallel_access}
    }
    %while3A_103 = arith.constant 1 : i32
    scf.for %while3A_104 = %while3A_101 to %while3A_97 step %while3A_103  : i32 {
      %mul3A_105 = arith.constant 2 : i32
      %mul3A_106 = arith.muli %while3A_104, %mul3A_105 : i32
      %add3A_107 = arith.constant 1 : i32
      %add3A_108 = arith.addi %mul3A_106, %add3A_107 : i32
      %lt3A_109 = arith.cmpi slt, %add3A_108, %select_n3A_33 : i32
      %convert_element_type3A = arith.extui %lt3A_109 : i1 to i32
      %cond3A = arith.constant 0 : i32
      %cond3A_110 = arith.cmpi ne, %convert_element_type3A, %cond3A : i32
      scf.if %cond3A_110 {
        %add3A_141 = arith.constant 1 : i32
        %add3A_142 = arith.addi %mul3A_106, %add3A_141 : i32
        %mul3A_143 = arith.constant 1024 : i32
        %mul3A_144 = arith.muli %add3A_142, %mul3A_143 : i32
        %add3A_145 = arith.addi %mul3A_43, %mul3A_144 : i32
        %dma_start3A_146 = tpu.memref_slice %arg3[%add3A_145] : memref<327680xi32, #tpu.memory_space<hbm>> -> memref<1024xi32, #tpu.memory_space<hbm>>
        %dma_start3A_147 = tpu.memref_slice %arg3[%add3A_145] : memref<327680xi32, #tpu.memory_space<hbm>> -> memref<1024xi32, #tpu.memory_space<hbm>>
        tpu.enqueue_dma source(%dma_start3A_147 : memref<1024xi32, #tpu.memory_space<hbm>>) target(%arg8 : memref<1024xi32, #tpu.memory_space<vmem>>) target_semaphore(%arg13 : memref<!tpu.dma_semaphore, #tpu.memory_space<semaphore_mem>>)
        %add3A_148 = arith.constant 163840 : i32
        %add3A_149 = arith.addi %add3A_148, %add3A_145 : i32
        %dma_start3A_150 = tpu.memref_slice %arg3[%add3A_149] : memref<327680xi32, #tpu.memory_space<hbm>> -> memref<1024xi32, #tpu.memory_space<hbm>>
        %dma_start3A_151 = tpu.memref_slice %arg3[%add3A_149] : memref<327680xi32, #tpu.memory_space<hbm>> -> memref<1024xi32, #tpu.memory_space<hbm>>
        tpu.enqueue_dma source(%dma_start3A_151 : memref<1024xi32, #tpu.memory_space<hbm>>) target(%arg10 : memref<1024xi32, #tpu.memory_space<vmem>>) target_semaphore(%arg13 : memref<!tpu.dma_semaphore, #tpu.memory_space<semaphore_mem>>)
      } else {
      }
      %dma_wait3A_111 = arith.constant 0 : i32
      %dma_wait3A_112 = tpu.memref_slice %arg3[%dma_wait3A_111] : memref<327680xi32, #tpu.memory_space<hbm>> -> memref<1024xi32, #tpu.memory_space<hbm>>
      %dma_wait3A_113 = arith.constant 0 : i32
      %dma_wait3A_114 = tpu.memref_slice %arg3[%dma_wait3A_113] : memref<327680xi32, #tpu.memory_space<hbm>> -> memref<1024xi32, #tpu.memory_space<hbm>>
      tpu.wait_dma2 semaphore(%arg12 : memref<!tpu.dma_semaphore, #tpu.memory_space<semaphore_mem>>) src(%dma_wait3A_114 : memref<1024xi32, #tpu.memory_space<hbm>>) dst(%arg7 : memref<1024xi32, #tpu.memory_space<vmem>>)
      %dma_wait3A_115 = arith.constant 0 : i32
      %dma_wait3A_116 = tpu.memref_slice %arg3[%dma_wait3A_115] : memref<327680xi32, #tpu.memory_space<hbm>> -> memref<1024xi32, #tpu.memory_space<hbm>>
      %dma_wait3A_117 = arith.constant 0 : i32
      %dma_wait3A_118 = tpu.memref_slice %arg3[%dma_wait3A_117] : memref<327680xi32, #tpu.memory_space<hbm>> -> memref<1024xi32, #tpu.memory_space<hbm>>
      tpu.wait_dma2 semaphore(%arg12 : memref<!tpu.dma_semaphore, #tpu.memory_space<semaphore_mem>>) src(%dma_wait3A_118 : memref<1024xi32, #tpu.memory_space<hbm>>) dst(%arg9 : memref<1024xi32, #tpu.memory_space<vmem>>)
      %parallel_loop3A_119 = arith.constant 0 : i32
      %parallel_loop3A_120 = arith.constant 64 : i32
      %parallel_loop3A_121 = arith.constant 1 : i32
      scf.for %parallel_loop3A_141 = %parallel_loop3A_119 to %parallel_loop3A_120 step %parallel_loop3A_121  : i32 {
        %parallel_loop3A_142 = arith.constant 16 : i32
        %parallel_loop3A_143 = arith.muli %parallel_loop3A_141, %parallel_loop3A_142 : i32
        %parallel_loop3A_144 = arith.index_cast %parallel_loop3A_143 : i32 to index
        %parallel_loop3A_145 = tpu.vector_load %arg7[%parallel_loop3A_144] {strides = array<i32>} : memref<1024xi32, #tpu.memory_space<vmem>>, vector<16xi32>,
        %parallel_loop3A_146 = arith.constant 16 : i32
        %parallel_loop3A_147 = arith.muli %parallel_loop3A_141, %parallel_loop3A_146 : i32
        %parallel_loop3A_148 = arith.index_cast %parallel_loop3A_147 : i32 to index
        %parallel_loop3A_149 = tpu.vector_load %arg9[%parallel_loop3A_148] {strides = array<i32>} : memref<1024xi32, #tpu.memory_space<vmem>>, vector<16xi32>,
        %parallel_loop3A_150 = tpu.vector_load_idx %arg5[%broadcast_in_dim3A_64, %parallel_loop3A_145] : memref<4x10240xf32, #tpu.memory_space<vmem>>[vector<16xi32>, vector<16xi32>], vector<16xf32>,
        tpu.vector_store_idx %arg6[%broadcast_in_dim3A_64, %parallel_loop3A_149], %parallel_loop3A_150 {add = true} : memref<4x10240xf32, #tpu.memory_space<vmem>>[vector<16xi32>, vector<16xi32>], vector<16xf32>,
        %parallel_loop3A_151 = tpu.vector_load_idx %arg5[%broadcast_in_dim3A_66, %parallel_loop3A_145] : memref<4x10240xf32, #tpu.memory_space<vmem>>[vector<16xi32>, vector<16xi32>], vector<16xf32>,
        tpu.vector_store_idx %arg6[%broadcast_in_dim3A_66, %parallel_loop3A_149], %parallel_loop3A_151 {add = true} : memref<4x10240xf32, #tpu.memory_space<vmem>>[vector<16xi32>, vector<16xi32>], vector<16xf32>,
        %parallel_loop3A_152 = tpu.vector_load_idx %arg5[%broadcast_in_dim3A_68, %parallel_loop3A_145] : memref<4x10240xf32, #tpu.memory_space<vmem>>[vector<16xi32>, vector<16xi32>], vector<16xf32>,
        tpu.vector_store_idx %arg6[%broadcast_in_dim3A_68, %parallel_loop3A_149], %parallel_loop3A_152 {add = true} : memref<4x10240xf32, #tpu.memory_space<vmem>>[vector<16xi32>, vector<16xi32>], vector<16xf32>,
        %parallel_loop3A_153 = tpu.vector_load_idx %arg5[%broadcast_in_dim3A_70, %parallel_loop3A_145] : memref<4x10240xf32, #tpu.memory_space<vmem>>[vector<16xi32>, vector<16xi32>], vector<16xf32>,
        tpu.vector_store_idx %arg6[%broadcast_in_dim3A_70, %parallel_loop3A_149], %parallel_loop3A_153 {add = true} : memref<4x10240xf32, #tpu.memory_space<vmem>>[vector<16xi32>, vector<16xi32>], vector<16xf32>,
      } {sc.loop_unroll_factor = 8 : i64, sc.parallel_access}
      %add3A_122 = arith.constant 1 : i32
      %add3A_123 = arith.addi %mul3A_106, %add3A_122 : i32
      %add3A_124 = arith.constant 1 : i32
      %add3A_125 = arith.addi %add3A_123, %add3A_124 : i32
      %lt3A_126 = arith.cmpi slt, %add3A_125, %select_n3A_33 : i32
      %convert_element_type3A_127 = arith.extui %lt3A_126 : i1 to i32
      %cond3A_128 = arith.constant 0 : i32
      %cond3A_129 = arith.cmpi ne, %convert_element_type3A_127, %cond3A_128 : i32
      scf.if %cond3A_129 {
        %add3A_141 = arith.constant 1 : i32
        %add3A_142 = arith.addi %add3A_123, %add3A_141 : i32
        %mul3A_143 = arith.constant 1024 : i32
        %mul3A_144 = arith.muli %add3A_142, %mul3A_143 : i32
        %add3A_145 = arith.addi %mul3A_43, %mul3A_144 : i32
        %dma_start3A_146 = tpu.memref_slice %arg3[%add3A_145] : memref<327680xi32, #tpu.memory_space<hbm>> -> memref<1024xi32, #tpu.memory_space<hbm>>
        %dma_start3A_147 = tpu.memref_slice %arg3[%add3A_145] : memref<327680xi32, #tpu.memory_space<hbm>> -> memref<1024xi32, #tpu.memory_space<hbm>>
        tpu.enqueue_dma source(%dma_start3A_147 : memref<1024xi32, #tpu.memory_space<hbm>>) target(%arg7 : memref<1024xi32, #tpu.memory_space<vmem>>) target_semaphore(%arg12 : memref<!tpu.dma_semaphore, #tpu.memory_space<semaphore_mem>>)
        %add3A_148 = arith.constant 163840 : i32
        %add3A_149 = arith.addi %add3A_148, %add3A_145 : i32
        %dma_start3A_150 = tpu.memref_slice %arg3[%add3A_149] : memref<327680xi32, #tpu.memory_space<hbm>> -> memref<1024xi32, #tpu.memory_space<hbm>>
        %dma_start3A_151 = tpu.memref_slice %arg3[%add3A_149] : memref<327680xi32, #tpu.memory_space<hbm>> -> memref<1024xi32, #tpu.memory_space<hbm>>
        tpu.enqueue_dma source(%dma_start3A_151 : memref<1024xi32, #tpu.memory_space<hbm>>) target(%arg9 : memref<1024xi32, #tpu.memory_space<vmem>>) target_semaphore(%arg12 : memref<!tpu.dma_semaphore, #tpu.memory_space<semaphore_mem>>)
      } else {
      }
      %dma_wait3A_130 = arith.constant 0 : i32
      %dma_wait3A_131 = tpu.memref_slice %arg3[%dma_wait3A_130] : memref<327680xi32, #tpu.memory_space<hbm>> -> memref<1024xi32, #tpu.memory_space<hbm>>
      %dma_wait3A_132 = arith.constant 0 : i32
      %dma_wait3A_133 = tpu.memref_slice %arg3[%dma_wait3A_132] : memref<327680xi32, #tpu.memory_space<hbm>> -> memref<1024xi32, #tpu.memory_space<hbm>>
      tpu.wait_dma2 semaphore(%arg13 : memref<!tpu.dma_semaphore, #tpu.memory_space<semaphore_mem>>) src(%dma_wait3A_133 : memref<1024xi32, #tpu.memory_space<hbm>>) dst(%arg8 : memref<1024xi32, #tpu.memory_space<vmem>>)
      %dma_wait3A_134 = arith.constant 0 : i32
      %dma_wait3A_135 = tpu.memref_slice %arg3[%dma_wait3A_134] : memref<327680xi32, #tpu.memory_space<hbm>> -> memref<1024xi32, #tpu.memory_space<hbm>>
      %dma_wait3A_136 = arith.constant 0 : i32
      %dma_wait3A_137 = tpu.memref_slice %arg3[%dma_wait3A_136] : memref<327680xi32, #tpu.memory_space<hbm>> -> memref<1024xi32, #tpu.memory_space<hbm>>
      tpu.wait_dma2 semaphore(%arg13 : memref<!tpu.dma_semaphore, #tpu.memory_space<semaphore_mem>>) src(%dma_wait3A_137 : memref<1024xi32, #tpu.memory_space<hbm>>) dst(%arg10 : memref<1024xi32, #tpu.memory_space<vmem>>)
      %parallel_loop3A_138 = arith.constant 0 : i32
      %parallel_loop3A_139 = arith.constant 64 : i32
      %parallel_loop3A_140 = arith.constant 1 : i32
      scf.for %parallel_loop3A_141 = %parallel_loop3A_138 to %parallel_loop3A_139 step %parallel_loop3A_140  : i32 {
        %parallel_loop3A_142 = arith.constant 16 : i32
        %parallel_loop3A_143 = arith.muli %parallel_loop3A_141, %parallel_loop3A_142 : i32
        %parallel_loop3A_144 = arith.index_cast %parallel_loop3A_143 : i32 to index
        %parallel_loop3A_145 = tpu.vector_load %arg8[%parallel_loop3A_144] {strides = array<i32>} : memref<1024xi32, #tpu.memory_space<vmem>>, vector<16xi32>,
        %parallel_loop3A_146 = arith.constant 16 : i32
        %parallel_loop3A_147 = arith.muli %parallel_loop3A_141, %parallel_loop3A_146 : i32
        %parallel_loop3A_148 = arith.index_cast %parallel_loop3A_147 : i32 to index
        %parallel_loop3A_149 = tpu.vector_load %arg10[%parallel_loop3A_148] {strides = array<i32>} : memref<1024xi32, #tpu.memory_space<vmem>>, vector<16xi32>,
        %parallel_loop3A_150 = tpu.vector_load_idx %arg5[%broadcast_in_dim3A_64, %parallel_loop3A_145] : memref<4x10240xf32, #tpu.memory_space<vmem>>[vector<16xi32>, vector<16xi32>], vector<16xf32>,
        tpu.vector_store_idx %arg6[%broadcast_in_dim3A_64, %parallel_loop3A_149], %parallel_loop3A_150 {add = true} : memref<4x10240xf32, #tpu.memory_space<vmem>>[vector<16xi32>, vector<16xi32>], vector<16xf32>,
        %parallel_loop3A_151 = tpu.vector_load_idx %arg5[%broadcast_in_dim3A_66, %parallel_loop3A_145] : memref<4x10240xf32, #tpu.memory_space<vmem>>[vector<16xi32>, vector<16xi32>], vector<16xf32>,
        tpu.vector_store_idx %arg6[%broadcast_in_dim3A_66, %parallel_loop3A_149], %parallel_loop3A_151 {add = true} : memref<4x10240xf32, #tpu.memory_space<vmem>>[vector<16xi32>, vector<16xi32>], vector<16xf32>,
        %parallel_loop3A_152 = tpu.vector_load_idx %arg5[%broadcast_in_dim3A_68, %parallel_loop3A_145] : memref<4x10240xf32, #tpu.memory_space<vmem>>[vector<16xi32>, vector<16xi32>], vector<16xf32>,
        tpu.vector_store_idx %arg6[%broadcast_in_dim3A_68, %parallel_loop3A_149], %parallel_loop3A_152 {add = true} : memref<4x10240xf32, #tpu.memory_space<vmem>>[vector<16xi32>, vector<16xi32>], vector<16xf32>,
        %parallel_loop3A_153 = tpu.vector_load_idx %arg5[%broadcast_in_dim3A_70, %parallel_loop3A_145] : memref<4x10240xf32, #tpu.memory_space<vmem>>[vector<16xi32>, vector<16xi32>], vector<16xf32>,
        tpu.vector_store_idx %arg6[%broadcast_in_dim3A_70, %parallel_loop3A_149], %parallel_loop3A_153 {add = true} : memref<4x10240xf32, #tpu.memory_space<vmem>>[vector<16xi32>, vector<16xi32>], vector<16xf32>,
      } {sc.loop_unroll_factor = 8 : i64, sc.parallel_access}
    }
    "tpu.region"() ({
      %run_scoped3A = tpu.sem_alloc : memref<!tpu.dma_semaphore, #tpu.memory_space<semaphore_mem>>
      %dma_start3A_104 = arith.constant 0 : i32
      %dma_start3A_105 = arith.constant 0 : i32
      %dma_start3A_106 = tpu.memref_slice %arg4[%arg0, %arg1, %dma_start3A_104, %dma_start3A_105] : memref<2x16x4x10240xf32, #tpu.memory_space<hbm>> -> memref<1x1x4x10240xf32, #tpu.memory_space<hbm>>
      %dma_start3A_107 = tpu.memref_squeeze %dma_start3A_106 : memref<1x1x4x10240xf32, #tpu.memory_space<hbm>> -> memref<4x10240xf32, #tpu.memory_space<hbm>>
      %dma_start3A_108 = arith.constant 0 : i32
      %dma_start3A_109 = arith.constant 0 : i32
      %dma_start3A_110 = tpu.memref_slice %arg4[%arg0, %arg1, %dma_start3A_108, %dma_start3A_109] : memref<2x16x4x10240xf32, #tpu.memory_space<hbm>> -> memref<1x1x4x10240xf32, #tpu.memory_space<hbm>>
      %dma_start3A_111 = tpu.memref_squeeze %dma_start3A_110 : memref<1x1x4x10240xf32, #tpu.memory_space<hbm>> -> memref<4x10240xf32, #tpu.memory_space<hbm>>
      tpu.enqueue_dma source(%arg6 : memref<4x10240xf32, #tpu.memory_space<vmem>>) target(%dma_start3A_111 : memref<4x10240xf32, #tpu.memory_space<hbm>>) target_semaphore(%run_scoped3A : memref<!tpu.dma_semaphore, #tpu.memory_space<semaphore_mem>>)
      %dma_wait3A_112 = arith.constant 0 : i32
      %dma_wait3A_113 = arith.constant 0 : i32
      %dma_wait3A_114 = tpu.memref_slice %arg4[%arg0, %arg1, %dma_wait3A_112, %dma_wait3A_113] : memref<2x16x4x10240xf32, #tpu.memory_space<hbm>> -> memref<1x1x4x10240xf32, #tpu.memory_space<hbm>>
      %dma_wait3A_115 = tpu.memref_squeeze %dma_wait3A_114 : memref<1x1x4x10240xf32, #tpu.memory_space<hbm>> -> memref<4x10240xf32, #tpu.memory_space<hbm>>
      %dma_wait3A_116 = arith.constant 0 : i32
      %dma_wait3A_117 = arith.constant 0 : i32
      %dma_wait3A_118 = tpu.memref_slice %arg4[%arg0, %arg1, %dma_wait3A_116, %dma_wait3A_117] : memref<2x16x4x10240xf32, #tpu.memory_space<hbm>> -> memref<1x1x4x10240xf32, #tpu.memory_space<hbm>>
      %dma_wait3A_119 = tpu.memref_squeeze %dma_wait3A_118 : memref<1x1x4x10240xf32, #tpu.memory_space<hbm>> -> memref<4x10240xf32, #tpu.memory_space<hbm>>
      tpu.wait_dma2 semaphore(%run_scoped3A : memref<!tpu.dma_semaphore, #tpu.memory_space<semaphore_mem>>) src(%arg6 : memref<4x10240xf32, #tpu.memory_space<vmem>>) dst(%dma_wait3A_119 : memref<4x10240xf32, #tpu.memory_space<hbm>>)
      tpu.yield
    }) : () -> ()
    return
  }
}

#map = affine_map<(d0, d1) -> (0, 0)>
#map1 = affine_map<(d0, d1) -> (0)>
#map2 = affine_map<(d0, d1) -> (0, 0, 0, 0)>
module attributes {stable_mosaic.version = 14 : i64} {
  func.func @msg_kernel(%arg0: i32, %arg1: i32, %arg2: memref<16x10240xf32, #tpu.memory_space<hbm>>, %arg3: memref<327680xi32, #tpu.memory_space<hbm>>, %arg4: memref<2x16x4x10240xf32, #tpu.memory_space<hbm>>, %arg5: memref<4x10240xf32, #tpu.memory_space<vmem>>, %arg6: memref<4x10240xf32, #tpu.memory_space<vmem>>, %arg7: memref<1024xi32, #tpu.memory_space<vmem>>, %arg8: memref<1024xi32, #tpu.memory_space<vmem>>, %arg9: memref<1024xi32, #tpu.memory_space<vmem>>, %arg10: memref<1024xi32, #tpu.memory_space<vmem>>, %arg11: memref<!tpu.dma_semaphore, #tpu.memory_space<semaphore_mem>>, %arg12: memref<!tpu.dma_semaphore, #tpu.memory_space<semaphore_mem>>, %arg13: memref<!tpu.dma_semaphore, #tpu.memory_space<semaphore_mem>>) attributes {dimension_semantics = [#tpu.dimension_semantics<core_parallel>, #tpu.dimension_semantics<subcore_parallel>], iteration_bounds = array<i64: 2, 16>, scalar_prefetch = 0 : i64, scratch_operands = 9 : i64, tpu.core_type = #tpu.core_type<sc_vector_subcore>, window_params = [{transform_indices = #map}, {transform_indices = #map1}, {transform_indices = #map2}]} {
    %jit3A = arith.constant 4 : i32
    %eq3A = arith.constant 0 : i32
    %eq3A_0 = arith.cmpi eq, %jit3A, %eq3A : i32
    %jit3A_1 = arith.constant 1 : i32
    %select_n3A = arith.select %eq3A_0, %jit3A_1, %jit3A : i32
    %rem3A = arith.remsi %arg1, %select_n3A : i32
    %ne3A = arith.constant 0 : i32
    %ne3A_2 = arith.cmpi ne, %rem3A, %ne3A : i32
    %lt3A = arith.constant 0 : i32
    %lt3A_3 = arith.cmpi slt, %rem3A, %lt3A : i32
    %lt3A_4 = arith.constant 0 : i32
    %lt3A_5 = arith.cmpi slt, %select_n3A, %lt3A_4 : i32
    %ne3A_6 = arith.xori %lt3A_3, %lt3A_5 : i1
    %and3A = arith.andi %ne3A_6, %ne3A_2 : i1
    %add3A = arith.addi %rem3A, %select_n3A : i32
    %select_n3A_7 = arith.select %and3A, %add3A, %rem3A : i32
    %jit3A_8 = arith.constant 4 : i32
    %div3A = arith.divsi %arg1, %jit3A_8 : i32
    %sign3A = arith.constant 0 : i32
    %sign3A_9 = arith.cmpi sgt, %arg1, %sign3A : i32
    %sign3A_10 = arith.extui %sign3A_9 : i1 to i32
    %sign3A_11 = arith.constant 0 : i32
    %sign3A_12 = arith.cmpi slt, %arg1, %sign3A_11 : i32
    %sign3A_13 = arith.extui %sign3A_12 : i1 to i32
    %sign3A_14 = arith.subi %sign3A_10, %sign3A_13 : i32
    %sign3A_15 = arith.constant 0 : i32
    %sign3A_16 = arith.cmpi sgt, %jit3A_8, %sign3A_15 : i32
    %sign3A_17 = arith.extui %sign3A_16 : i1 to i32
    %sign3A_18 = arith.constant 0 : i32
    %sign3A_19 = arith.cmpi slt, %jit3A_8, %sign3A_18 : i32
    %sign3A_20 = arith.extui %sign3A_19 : i1 to i32
    %sign3A_21 = arith.subi %sign3A_17, %sign3A_20 : i32
    %ne3A_22 = arith.cmpi ne, %sign3A_14, %sign3A_21 : i32
    %rem3A_23 = arith.remsi %arg1, %jit3A_8 : i32
    %ne3A_24 = arith.constant 0 : i32
    %ne3A_25 = arith.cmpi ne, %rem3A_23, %ne3A_24 : i32
    %and3A_26 = arith.andi %ne3A_22, %ne3A_25 : i1
    %sub3A = arith.constant 1 : i32
    %sub3A_27 = arith.subi %div3A, %sub3A : i32
    %select_n3A_28 = arith.select %and3A_26, %sub3A_27, %div3A : i32
    %eq3A_29 = arith.constant 0 : i32
    %eq3A_30 = arith.cmpi eq, %arg0, %eq3A_29 : i32
    %select_n3A_31 = arith.constant 10 : i32
    %select_n3A_32 = arith.constant 30 : i32
    %select_n3A_33 = arith.select %eq3A_30, %select_n3A_32, %select_n3A_31 : i32
    %eq3A_34 = arith.constant 0 : i32
    %eq3A_35 = arith.cmpi eq, %arg0, %eq3A_34 : i32
    %mul3A = arith.constant 30 : i32
    %mul3A_36 = arith.muli %select_n3A_28, %mul3A : i32
    %mul3A_37 = arith.constant 10 : i32
    %mul3A_38 = arith.muli %select_n3A_28, %mul3A_37 : i32
    %add3A_39 = arith.constant 120 : i32
    %add3A_40 = arith.addi %add3A_39, %mul3A_38 : i32
    %select_n3A_41 = arith.select %eq3A_35, %mul3A_36, %add3A_40 : i32
    %mul3A_42 = arith.constant 1024 : i32
    %mul3A_43 = arith.muli %select_n3A_41, %mul3A_42 : i32
    %mul3A_44 = arith.constant 4 : i32
    %mul3A_45 = arith.muli %select_n3A_7, %mul3A_44 : i32
    %dma_start3A = arith.constant 0 : i32
    %dma_start3A_46 = tpu.memref_slice %arg2[%mul3A_45, %dma_start3A] : memref<16x10240xf32, #tpu.memory_space<hbm>> -> memref<4x10240xf32, #tpu.memory_space<hbm>>
    %dma_start3A_47 = arith.constant 0 : i32
    %dma_start3A_48 = tpu.memref_slice %arg2[%mul3A_45, %dma_start3A_47] : memref<16x10240xf32, #tpu.memory_space<hbm>> -> memref<4x10240xf32, #tpu.memory_space<hbm>>
    tpu.enqueue_dma source(%dma_start3A_48 : memref<4x10240xf32, #tpu.memory_space<hbm>>) target(%arg5 : memref<4x10240xf32, #tpu.memory_space<vmem>>) target_semaphore(%arg11 : memref<!tpu.dma_semaphore, #tpu.memory_space<semaphore_mem>>)
    %add3A_49 = arith.constant 0 : i32
    %add3A_50 = arith.addi %mul3A_43, %add3A_49 : i32
    %dma_start3A_51 = tpu.memref_slice %arg3[%add3A_50] : memref<327680xi32, #tpu.memory_space<hbm>> -> memref<1024xi32, #tpu.memory_space<hbm>>
    %dma_start3A_52 = tpu.memref_slice %arg3[%add3A_50] : memref<327680xi32, #tpu.memory_space<hbm>> -> memref<1024xi32, #tpu.memory_space<hbm>>
    tpu.enqueue_dma source(%dma_start3A_52 : memref<1024xi32, #tpu.memory_space<hbm>>) target(%arg7 : memref<1024xi32, #tpu.memory_space<vmem>>) target_semaphore(%arg12 : memref<!tpu.dma_semaphore, #tpu.memory_space<semaphore_mem>>)
    %add3A_53 = arith.constant 163840 : i32
    %add3A_54 = arith.addi %add3A_53, %add3A_50 : i32
    %dma_start3A_55 = tpu.memref_slice %arg3[%add3A_54] : memref<327680xi32, #tpu.memory_space<hbm>> -> memref<1024xi32, #tpu.memory_space<hbm>>
    %dma_start3A_56 = tpu.memref_slice %arg3[%add3A_54] : memref<327680xi32, #tpu.memory_space<hbm>> -> memref<1024xi32, #tpu.memory_space<hbm>>
    tpu.enqueue_dma source(%dma_start3A_56 : memref<1024xi32, #tpu.memory_space<hbm>>) target(%arg9 : memref<1024xi32, #tpu.memory_space<vmem>>) target_semaphore(%arg12 : memref<!tpu.dma_semaphore, #tpu.memory_space<semaphore_mem>>)
    %parallel_loop3A = arith.constant 0 : i32
    %parallel_loop3A_57 = arith.constant 640 : i32
    %parallel_loop3A_58 = arith.constant 1 : i32
    scf.for %parallel_loop3A_104 = %parallel_loop3A to %parallel_loop3A_57 step %parallel_loop3A_58  : i32 {
      %parallel_loop3A_105 = arith.constant 0.000000e+00 : f32
      %parallel_loop3A_106 = vector.broadcast %parallel_loop3A_105 : f32 to vector<16xf32>
      %parallel_loop3A_107 = arith.constant 16 : i32
      %parallel_loop3A_108 = arith.muli %parallel_loop3A_104, %parallel_loop3A_107 : i32
      %parallel_loop3A_109 = arith.constant 0 : i32
      %parallel_loop3A_110 = arith.index_cast %parallel_loop3A_109 : i32 to index
      %parallel_loop3A_111 = arith.index_cast %parallel_loop3A_108 : i32 to index
      %parallel_loop3A_112 = tpu.vector_load %arg6[%parallel_loop3A_110, %parallel_loop3A_111] {strides = array<i32>} : memref<4x10240xf32, #tpu.memory_space<vmem>>, vector<16xf32>,
      tpu.vector_store %arg6[%parallel_loop3A_110, %parallel_loop3A_111], %parallel_loop3A_106 {strides = array<i32>} : memref<4x10240xf32, #tpu.memory_space<vmem>>, vector<16xf32>,
      %parallel_loop3A_113 = arith.constant 0.000000e+00 : f32
      %parallel_loop3A_114 = vector.broadcast %parallel_loop3A_113 : f32 to vector<16xf32>
      %parallel_loop3A_115 = arith.constant 16 : i32
      %parallel_loop3A_116 = arith.muli %parallel_loop3A_104, %parallel_loop3A_115 : i32
      %parallel_loop3A_117 = arith.constant 1 : i32
      %parallel_loop3A_118 = arith.index_cast %parallel_loop3A_117 : i32 to index
      %parallel_loop3A_119 = arith.index_cast %parallel_loop3A_116 : i32 to index
      %parallel_loop3A_120 = tpu.vector_load %arg6[%parallel_loop3A_118, %parallel_loop3A_119] {strides = array<i32>} : memref<4x10240xf32, #tpu.memory_space<vmem>>, vector<16xf32>,
      tpu.vector_store %arg6[%parallel_loop3A_118, %parallel_loop3A_119], %parallel_loop3A_114 {strides = array<i32>} : memref<4x10240xf32, #tpu.memory_space<vmem>>, vector<16xf32>,
      %parallel_loop3A_121 = arith.constant 0.000000e+00 : f32
      %parallel_loop3A_122 = vector.broadcast %parallel_loop3A_121 : f32 to vector<16xf32>
      %parallel_loop3A_123 = arith.constant 16 : i32
      %parallel_loop3A_124 = arith.muli %parallel_loop3A_104, %parallel_loop3A_123 : i32
      %parallel_loop3A_125 = arith.constant 2 : i32
      %parallel_loop3A_126 = arith.index_cast %parallel_loop3A_125 : i32 to index
      %parallel_loop3A_127 = arith.index_cast %parallel_loop3A_124 : i32 to index
      %parallel_loop3A_128 = tpu.vector_load %arg6[%parallel_loop3A_126, %parallel_loop3A_127] {strides = array<i32>} : memref<4x10240xf32, #tpu.memory_space<vmem>>, vector<16xf32>,
      tpu.vector_store %arg6[%parallel_loop3A_126, %parallel_loop3A_127], %parallel_loop3A_122 {strides = array<i32>} : memref<4x10240xf32, #tpu.memory_space<vmem>>, vector<16xf32>,
      %parallel_loop3A_129 = arith.constant 0.000000e+00 : f32
      %parallel_loop3A_130 = vector.broadcast %parallel_loop3A_129 : f32 to vector<16xf32>
      %parallel_loop3A_131 = arith.constant 16 : i32
      %parallel_loop3A_132 = arith.muli %parallel_loop3A_104, %parallel_loop3A_131 : i32
      %parallel_loop3A_133 = arith.constant 3 : i32
      %parallel_loop3A_134 = arith.index_cast %parallel_loop3A_133 : i32 to index
      %parallel_loop3A_135 = arith.index_cast %parallel_loop3A_132 : i32 to index
      %parallel_loop3A_136 = tpu.vector_load %arg6[%parallel_loop3A_134, %parallel_loop3A_135] {strides = array<i32>} : memref<4x10240xf32, #tpu.memory_space<vmem>>, vector<16xf32>,
      tpu.vector_store %arg6[%parallel_loop3A_134, %parallel_loop3A_135], %parallel_loop3A_130 {strides = array<i32>} : memref<4x10240xf32, #tpu.memory_space<vmem>>, vector<16xf32>,
    } {sc.loop_unroll_factor = 8 : i64, sc.parallel_access}
    %dma_wait3A = arith.constant 0 : i32
    %dma_wait3A_59 = arith.constant 0 : i32
    %dma_wait3A_60 = tpu.memref_slice %arg2[%dma_wait3A, %dma_wait3A_59] : memref<16x10240xf32, #tpu.memory_space<hbm>> -> memref<4x10240xf32, #tpu.memory_space<hbm>>
    %dma_wait3A_61 = arith.constant 0 : i32
    %dma_wait3A_62 = arith.constant 0 : i32
    %dma_wait3A_63 = tpu.memref_slice %arg2[%dma_wait3A_61, %dma_wait3A_62] : memref<16x10240xf32, #tpu.memory_space<hbm>> -> memref<4x10240xf32, #tpu.memory_space<hbm>>
    tpu.wait_dma2 semaphore(%arg11 : memref<!tpu.dma_semaphore, #tpu.memory_space<semaphore_mem>>) src(%dma_wait3A_63 : memref<4x10240xf32, #tpu.memory_space<hbm>>) dst(%arg5 : memref<4x10240xf32, #tpu.memory_space<vmem>>)
    %broadcast_in_dim3A = arith.constant 0 : i32
    %broadcast_in_dim3A_64 = vector.broadcast %broadcast_in_dim3A : i32 to vector<16xi32>
    %broadcast_in_dim3A_65 = arith.constant 1 : i32
    %broadcast_in_dim3A_66 = vector.broadcast %broadcast_in_dim3A_65 : i32 to vector<16xi32>
    %broadcast_in_dim3A_67 = arith.constant 2 : i32
    %broadcast_in_dim3A_68 = vector.broadcast %broadcast_in_dim3A_67 : i32 to vector<16xi32>
    %broadcast_in_dim3A_69 = arith.constant 3 : i32
    %broadcast_in_dim3A_70 = vector.broadcast %broadcast_in_dim3A_69 : i32 to vector<16xi32>
    %jit3A_71 = arith.constant 2 : i32
    %div3A_72 = arith.divsi %select_n3A_33, %jit3A_71 : i32
    %sign3A_73 = arith.constant 0 : i32
    %sign3A_74 = arith.cmpi sgt, %select_n3A_33, %sign3A_73 : i32
    %sign3A_75 = arith.extui %sign3A_74 : i1 to i32
    %sign3A_76 = arith.constant 0 : i32
    %sign3A_77 = arith.cmpi slt, %select_n3A_33, %sign3A_76 : i32
    %sign3A_78 = arith.extui %sign3A_77 : i1 to i32
    %sign3A_79 = arith.subi %sign3A_75, %sign3A_78 : i32
    %sign3A_80 = arith.constant 0 : i32
    %sign3A_81 = arith.cmpi sgt, %jit3A_71, %sign3A_80 : i32
    %sign3A_82 = arith.extui %sign3A_81 : i1 to i32
    %sign3A_83 = arith.constant 0 : i32
    %sign3A_84 = arith.cmpi slt, %jit3A_71, %sign3A_83 : i32
    %sign3A_85 = arith.extui %sign3A_84 : i1 to i32
    %sign3A_86 = arith.subi %sign3A_82, %sign3A_85 : i32
    %ne3A_87 = arith.cmpi ne, %sign3A_79, %sign3A_86 : i32
    %rem3A_88 = arith.remsi %select_n3A_33, %jit3A_71 : i32
    %ne3A_89 = arith.constant 0 : i32
    %ne3A_90 = arith.cmpi ne, %rem3A_88, %ne3A_89 : i32
    %and3A_91 = arith.andi %ne3A_87, %ne3A_90 : i1
    %sub3A_92 = arith.constant 1 : i32
    %sub3A_93 = arith.subi %div3A_72, %sub3A_92 : i32
    %select_n3A_94 = arith.select %and3A_91, %sub3A_93, %div3A_72 : i32
    %while3A = arith.constant 0 : i32
    %while3A_95 = arith.constant 0 : i32
    %while3A_96 = arith.subi %select_n3A_94, %while3A_95 : i32
    %while3A_97 = arith.addi %while3A_95, %while3A_96 : i32
    %while3A_98 = arith.constant 1 : i32
    %while3A_99 = arith.divsi %while3A_96, %while3A_98 : i32
    %while3A_100 = arith.muli %while3A_99, %while3A_98 : i32
    %while3A_101 = arith.addi %while3A_95, %while3A_100 : i32
    %while3A_102 = arith.constant 1 : i32
    scf.for %while3A_104 = %while3A_95 to %while3A_101 step %while3A_102  : i32 {
      %mul3A_105 = arith.constant 2 : i32
      %mul3A_106 = arith.muli %while3A_104, %mul3A_105 : i32
      %add3A_107 = arith.constant 1 : i32
      %add3A_108 = arith.addi %mul3A_106, %add3A_107 : i32
      %lt3A_109 = arith.cmpi slt, %add3A_108, %select_n3A_33 : i32
      %convert_element_type3A = arith.extui %lt3A_109 : i1 to i32
      %cond3A = arith.constant 0 : i32
      %cond3A_110 = arith.cmpi ne, %convert_element_type3A, %cond3A : i32
      scf.if %cond3A_110 {
        %add3A_141 = arith.constant 1 : i32
        %add3A_142 = arith.addi %mul3A_106, %add3A_141 : i32
        %mul3A_143 = arith.constant 1024 : i32
        %mul3A_144 = arith.muli %add3A_142, %mul3A_143 : i32
        %add3A_145 = arith.addi %mul3A_43, %mul3A_144 : i32
        %dma_start3A_146 = tpu.memref_slice %arg3[%add3A_145] : memref<327680xi32, #tpu.memory_space<hbm>> -> memref<1024xi32, #tpu.memory_space<hbm>>
        %dma_start3A_147 = tpu.memref_slice %arg3[%add3A_145] : memref<327680xi32, #tpu.memory_space<hbm>> -> memref<1024xi32, #tpu.memory_space<hbm>>
        tpu.enqueue_dma source(%dma_start3A_147 : memref<1024xi32, #tpu.memory_space<hbm>>) target(%arg8 : memref<1024xi32, #tpu.memory_space<vmem>>) target_semaphore(%arg13 : memref<!tpu.dma_semaphore, #tpu.memory_space<semaphore_mem>>)
        %add3A_148 = arith.constant 163840 : i32
        %add3A_149 = arith.addi %add3A_148, %add3A_145 : i32
        %dma_start3A_150 = tpu.memref_slice %arg3[%add3A_149] : memref<327680xi32, #tpu.memory_space<hbm>> -> memref<1024xi32, #tpu.memory_space<hbm>>
        %dma_start3A_151 = tpu.memref_slice %arg3[%add3A_149] : memref<327680xi32, #tpu.memory_space<hbm>> -> memref<1024xi32, #tpu.memory_space<hbm>>
        tpu.enqueue_dma source(%dma_start3A_151 : memref<1024xi32, #tpu.memory_space<hbm>>) target(%arg10 : memref<1024xi32, #tpu.memory_space<vmem>>) target_semaphore(%arg13 : memref<!tpu.dma_semaphore, #tpu.memory_space<semaphore_mem>>)
      } else {
      }
      %dma_wait3A_111 = arith.constant 0 : i32
      %dma_wait3A_112 = tpu.memref_slice %arg3[%dma_wait3A_111] : memref<327680xi32, #tpu.memory_space<hbm>> -> memref<1024xi32, #tpu.memory_space<hbm>>
      %dma_wait3A_113 = arith.constant 0 : i32
      %dma_wait3A_114 = tpu.memref_slice %arg3[%dma_wait3A_113] : memref<327680xi32, #tpu.memory_space<hbm>> -> memref<1024xi32, #tpu.memory_space<hbm>>
      tpu.wait_dma2 semaphore(%arg12 : memref<!tpu.dma_semaphore, #tpu.memory_space<semaphore_mem>>) src(%dma_wait3A_114 : memref<1024xi32, #tpu.memory_space<hbm>>) dst(%arg7 : memref<1024xi32, #tpu.memory_space<vmem>>)
      %dma_wait3A_115 = arith.constant 0 : i32
      %dma_wait3A_116 = tpu.memref_slice %arg3[%dma_wait3A_115] : memref<327680xi32, #tpu.memory_space<hbm>> -> memref<1024xi32, #tpu.memory_space<hbm>>
      %dma_wait3A_117 = arith.constant 0 : i32
      %dma_wait3A_118 = tpu.memref_slice %arg3[%dma_wait3A_117] : memref<327680xi32, #tpu.memory_space<hbm>> -> memref<1024xi32, #tpu.memory_space<hbm>>
      tpu.wait_dma2 semaphore(%arg12 : memref<!tpu.dma_semaphore, #tpu.memory_space<semaphore_mem>>) src(%dma_wait3A_118 : memref<1024xi32, #tpu.memory_space<hbm>>) dst(%arg9 : memref<1024xi32, #tpu.memory_space<vmem>>)
      %parallel_loop3A_119 = arith.constant 0 : i32
      %parallel_loop3A_120 = arith.constant 64 : i32
      %parallel_loop3A_121 = arith.constant 1 : i32
      scf.for %parallel_loop3A_141 = %parallel_loop3A_119 to %parallel_loop3A_120 step %parallel_loop3A_121  : i32 {
        %parallel_loop3A_142 = arith.constant 16 : i32
        %parallel_loop3A_143 = arith.muli %parallel_loop3A_141, %parallel_loop3A_142 : i32
        %parallel_loop3A_144 = arith.index_cast %parallel_loop3A_143 : i32 to index
        %parallel_loop3A_145 = tpu.vector_load %arg7[%parallel_loop3A_144] {strides = array<i32>} : memref<1024xi32, #tpu.memory_space<vmem>>, vector<16xi32>,
        %parallel_loop3A_146 = arith.constant 16 : i32
        %parallel_loop3A_147 = arith.muli %parallel_loop3A_141, %parallel_loop3A_146 : i32
        %parallel_loop3A_148 = arith.index_cast %parallel_loop3A_147 : i32 to index
        %parallel_loop3A_149 = tpu.vector_load %arg9[%parallel_loop3A_148] {strides = array<i32>} : memref<1024xi32, #tpu.memory_space<vmem>>, vector<16xi32>,
        %parallel_loop3A_150 = tpu.vector_load_idx %arg5[%broadcast_in_dim3A_64, %parallel_loop3A_145] : memref<4x10240xf32, #tpu.memory_space<vmem>>[vector<16xi32>, vector<16xi32>], vector<16xf32>,
        tpu.vector_store_idx %arg6[%broadcast_in_dim3A_64, %parallel_loop3A_149], %parallel_loop3A_150 {add = true} : memref<4x10240xf32, #tpu.memory_space<vmem>>[vector<16xi32>, vector<16xi32>], vector<16xf32>,
        %parallel_loop3A_151 = tpu.vector_load_idx %arg5[%broadcast_in_dim3A_66, %parallel_loop3A_145] : memref<4x10240xf32, #tpu.memory_space<vmem>>[vector<16xi32>, vector<16xi32>], vector<16xf32>,
        tpu.vector_store_idx %arg6[%broadcast_in_dim3A_66, %parallel_loop3A_149], %parallel_loop3A_151 {add = true} : memref<4x10240xf32, #tpu.memory_space<vmem>>[vector<16xi32>, vector<16xi32>], vector<16xf32>,
        %parallel_loop3A_152 = tpu.vector_load_idx %arg5[%broadcast_in_dim3A_68, %parallel_loop3A_145] : memref<4x10240xf32, #tpu.memory_space<vmem>>[vector<16xi32>, vector<16xi32>], vector<16xf32>,
        tpu.vector_store_idx %arg6[%broadcast_in_dim3A_68, %parallel_loop3A_149], %parallel_loop3A_152 {add = true} : memref<4x10240xf32, #tpu.memory_space<vmem>>[vector<16xi32>, vector<16xi32>], vector<16xf32>,
        %parallel_loop3A_153 = tpu.vector_load_idx %arg5[%broadcast_in_dim3A_70, %parallel_loop3A_145] : memref<4x10240xf32, #tpu.memory_space<vmem>>[vector<16xi32>, vector<16xi32>], vector<16xf32>,
        tpu.vector_store_idx %arg6[%broadcast_in_dim3A_70, %parallel_loop3A_149], %parallel_loop3A_153 {add = true} : memref<4x10240xf32, #tpu.memory_space<vmem>>[vector<16xi32>, vector<16xi32>], vector<16xf32>,
      } {sc.loop_unroll_factor = 8 : i64, sc.parallel_access}
      %add3A_122 = arith.constant 1 : i32
      %add3A_123 = arith.addi %mul3A_106, %add3A_122 : i32
      %add3A_124 = arith.constant 1 : i32
      %add3A_125 = arith.addi %add3A_123, %add3A_124 : i32
      %lt3A_126 = arith.cmpi slt, %add3A_125, %select_n3A_33 : i32
      %convert_element_type3A_127 = arith.extui %lt3A_126 : i1 to i32
      %cond3A_128 = arith.constant 0 : i32
      %cond3A_129 = arith.cmpi ne, %convert_element_type3A_127, %cond3A_128 : i32
      scf.if %cond3A_129 {
        %add3A_141 = arith.constant 1 : i32
        %add3A_142 = arith.addi %add3A_123, %add3A_141 : i32
        %mul3A_143 = arith.constant 1024 : i32
        %mul3A_144 = arith.muli %add3A_142, %mul3A_143 : i32
        %add3A_145 = arith.addi %mul3A_43, %mul3A_144 : i32
        %dma_start3A_146 = tpu.memref_slice %arg3[%add3A_145] : memref<327680xi32, #tpu.memory_space<hbm>> -> memref<1024xi32, #tpu.memory_space<hbm>>
        %dma_start3A_147 = tpu.memref_slice %arg3[%add3A_145] : memref<327680xi32, #tpu.memory_space<hbm>> -> memref<1024xi32, #tpu.memory_space<hbm>>
        tpu.enqueue_dma source(%dma_start3A_147 : memref<1024xi32, #tpu.memory_space<hbm>>) target(%arg7 : memref<1024xi32, #tpu.memory_space<vmem>>) target_semaphore(%arg12 : memref<!tpu.dma_semaphore, #tpu.memory_space<semaphore_mem>>)
        %add3A_148 = arith.constant 163840 : i32
        %add3A_149 = arith.addi %add3A_148, %add3A_145 : i32
        %dma_start3A_150 = tpu.memref_slice %arg3[%add3A_149] : memref<327680xi32, #tpu.memory_space<hbm>> -> memref<1024xi32, #tpu.memory_space<hbm>>
        %dma_start3A_151 = tpu.memref_slice %arg3[%add3A_149] : memref<327680xi32, #tpu.memory_space<hbm>> -> memref<1024xi32, #tpu.memory_space<hbm>>
        tpu.enqueue_dma source(%dma_start3A_151 : memref<1024xi32, #tpu.memory_space<hbm>>) target(%arg9 : memref<1024xi32, #tpu.memory_space<vmem>>) target_semaphore(%arg12 : memref<!tpu.dma_semaphore, #tpu.memory_space<semaphore_mem>>)
      } else {
      }
      %dma_wait3A_130 = arith.constant 0 : i32
      %dma_wait3A_131 = tpu.memref_slice %arg3[%dma_wait3A_130] : memref<327680xi32, #tpu.memory_space<hbm>> -> memref<1024xi32, #tpu.memory_space<hbm>>
      %dma_wait3A_132 = arith.constant 0 : i32
      %dma_wait3A_133 = tpu.memref_slice %arg3[%dma_wait3A_132] : memref<327680xi32, #tpu.memory_space<hbm>> -> memref<1024xi32, #tpu.memory_space<hbm>>
      tpu.wait_dma2 semaphore(%arg13 : memref<!tpu.dma_semaphore, #tpu.memory_space<semaphore_mem>>) src(%dma_wait3A_133 : memref<1024xi32, #tpu.memory_space<hbm>>) dst(%arg8 : memref<1024xi32, #tpu.memory_space<vmem>>)
      %dma_wait3A_134 = arith.constant 0 : i32
      %dma_wait3A_135 = tpu.memref_slice %arg3[%dma_wait3A_134] : memref<327680xi32, #tpu.memory_space<hbm>> -> memref<1024xi32, #tpu.memory_space<hbm>>
      %dma_wait3A_136 = arith.constant 0 : i32
      %dma_wait3A_137 = tpu.memref_slice %arg3[%dma_wait3A_136] : memref<327680xi32, #tpu.memory_space<hbm>> -> memref<1024xi32, #tpu.memory_space<hbm>>
      tpu.wait_dma2 semaphore(%arg13 : memref<!tpu.dma_semaphore, #tpu.memory_space<semaphore_mem>>) src(%dma_wait3A_137 : memref<1024xi32, #tpu.memory_space<hbm>>) dst(%arg10 : memref<1024xi32, #tpu.memory_space<vmem>>)
      %parallel_loop3A_138 = arith.constant 0 : i32
      %parallel_loop3A_139 = arith.constant 64 : i32
      %parallel_loop3A_140 = arith.constant 1 : i32
      scf.for %parallel_loop3A_141 = %parallel_loop3A_138 to %parallel_loop3A_139 step %parallel_loop3A_140  : i32 {
        %parallel_loop3A_142 = arith.constant 16 : i32
        %parallel_loop3A_143 = arith.muli %parallel_loop3A_141, %parallel_loop3A_142 : i32
        %parallel_loop3A_144 = arith.index_cast %parallel_loop3A_143 : i32 to index
        %parallel_loop3A_145 = tpu.vector_load %arg8[%parallel_loop3A_144] {strides = array<i32>} : memref<1024xi32, #tpu.memory_space<vmem>>, vector<16xi32>,
        %parallel_loop3A_146 = arith.constant 16 : i32
        %parallel_loop3A_147 = arith.muli %parallel_loop3A_141, %parallel_loop3A_146 : i32
        %parallel_loop3A_148 = arith.index_cast %parallel_loop3A_147 : i32 to index
        %parallel_loop3A_149 = tpu.vector_load %arg10[%parallel_loop3A_148] {strides = array<i32>} : memref<1024xi32, #tpu.memory_space<vmem>>, vector<16xi32>,
        %parallel_loop3A_150 = tpu.vector_load_idx %arg5[%broadcast_in_dim3A_64, %parallel_loop3A_145] : memref<4x10240xf32, #tpu.memory_space<vmem>>[vector<16xi32>, vector<16xi32>], vector<16xf32>,
        tpu.vector_store_idx %arg6[%broadcast_in_dim3A_64, %parallel_loop3A_149], %parallel_loop3A_150 {add = true} : memref<4x10240xf32, #tpu.memory_space<vmem>>[vector<16xi32>, vector<16xi32>], vector<16xf32>,
        %parallel_loop3A_151 = tpu.vector_load_idx %arg5[%broadcast_in_dim3A_66, %parallel_loop3A_145] : memref<4x10240xf32, #tpu.memory_space<vmem>>[vector<16xi32>, vector<16xi32>], vector<16xf32>,
        tpu.vector_store_idx %arg6[%broadcast_in_dim3A_66, %parallel_loop3A_149], %parallel_loop3A_151 {add = true} : memref<4x10240xf32, #tpu.memory_space<vmem>>[vector<16xi32>, vector<16xi32>], vector<16xf32>,
        %parallel_loop3A_152 = tpu.vector_load_idx %arg5[%broadcast_in_dim3A_68, %parallel_loop3A_145] : memref<4x10240xf32, #tpu.memory_space<vmem>>[vector<16xi32>, vector<16xi32>], vector<16xf32>,
        tpu.vector_store_idx %arg6[%broadcast_in_dim3A_68, %parallel_loop3A_149], %parallel_loop3A_152 {add = true} : memref<4x10240xf32, #tpu.memory_space<vmem>>[vector<16xi32>, vector<16xi32>], vector<16xf32>,
        %parallel_loop3A_153 = tpu.vector_load_idx %arg5[%broadcast_in_dim3A_70, %parallel_loop3A_145] : memref<4x10240xf32, #tpu.memory_space<vmem>>[vector<16xi32>, vector<16xi32>], vector<16xf32>,
        tpu.vector_store_idx %arg6[%broadcast_in_dim3A_70, %parallel_loop3A_149], %parallel_loop3A_153 {add = true} : memref<4x10240xf32, #tpu.memory_space<vmem>>[vector<16xi32>, vector<16xi32>], vector<16xf32>,
      } {sc.loop_unroll_factor = 8 : i64, sc.parallel_access}
    }
    %while3A_103 = arith.constant 1 : i32
    scf.for %while3A_104 = %while3A_101 to %while3A_97 step %while3A_103  : i32 {
      %mul3A_105 = arith.constant 2 : i32
      %mul3A_106 = arith.muli %while3A_104, %mul3A_105 : i32
      %add3A_107 = arith.constant 1 : i32
      %add3A_108 = arith.addi %mul3A_106, %add3A_107 : i32
      %lt3A_109 = arith.cmpi slt, %add3A_108, %select_n3A_33 : i32
      %convert_element_type3A = arith.extui %lt3A_109 : i1 to i32
      %cond3A = arith.constant 0 : i32
      %cond3A_110 = arith.cmpi ne, %convert_element_type3A, %cond3A : i32
      scf.if %cond3A_110 {
        %add3A_141 = arith.constant 1 : i32
        %add3A_142 = arith.addi %mul3A_106, %add3A_141 : i32
        %mul3A_143 = arith.constant 1024 : i32
        %mul3A_144 = arith.muli %add3A_142, %mul3A_143 : i32
        %add3A_145 = arith.addi %mul3A_43, %mul3A_144 : i32
        %dma_start3A_146 = tpu.memref_slice %arg3[%add3A_145] : memref<327680xi32, #tpu.memory_space<hbm>> -> memref<1024xi32, #tpu.memory_space<hbm>>
        %dma_start3A_147 = tpu.memref_slice %arg3[%add3A_145] : memref<327680xi32, #tpu.memory_space<hbm>> -> memref<1024xi32, #tpu.memory_space<hbm>>
        tpu.enqueue_dma source(%dma_start3A_147 : memref<1024xi32, #tpu.memory_space<hbm>>) target(%arg8 : memref<1024xi32, #tpu.memory_space<vmem>>) target_semaphore(%arg13 : memref<!tpu.dma_semaphore, #tpu.memory_space<semaphore_mem>>)
        %add3A_148 = arith.constant 163840 : i32
        %add3A_149 = arith.addi %add3A_148, %add3A_145 : i32
        %dma_start3A_150 = tpu.memref_slice %arg3[%add3A_149] : memref<327680xi32, #tpu.memory_space<hbm>> -> memref<1024xi32, #tpu.memory_space<hbm>>
        %dma_start3A_151 = tpu.memref_slice %arg3[%add3A_149] : memref<327680xi32, #tpu.memory_space<hbm>> -> memref<1024xi32, #tpu.memory_space<hbm>>
        tpu.enqueue_dma source(%dma_start3A_151 : memref<1024xi32, #tpu.memory_space<hbm>>) target(%arg10 : memref<1024xi32, #tpu.memory_space<vmem>>) target_semaphore(%arg13 : memref<!tpu.dma_semaphore, #tpu.memory_space<semaphore_mem>>)
      } else {
      }
      %dma_wait3A_111 = arith.constant 0 : i32
      %dma_wait3A_112 = tpu.memref_slice %arg3[%dma_wait3A_111] : memref<327680xi32, #tpu.memory_space<hbm>> -> memref<1024xi32, #tpu.memory_space<hbm>>
      %dma_wait3A_113 = arith.constant 0 : i32
      %dma_wait3A_114 = tpu.memref_slice %arg3[%dma_wait3A_113] : memref<327680xi32, #tpu.memory_space<hbm>> -> memref<1024xi32, #tpu.memory_space<hbm>>
      tpu.wait_dma2 semaphore(%arg12 : memref<!tpu.dma_semaphore, #tpu.memory_space<semaphore_mem>>) src(%dma_wait3A_114 : memref<1024xi32, #tpu.memory_space<hbm>>) dst(%arg7 : memref<1024xi32, #tpu.memory_space<vmem>>)
      %dma_wait3A_115 = arith.constant 0 : i32
      %dma_wait3A_116 = tpu.memref_slice %arg3[%dma_wait3A_115] : memref<327680xi32, #tpu.memory_space<hbm>> -> memref<1024xi32, #tpu.memory_space<hbm>>
      %dma_wait3A_117 = arith.constant 0 : i32
      %dma_wait3A_118 = tpu.memref_slice %arg3[%dma_wait3A_117] : memref<327680xi32, #tpu.memory_space<hbm>> -> memref<1024xi32, #tpu.memory_space<hbm>>
      tpu.wait_dma2 semaphore(%arg12 : memref<!tpu.dma_semaphore, #tpu.memory_space<semaphore_mem>>) src(%dma_wait3A_118 : memref<1024xi32, #tpu.memory_space<hbm>>) dst(%arg9 : memref<1024xi32, #tpu.memory_space<vmem>>)
      %parallel_loop3A_119 = arith.constant 0 : i32
      %parallel_loop3A_120 = arith.constant 64 : i32
      %parallel_loop3A_121 = arith.constant 1 : i32
      scf.for %parallel_loop3A_141 = %parallel_loop3A_119 to %parallel_loop3A_120 step %parallel_loop3A_121  : i32 {
        %parallel_loop3A_142 = arith.constant 16 : i32
        %parallel_loop3A_143 = arith.muli %parallel_loop3A_141, %parallel_loop3A_142 : i32
        %parallel_loop3A_144 = arith.index_cast %parallel_loop3A_143 : i32 to index
        %parallel_loop3A_145 = tpu.vector_load %arg7[%parallel_loop3A_144] {strides = array<i32>} : memref<1024xi32, #tpu.memory_space<vmem>>, vector<16xi32>,
        %parallel_loop3A_146 = arith.constant 16 : i32
        %parallel_loop3A_147 = arith.muli %parallel_loop3A_141, %parallel_loop3A_146 : i32
        %parallel_loop3A_148 = arith.index_cast %parallel_loop3A_147 : i32 to index
        %parallel_loop3A_149 = tpu.vector_load %arg9[%parallel_loop3A_148] {strides = array<i32>} : memref<1024xi32, #tpu.memory_space<vmem>>, vector<16xi32>,
        %parallel_loop3A_150 = tpu.vector_load_idx %arg5[%broadcast_in_dim3A_64, %parallel_loop3A_145] : memref<4x10240xf32, #tpu.memory_space<vmem>>[vector<16xi32>, vector<16xi32>], vector<16xf32>,
        tpu.vector_store_idx %arg6[%broadcast_in_dim3A_64, %parallel_loop3A_149], %parallel_loop3A_150 {add = true} : memref<4x10240xf32, #tpu.memory_space<vmem>>[vector<16xi32>, vector<16xi32>], vector<16xf32>,
        %parallel_loop3A_151 = tpu.vector_load_idx %arg5[%broadcast_in_dim3A_66, %parallel_loop3A_145] : memref<4x10240xf32, #tpu.memory_space<vmem>>[vector<16xi32>, vector<16xi32>], vector<16xf32>,
        tpu.vector_store_idx %arg6[%broadcast_in_dim3A_66, %parallel_loop3A_149], %parallel_loop3A_151 {add = true} : memref<4x10240xf32, #tpu.memory_space<vmem>>[vector<16xi32>, vector<16xi32>], vector<16xf32>,
        %parallel_loop3A_152 = tpu.vector_load_idx %arg5[%broadcast_in_dim3A_68, %parallel_loop3A_145] : memref<4x10240xf32, #tpu.memory_space<vmem>>[vector<16xi32>, vector<16xi32>], vector<16xf32>,
        tpu.vector_store_idx %arg6[%broadcast_in_dim3A_68, %parallel_loop3A_149], %parallel_loop3A_152 {add = true} : memref<4x10240xf32, #tpu.memory_space<vmem>>[vector<16xi32>, vector<16xi32>], vector<16xf32>,
        %parallel_loop3A_153 = tpu.vector_load_idx %arg5[%broadcast_in_dim3A_70, %parallel_loop3A_145] : memref<4x10240xf32, #tpu.memory_space<vmem>>[vector<16xi32>, vector<16xi32>], vector<16xf32>,
        tpu.vector_store_idx %arg6[%broadcast_in_dim3A_70, %parallel_loop3A_149], %parallel_loop3A_153 {add = true} : memref<4x10240xf32, #tpu.memory_space<vmem>>[vector<16xi32>, vector<16xi32>], vector<16xf32>,
      } {sc.loop_unroll_factor = 8 : i64, sc.parallel_access}
      %add3A_122 = arith.constant 1 : i32
      %add3A_123 = arith.addi %mul3A_106, %add3A_122 : i32
      %add3A_124 = arith.constant 1 : i32
      %add3A_125 = arith.addi %add3A_123, %add3A_124 : i32
      %lt3A_126 = arith.cmpi slt, %add3A_125, %select_n3A_33 : i32
      %convert_element_type3A_127 = arith.extui %lt3A_126 : i1 to i32
      %cond3A_128 = arith.constant 0 : i32
      %cond3A_129 = arith.cmpi ne, %convert_element_type3A_127, %cond3A_128 : i32
      scf.if %cond3A_129 {
        %add3A_141 = arith.constant 1 : i32
        %add3A_142 = arith.addi %add3A_123, %add3A_141 : i32
        %mul3A_143 = arith.constant 1024 : i32
        %mul3A_144 = arith.muli %add3A_142, %mul3A_143 : i32
        %add3A_145 = arith.addi %mul3A_43, %mul3A_144 : i32
        %dma_start3A_146 = tpu.memref_slice %arg3[%add3A_145] : memref<327680xi32, #tpu.memory_space<hbm>> -> memref<1024xi32, #tpu.memory_space<hbm>>
        %dma_start3A_147 = tpu.memref_slice %arg3[%add3A_145] : memref<327680xi32, #tpu.memory_space<hbm>> -> memref<1024xi32, #tpu.memory_space<hbm>>
        tpu.enqueue_dma source(%dma_start3A_147 : memref<1024xi32, #tpu.memory_space<hbm>>) target(%arg7 : memref<1024xi32, #tpu.memory_space<vmem>>) target_semaphore(%arg12 : memref<!tpu.dma_semaphore, #tpu.memory_space<semaphore_mem>>)
        %add3A_148 = arith.constant 163840 : i32
        %add3A_149 = arith.addi %add3A_148, %add3A_145 : i32
        %dma_start3A_150 = tpu.memref_slice %arg3[%add3A_149] : memref<327680xi32, #tpu.memory_space<hbm>> -> memref<1024xi32, #tpu.memory_space<hbm>>
        %dma_start3A_151 = tpu.memref_slice %arg3[%add3A_149] : memref<327680xi32, #tpu.memory_space<hbm>> -> memref<1024xi32, #tpu.memory_space<hbm>>
        tpu.enqueue_dma source(%dma_start3A_151 : memref<1024xi32, #tpu.memory_space<hbm>>) target(%arg9 : memref<1024xi32, #tpu.memory_space<vmem>>) target_semaphore(%arg12 : memref<!tpu.dma_semaphore, #tpu.memory_space<semaphore_mem>>)
      } else {
      }
      %dma_wait3A_130 = arith.constant 0 : i32
      %dma_wait3A_131 = tpu.memref_slice %arg3[%dma_wait3A_130] : memref<327680xi32, #tpu.memory_space<hbm>> -> memref<1024xi32, #tpu.memory_space<hbm>>
      %dma_wait3A_132 = arith.constant 0 : i32
      %dma_wait3A_133 = tpu.memref_slice %arg3[%dma_wait3A_132] : memref<327680xi32, #tpu.memory_space<hbm>> -> memref<1024xi32, #tpu.memory_space<hbm>>
      tpu.wait_dma2 semaphore(%arg13 : memref<!tpu.dma_semaphore, #tpu.memory_space<semaphore_mem>>) src(%dma_wait3A_133 : memref<1024xi32, #tpu.memory_space<hbm>>) dst(%arg8 : memref<1024xi32, #tpu.memory_space<vmem>>)
      %dma_wait3A_134 = arith.constant 0 : i32
      %dma_wait3A_135 = tpu.memref_slice %arg3[%dma_wait3A_134] : memref<327680xi32, #tpu.memory_space<hbm>> -> memref<1024xi32, #tpu.memory_space<hbm>>
      %dma_wait3A_136 = arith.constant 0 : i32
      %dma_wait3A_137 = tpu.memref_slice %arg3[%dma_wait3A_136] : memref<327680xi32, #tpu.memory_space<hbm>> -> memref<1024xi32, #tpu.memory_space<hbm>>
      tpu.wait_dma2 semaphore(%arg13 : memref<!tpu.dma_semaphore, #tpu.memory_space<semaphore_mem>>) src(%dma_wait3A_137 : memref<1024xi32, #tpu.memory_space<hbm>>) dst(%arg10 : memref<1024xi32, #tpu.memory_space<vmem>>)
      %parallel_loop3A_138 = arith.constant 0 : i32
      %parallel_loop3A_139 = arith.constant 64 : i32
      %parallel_loop3A_140 = arith.constant 1 : i32
      scf.for %parallel_loop3A_141 = %parallel_loop3A_138 to %parallel_loop3A_139 step %parallel_loop3A_140  : i32 {
        %parallel_loop3A_142 = arith.constant 16 : i32
        %parallel_loop3A_143 = arith.muli %parallel_loop3A_141, %parallel_loop3A_142 : i32
        %parallel_loop3A_144 = arith.index_cast %parallel_loop3A_143 : i32 to index
        %parallel_loop3A_145 = tpu.vector_load %arg8[%parallel_loop3A_144] {strides = array<i32>} : memref<1024xi32, #tpu.memory_space<vmem>>, vector<16xi32>,
        %parallel_loop3A_146 = arith.constant 16 : i32
        %parallel_loop3A_147 = arith.muli %parallel_loop3A_141, %parallel_loop3A_146 : i32
        %parallel_loop3A_148 = arith.index_cast %parallel_loop3A_147 : i32 to index
        %parallel_loop3A_149 = tpu.vector_load %arg10[%parallel_loop3A_148] {strides = array<i32>} : memref<1024xi32, #tpu.memory_space<vmem>>, vector<16xi32>,
        %parallel_loop3A_150 = tpu.vector_load_idx %arg5[%broadcast_in_dim3A_64, %parallel_loop3A_145] : memref<4x10240xf32, #tpu.memory_space<vmem>>[vector<16xi32>, vector<16xi32>], vector<16xf32>,
        tpu.vector_store_idx %arg6[%broadcast_in_dim3A_64, %parallel_loop3A_149], %parallel_loop3A_150 {add = true} : memref<4x10240xf32, #tpu.memory_space<vmem>>[vector<16xi32>, vector<16xi32>], vector<16xf32>,
        %parallel_loop3A_151 = tpu.vector_load_idx %arg5[%broadcast_in_dim3A_66, %parallel_loop3A_145] : memref<4x10240xf32, #tpu.memory_space<vmem>>[vector<16xi32>, vector<16xi32>], vector<16xf32>,
        tpu.vector_store_idx %arg6[%broadcast_in_dim3A_66, %parallel_loop3A_149], %parallel_loop3A_151 {add = true} : memref<4x10240xf32, #tpu.memory_space<vmem>>[vector<16xi32>, vector<16xi32>], vector<16xf32>,
        %parallel_loop3A_152 = tpu.vector_load_idx %arg5[%broadcast_in_dim3A_68, %parallel_loop3A_145] : memref<4x10240xf32, #tpu.memory_space<vmem>>[vector<16xi32>, vector<16xi32>], vector<16xf32>,
        tpu.vector_store_idx %arg6[%broadcast_in_dim3A_68, %parallel_loop3A_149], %parallel_loop3A_152 {add = true} : memref<4x10240xf32, #tpu.memory_space<vmem>>[vector<16xi32>, vector<16xi32>], vector<16xf32>,
        %parallel_loop3A_153 = tpu.vector_load_idx %arg5[%broadcast_in_dim3A_70, %parallel_loop3A_145] : memref<4x10240xf32, #tpu.memory_space<vmem>>[vector<16xi32>, vector<16xi32>], vector<16xf32>,
        tpu.vector_store_idx %arg6[%broadcast_in_dim3A_70, %parallel_loop3A_149], %parallel_loop3A_153 {add = true} : memref<4x10240xf32, #tpu.memory_space<vmem>>[vector<16xi32>, vector<16xi32>], vector<16xf32>,
      } {sc.loop_unroll_factor = 8 : i64, sc.parallel_access}
    }
    "tpu.region"() ({
      %run_scoped3A = tpu.sem_alloc : memref<!tpu.dma_semaphore, #tpu.memory_space<semaphore_mem>>
      %dma_start3A_104 = arith.constant 0 : i32
      %dma_start3A_105 = arith.constant 0 : i32
      %dma_start3A_106 = tpu.memref_slice %arg4[%arg0, %arg1, %dma_start3A_104, %dma_start3A_105] : memref<2x16x4x10240xf32, #tpu.memory_space<hbm>> -> memref<1x1x4x10240xf32, #tpu.memory_space<hbm>>
      %dma_start3A_107 = tpu.memref_squeeze %dma_start3A_106 : memref<1x1x4x10240xf32, #tpu.memory_space<hbm>> -> memref<4x10240xf32, #tpu.memory_space<hbm>>
      %dma_start3A_108 = arith.constant 0 : i32
      %dma_start3A_109 = arith.constant 0 : i32
      %dma_start3A_110 = tpu.memref_slice %arg4[%arg0, %arg1, %dma_start3A_108, %dma_start3A_109] : memref<2x16x4x10240xf32, #tpu.memory_space<hbm>> -> memref<1x1x4x10240xf32, #tpu.memory_space<hbm>>
      %dma_start3A_111 = tpu.memref_squeeze %dma_start3A_110 : memref<1x1x4x10240xf32, #tpu.memory_space<hbm>> -> memref<4x10240xf32, #tpu.memory_space<hbm>>
      tpu.enqueue_dma source(%arg6 : memref<4x10240xf32, #tpu.memory_space<vmem>>) target(%dma_start3A_111 : memref<4x10240xf32, #tpu.memory_space<hbm>>) target_semaphore(%run_scoped3A : memref<!tpu.dma_semaphore, #tpu.memory_space<semaphore_mem>>)
      %dma_wait3A_112 = arith.constant 0 : i32
      %dma_wait3A_113 = arith.constant 0 : i32
      %dma_wait3A_114 = tpu.memref_slice %arg4[%arg0, %arg1, %dma_wait3A_112, %dma_wait3A_113] : memref<2x16x4x10240xf32, #tpu.memory_space<hbm>> -> memref<1x1x4x10240xf32, #tpu.memory_space<hbm>>
      %dma_wait3A_115 = tpu.memref_squeeze %dma_wait3A_114 : memref<1x1x4x10240xf32, #tpu.memory_space<hbm>> -> memref<4x10240xf32, #tpu.memory_space<hbm>>
      %dma_wait3A_116 = arith.constant 0 : i32
      %dma_wait3A_117 = arith.constant 0 : i32
      %dma_wait3A_118 = tpu.memref_slice %arg4[%arg0, %arg1, %dma_wait3A_116, %dma_wait3A_117] : memref<2x16x4x10240xf32, #tpu.memory_space<hbm>> -> memref<1x1x4x10240xf32, #tpu.memory_space<hbm>>
      %dma_wait3A_119 = tpu.memref_squeeze %dma_wait3A_118 : memref<1x1x4x10240xf32, #tpu.memory_space<hbm>> -> memref<4x10240xf32, #tpu.memory_space<hbm>>
      tpu.wait_dma2 semaphore(%run_scoped3A : memref<!tpu.dma_semaphore, #tpu.memory_space<semaphore_mem>>) src(%arg6 : memref<4x10240xf32, #tpu.memory_space<vmem>>) dst(%dma_wait3A_119 : memref<4x10240xf32, #tpu.memory_space<hbm>>)
      tpu.yield
    }) : () -> ()
    return
  }
}

#map = affine_map<(d0, d1) -> (0)>
#map1 = affine_map<(d0, d1) -> (0, 0)>
module attributes {stable_mosaic.version = 14 : i64} {
  func.func @deg_kernel(%arg0: i32, %arg1: i32, %arg2: memref<327680xi32, #tpu.memory_space<hbm>>, %arg3: memref<16x10240xf32, #tpu.memory_space<hbm>>, %arg4: memref<10240xf32, #tpu.memory_space<vmem>>, %arg5: memref<10240xi32, #tpu.memory_space<vmem>>, %arg6: memref<!tpu.dma_semaphore, #tpu.memory_space<semaphore_mem>>) attributes {dimension_semantics = [#tpu.dimension_semantics<core_parallel>, #tpu.dimension_semantics<subcore_parallel>], iteration_bounds = array<i64: 2, 16>, scalar_prefetch = 0 : i64, scratch_operands = 3 : i64, tpu.core_type = #tpu.core_type<sc_vector_subcore>, window_params = [{transform_indices = #map}, {transform_indices = #map1}]} {
    %eq3A = arith.constant 0 : i32
    %eq3A_0 = arith.cmpi eq, %arg0, %eq3A : i32
    %convert_element_type3A = arith.extui %eq3A_0 : i1 to i32
    %cond3A = arith.constant 0 : i32
    %cond3A_1 = arith.cmpi ne, %convert_element_type3A, %cond3A : i32
    scf.if %cond3A_1 {
      %mul3A = arith.constant 10240 : i32
      %mul3A_2 = arith.muli %arg1, %mul3A : i32
      %add3A = arith.constant 163840 : i32
      %add3A_3 = arith.addi %add3A, %mul3A_2 : i32
      %dma_start3A = tpu.memref_slice %arg2[%add3A_3] : memref<327680xi32, #tpu.memory_space<hbm>> -> memref<10240xi32, #tpu.memory_space<hbm>>
      %dma_start3A_4 = tpu.memref_slice %arg2[%add3A_3] : memref<327680xi32, #tpu.memory_space<hbm>> -> memref<10240xi32, #tpu.memory_space<hbm>>
      tpu.enqueue_dma source(%dma_start3A_4 : memref<10240xi32, #tpu.memory_space<hbm>>) target(%arg5 : memref<10240xi32, #tpu.memory_space<vmem>>) target_semaphore(%arg6 : memref<!tpu.dma_semaphore, #tpu.memory_space<semaphore_mem>>)
      %parallel_loop3A = arith.constant 0 : i32
      %parallel_loop3A_5 = arith.constant 640 : i32
      %parallel_loop3A_6 = arith.constant 1 : i32
      scf.for %parallel_loop3A_14 = %parallel_loop3A to %parallel_loop3A_5 step %parallel_loop3A_6  : i32 {
        %parallel_loop3A_15 = arith.constant 0.000000e+00 : f32
        %parallel_loop3A_16 = vector.broadcast %parallel_loop3A_15 : f32 to vector<16xf32>
        %parallel_loop3A_17 = arith.constant 16 : i32
        %parallel_loop3A_18 = arith.muli %parallel_loop3A_14, %parallel_loop3A_17 : i32
        %parallel_loop3A_19 = arith.index_cast %parallel_loop3A_18 : i32 to index
        %parallel_loop3A_20 = tpu.vector_load %arg4[%parallel_loop3A_19] {strides = array<i32>} : memref<10240xf32, #tpu.memory_space<vmem>>, vector<16xf32>,
        tpu.vector_store %arg4[%parallel_loop3A_19], %parallel_loop3A_16 {strides = array<i32>} : memref<10240xf32, #tpu.memory_space<vmem>>, vector<16xf32>,
      } {sc.loop_unroll_factor = 8 : i64, sc.parallel_access}
      %dma_wait3A = arith.constant 0 : i32
      %dma_wait3A_7 = tpu.memref_slice %arg2[%dma_wait3A] : memref<327680xi32, #tpu.memory_space<hbm>> -> memref<10240xi32, #tpu.memory_space<hbm>>
      %dma_wait3A_8 = arith.constant 0 : i32
      %dma_wait3A_9 = tpu.memref_slice %arg2[%dma_wait3A_8] : memref<327680xi32, #tpu.memory_space<hbm>> -> memref<10240xi32, #tpu.memory_space<hbm>>
      tpu.wait_dma2 semaphore(%arg6 : memref<!tpu.dma_semaphore, #tpu.memory_space<semaphore_mem>>) src(%dma_wait3A_9 : memref<10240xi32, #tpu.memory_space<hbm>>) dst(%arg5 : memref<10240xi32, #tpu.memory_space<vmem>>)
      %broadcast_in_dim3A = arith.constant 1.000000e+00 : f32
      %broadcast_in_dim3A_10 = vector.broadcast %broadcast_in_dim3A : f32 to vector<16xf32>
      %parallel_loop3A_11 = arith.constant 0 : i32
      %parallel_loop3A_12 = arith.constant 640 : i32
      %parallel_loop3A_13 = arith.constant 1 : i32
      scf.for %parallel_loop3A_14 = %parallel_loop3A_11 to %parallel_loop3A_12 step %parallel_loop3A_13  : i32 {
        %parallel_loop3A_15 = arith.constant 16 : i32
        %parallel_loop3A_16 = arith.muli %parallel_loop3A_14, %parallel_loop3A_15 : i32
        %parallel_loop3A_17 = arith.index_cast %parallel_loop3A_16 : i32 to index
        %parallel_loop3A_18 = tpu.vector_load %arg5[%parallel_loop3A_17] {strides = array<i32>} : memref<10240xi32, #tpu.memory_space<vmem>>, vector<16xi32>,
        tpu.vector_store_idx %arg4[%parallel_loop3A_18], %broadcast_in_dim3A_10 {add = true} : memref<10240xf32, #tpu.memory_space<vmem>>[vector<16xi32>], vector<16xf32>,
      } {sc.loop_unroll_factor = 4 : i64, sc.parallel_access}
      "tpu.region"() ({
        %run_scoped3A = tpu.sem_alloc : memref<!tpu.dma_semaphore, #tpu.memory_space<semaphore_mem>>
        %dma_start3A_14 = arith.constant 0 : i32
        %dma_start3A_15 = tpu.memref_slice %arg3[%arg1, %dma_start3A_14] : memref<16x10240xf32, #tpu.memory_space<hbm>> -> memref<1x10240xf32, #tpu.memory_space<hbm>>
        %dma_start3A_16 = tpu.memref_squeeze %dma_start3A_15 : memref<1x10240xf32, #tpu.memory_space<hbm>> -> memref<10240xf32, #tpu.memory_space<hbm>>
        %dma_start3A_17 = arith.constant 0 : i32
        %dma_start3A_18 = tpu.memref_slice %arg3[%arg1, %dma_start3A_17] : memref<16x10240xf32, #tpu.memory_space<hbm>> -> memref<1x10240xf32, #tpu.memory_space<hbm>>
        %dma_start3A_19 = tpu.memref_squeeze %dma_start3A_18 : memref<1x10240xf32, #tpu.memory_space<hbm>> -> memref<10240xf32, #tpu.memory_space<hbm>>
        tpu.enqueue_dma source(%arg4 : memref<10240xf32, #tpu.memory_space<vmem>>) target(%dma_start3A_19 : memref<10240xf32, #tpu.memory_space<hbm>>) target_semaphore(%run_scoped3A : memref<!tpu.dma_semaphore, #tpu.memory_space<semaphore_mem>>)
        %dma_wait3A_20 = arith.constant 0 : i32
        %dma_wait3A_21 = tpu.memref_slice %arg3[%arg1, %dma_wait3A_20] : memref<16x10240xf32, #tpu.memory_space<hbm>> -> memref<1x10240xf32, #tpu.memory_space<hbm>>
        %dma_wait3A_22 = tpu.memref_squeeze %dma_wait3A_21 : memref<1x10240xf32, #tpu.memory_space<hbm>> -> memref<10240xf32, #tpu.memory_space<hbm>>
        %dma_wait3A_23 = arith.constant 0 : i32
        %dma_wait3A_24 = tpu.memref_slice %arg3[%arg1, %dma_wait3A_23] : memref<16x10240xf32, #tpu.memory_space<hbm>> -> memref<1x10240xf32, #tpu.memory_space<hbm>>
        %dma_wait3A_25 = tpu.memref_squeeze %dma_wait3A_24 : memref<1x10240xf32, #tpu.memory_space<hbm>> -> memref<10240xf32, #tpu.memory_space<hbm>>
        tpu.wait_dma2 semaphore(%run_scoped3A : memref<!tpu.dma_semaphore, #tpu.memory_space<semaphore_mem>>) src(%arg4 : memref<10240xf32, #tpu.memory_space<vmem>>) dst(%dma_wait3A_25 : memref<10240xf32, #tpu.memory_space<hbm>>)
        tpu.yield
      }) : () -> ()
    } else {
    }
    return
  }
}

module attributes {stable_mosaic.version = 14 : i64} {
  func.func @body(%arg0: i32, %arg1: memref<2048x256xf32, #tpu.memory_space<vmem>>, %arg2: memref<16x256xf32, #tpu.memory_space<vmem>>, %arg3: memref<16xf32, #tpu.memory_space<vmem>>, %arg4: memref<16x2048xf32, #tpu.memory_space<vmem>>, %arg5: memref<16x2048xf32, #tpu.memory_space<vmem>>, %arg6: memref<2048xf32, #tpu.memory_space<vmem>>) attributes {dimension_semantics = [#tpu.dimension_semantics<arbitrary>], iteration_bounds = array<i64: 5>, scalar_prefetch = 0 : i64, scratch_operands = 0 : i64, tpu.core_type = #tpu.core_type<tc>, window_params = [{transform_indices = @transform_0, window_bounds = array<i64: 2048, 256>}, {pipeline_mode = #tpu.pipeline_mode<synchronous>, transform_indices = @transform_1, window_bounds = array<i64: 16, 256>}, {pipeline_mode = #tpu.pipeline_mode<synchronous>, transform_indices = @transform_2, window_bounds = array<i64: 16>}, {transform_indices = @transform_3, window_bounds = array<i64: 16, 2048>}, {transform_indices = @transform_4, window_bounds = array<i64: 16, 2048>}, {transform_indices = @transform_5, window_bounds = array<i64: 2048>}]} {
    %get3A = arith.constant 0 : index
    %get3A_0 = arith.constant 0 : index
    %get3A_1 = vector.load %arg4[%get3A, %get3A_0] : memref<16x2048xf32, #tpu.memory_space<vmem>>, vector<16x2048xf32>
    %reduce_sum3A = arith.constant dense<0.000000e+00> : vector<2048xf32>
    %reduce_sum3A_2 = vector.multi_reduction <add>, %get3A_1, %reduce_sum3A [0] : vector<16x2048xf32> to vector<2048xf32>
    %add3A = arith.constant 1.000000e+00 : f32
    %add3A_3 = vector.broadcast %add3A : f32 to vector<2048xf32>
    %add3A_4 = arith.addf %reduce_sum3A_2, %add3A_3 : vector<2048xf32>
    %rsqrt3A = math.rsqrt %add3A_4 : vector<2048xf32>
    %get3A_5 = arith.constant 0 : index
    %get3A_6 = arith.constant 0 : index
    %get3A_7 = vector.load %arg2[%get3A_5, %get3A_6] : memref<16x256xf32, #tpu.memory_space<vmem>>, vector<16x256xf32>
    %get3A_8 = arith.constant 0 : index
    %get3A_9 = arith.constant 0 : index
    %get3A_10 = vector.load %arg1[%get3A_8, %get3A_9] : memref<2048x256xf32, #tpu.memory_space<vmem>>, vector<2048x256xf32>
    %dot_general3A = arith.constant dense<0.000000e+00> : vector<16x2048xf32>
    %dot_general3A_11 = tpu.matmul %get3A_7, %get3A_10, %dot_general3A {dimension_numbers = #tpu.dot_dimension_numbers<[1], [1], [0], [0], [0, 0, 1, 0], [], []>, transpose_lhs_hint = false} : vector<16x256xf32>, vector<2048x256xf32>, vector<16x2048xf32> -> vector<16x2048xf32>
    %broadcast_in_dim3A = vector.shape_cast %rsqrt3A : vector<2048xf32> to vector<1x2048xf32>
    %get3A_12 = arith.constant 0 : index
    %get3A_13 = vector.load %arg3[%get3A_12] : memref<16xf32, #tpu.memory_space<vmem>>, vector<16xf32>
    %broadcast_in_dim3A_14 = vector.shape_cast %get3A_13 : vector<16xf32> to vector<16x1xf32>
    %add3A_15 = vector.broadcast %broadcast_in_dim3A_14 : vector<16x1xf32> to vector<16x2048xf32>
    %add3A_16 = arith.addf %dot_general3A_11, %add3A_15 : vector<16x2048xf32>
    %mul3A = vector.broadcast %broadcast_in_dim3A : vector<1x2048xf32> to vector<16x2048xf32>
    %mul3A_17 = arith.mulf %mul3A, %add3A_16 : vector<16x2048xf32>
    %swap3A = arith.constant 0 : index
    %swap3A_18 = arith.constant 0 : index
    %swap3A_19 = vector.load %arg5[%swap3A, %swap3A_18] : memref<16x2048xf32, #tpu.memory_space<vmem>>, vector<16x2048xf32>
    tpu.vector_store %arg5[%swap3A, %swap3A_18], %mul3A_17 {strides = array<i32>} : memref<16x2048xf32, #tpu.memory_space<vmem>>, vector<16x2048xf32>,
    %swap3A_20 = arith.constant 0 : index
    %swap3A_21 = vector.load %arg6[%swap3A_20] : memref<2048xf32, #tpu.memory_space<vmem>>, vector<2048xf32>
    tpu.vector_store %arg6[%swap3A_20], %rsqrt3A {strides = array<i32>} : memref<2048xf32, #tpu.memory_space<vmem>>, vector<2048xf32>,
    return
  }
  func.func @transform_0(%arg0: i32) -> (i32, i32) {
    %c0_i32 = arith.constant 0 : i32
    %c0_i32_0 = arith.constant 0 : i32
    return %arg0, %c0_i32 : i32, i32
  }
  func.func @transform_1(%arg0: i32) -> (i32, i32) {
    %c0_i32 = arith.constant 0 : i32
    %c0_i32_0 = arith.constant 0 : i32
    %c0_i32_1 = arith.constant 0 : i32
    return %c0_i32, %c0_i32_0 : i32, i32
  }
  func.func @transform_2(%arg0: i32) -> i32 {
    %c0_i32 = arith.constant 0 : i32
    %c0_i32_0 = arith.constant 0 : i32
    return %c0_i32 : i32
  }
  func.func @transform_3(%arg0: i32) -> (i32, i32) {
    %c0_i32 = arith.constant 0 : i32
    %c0_i32_0 = arith.constant 0 : i32
    return %c0_i32, %arg0 : i32, i32
  }
  func.func @transform_4(%arg0: i32) -> (i32, i32) {
    %c0_i32 = arith.constant 0 : i32
    %c0_i32_0 = arith.constant 0 : i32
    return %c0_i32, %arg0 : i32, i32
  }
  func.func @transform_5(%arg0: i32) -> i32 {
    %c0_i32 = arith.constant 0 : i32
    return %arg0 : i32
  }
}

module attributes {stable_mosaic.version = 14 : i64} {
  func.func @body(%arg0: i32, %arg1: memref<2x16x4x2048xf32, #tpu.memory_space<vmem>>, %arg2: memref<16x2048xf32, #tpu.memory_space<vmem>>, %arg3: memref<2048xf32, #tpu.memory_space<vmem>>, %arg4: memref<16x16xf32, #tpu.memory_space<vmem>>, %arg5: memref<16xf32, #tpu.memory_space<vmem>>, %arg6: memref<16x2048xf32, #tpu.memory_space<vmem>>) attributes {dimension_semantics = [#tpu.dimension_semantics<arbitrary>], iteration_bounds = array<i64: 5>, scalar_prefetch = 0 : i64, scratch_operands = 0 : i64, tpu.core_type = #tpu.core_type<tc>, window_params = [{transform_indices = @transform_0, window_bounds = array<i64: 2, 16, 4, 2048>}, {transform_indices = @transform_1, window_bounds = array<i64: 16, 2048>}, {transform_indices = @transform_2, window_bounds = array<i64: 2048>}, {pipeline_mode = #tpu.pipeline_mode<synchronous>, transform_indices = @transform_3, window_bounds = array<i64: 16, 16>}, {pipeline_mode = #tpu.pipeline_mode<synchronous>, transform_indices = @transform_4, window_bounds = array<i64: 16>}, {transform_indices = @transform_5, window_bounds = array<i64: 16, 2048>}]} {
    %get3A = arith.constant 0 : index
    %get3A_0 = vector.load %arg3[%get3A] : memref<2048xf32, #tpu.memory_space<vmem>>, vector<2048xf32>
    %broadcast_in_dim3A = vector.shape_cast %get3A_0 : vector<2048xf32> to vector<1x2048xf32>
    %get3A_1 = arith.constant 0 : index
    %get3A_2 = arith.constant 0 : index
    %get3A_3 = arith.constant 0 : index
    %get3A_4 = arith.constant 0 : index
    %get3A_5 = vector.load %arg1[%get3A_1, %get3A_2, %get3A_3, %get3A_4] : memref<2x16x4x2048xf32, #tpu.memory_space<vmem>>, vector<1x1x4x2048xf32>
    %get3A_6 = vector.shape_cast %get3A_5 : vector<1x1x4x2048xf32> to vector<4x2048xf32>
    %get3A_7 = arith.constant 0 : index
    %get3A_8 = arith.constant 4 : index
    %get3A_9 = arith.constant 0 : index
    %get3A_10 = arith.constant 0 : index
    %get3A_11 = vector.load %arg1[%get3A_7, %get3A_8, %get3A_9, %get3A_10] : memref<2x16x4x2048xf32, #tpu.memory_space<vmem>>, vector<1x1x4x2048xf32>
    %get3A_12 = vector.shape_cast %get3A_11 : vector<1x1x4x2048xf32> to vector<4x2048xf32>
    %add3A = arith.addf %get3A_6, %get3A_12 : vector<4x2048xf32>
    %get3A_13 = arith.constant 0 : index
    %get3A_14 = arith.constant 8 : index
    %get3A_15 = arith.constant 0 : index
    %get3A_16 = arith.constant 0 : index
    %get3A_17 = vector.load %arg1[%get3A_13, %get3A_14, %get3A_15, %get3A_16] : memref<2x16x4x2048xf32, #tpu.memory_space<vmem>>, vector<1x1x4x2048xf32>
    %get3A_18 = vector.shape_cast %get3A_17 : vector<1x1x4x2048xf32> to vector<4x2048xf32>
    %add3A_19 = arith.addf %add3A, %get3A_18 : vector<4x2048xf32>
    %get3A_20 = arith.constant 0 : index
    %get3A_21 = arith.constant 12 : index
    %get3A_22 = arith.constant 0 : index
    %get3A_23 = arith.constant 0 : index
    %get3A_24 = vector.load %arg1[%get3A_20, %get3A_21, %get3A_22, %get3A_23] : memref<2x16x4x2048xf32, #tpu.memory_space<vmem>>, vector<1x1x4x2048xf32>
    %get3A_25 = vector.shape_cast %get3A_24 : vector<1x1x4x2048xf32> to vector<4x2048xf32>
    %add3A_26 = arith.addf %add3A_19, %get3A_25 : vector<4x2048xf32>
    %get3A_27 = arith.constant 1 : index
    %get3A_28 = arith.constant 0 : index
    %get3A_29 = arith.constant 0 : index
    %get3A_30 = arith.constant 0 : index
    %get3A_31 = vector.load %arg1[%get3A_27, %get3A_28, %get3A_29, %get3A_30] : memref<2x16x4x2048xf32, #tpu.memory_space<vmem>>, vector<1x1x4x2048xf32>
    %get3A_32 = vector.shape_cast %get3A_31 : vector<1x1x4x2048xf32> to vector<4x2048xf32>
    %add3A_33 = arith.addf %add3A_26, %get3A_32 : vector<4x2048xf32>
    %get3A_34 = arith.constant 1 : index
    %get3A_35 = arith.constant 4 : index
    %get3A_36 = arith.constant 0 : index
    %get3A_37 = arith.constant 0 : index
    %get3A_38 = vector.load %arg1[%get3A_34, %get3A_35, %get3A_36, %get3A_37] : memref<2x16x4x2048xf32, #tpu.memory_space<vmem>>, vector<1x1x4x2048xf32>
    %get3A_39 = vector.shape_cast %get3A_38 : vector<1x1x4x2048xf32> to vector<4x2048xf32>
    %add3A_40 = arith.addf %add3A_33, %get3A_39 : vector<4x2048xf32>
    %get3A_41 = arith.constant 1 : index
    %get3A_42 = arith.constant 8 : index
    %get3A_43 = arith.constant 0 : index
    %get3A_44 = arith.constant 0 : index
    %get3A_45 = vector.load %arg1[%get3A_41, %get3A_42, %get3A_43, %get3A_44] : memref<2x16x4x2048xf32, #tpu.memory_space<vmem>>, vector<1x1x4x2048xf32>
    %get3A_46 = vector.shape_cast %get3A_45 : vector<1x1x4x2048xf32> to vector<4x2048xf32>
    %add3A_47 = arith.addf %add3A_40, %get3A_46 : vector<4x2048xf32>
    %get3A_48 = arith.constant 1 : index
    %get3A_49 = arith.constant 12 : index
    %get3A_50 = arith.constant 0 : index
    %get3A_51 = arith.constant 0 : index
    %get3A_52 = vector.load %arg1[%get3A_48, %get3A_49, %get3A_50, %get3A_51] : memref<2x16x4x2048xf32, #tpu.memory_space<vmem>>, vector<1x1x4x2048xf32>
    %get3A_53 = vector.shape_cast %get3A_52 : vector<1x1x4x2048xf32> to vector<4x2048xf32>
    %add3A_54 = arith.addf %add3A_47, %get3A_53 : vector<4x2048xf32>
    %get3A_55 = arith.constant 0 : index
    %get3A_56 = arith.constant 1 : index
    %get3A_57 = arith.constant 0 : index
    %get3A_58 = arith.constant 0 : index
    %get3A_59 = vector.load %arg1[%get3A_55, %get3A_56, %get3A_57, %get3A_58] : memref<2x16x4x2048xf32, #tpu.memory_space<vmem>>, vector<1x1x4x2048xf32>
    %get3A_60 = vector.shape_cast %get3A_59 : vector<1x1x4x2048xf32> to vector<4x2048xf32>
    %get3A_61 = arith.constant 0 : index
    %get3A_62 = arith.constant 5 : index
    %get3A_63 = arith.constant 0 : index
    %get3A_64 = arith.constant 0 : index
    %get3A_65 = vector.load %arg1[%get3A_61, %get3A_62, %get3A_63, %get3A_64] : memref<2x16x4x2048xf32, #tpu.memory_space<vmem>>, vector<1x1x4x2048xf32>
    %get3A_66 = vector.shape_cast %get3A_65 : vector<1x1x4x2048xf32> to vector<4x2048xf32>
    %add3A_67 = arith.addf %get3A_60, %get3A_66 : vector<4x2048xf32>
    %get3A_68 = arith.constant 0 : index
    %get3A_69 = arith.constant 9 : index
    %get3A_70 = arith.constant 0 : index
    %get3A_71 = arith.constant 0 : index
    %get3A_72 = vector.load %arg1[%get3A_68, %get3A_69, %get3A_70, %get3A_71] : memref<2x16x4x2048xf32, #tpu.memory_space<vmem>>, vector<1x1x4x2048xf32>
    %get3A_73 = vector.shape_cast %get3A_72 : vector<1x1x4x2048xf32> to vector<4x2048xf32>
    %add3A_74 = arith.addf %add3A_67, %get3A_73 : vector<4x2048xf32>
    %get3A_75 = arith.constant 0 : index
    %get3A_76 = arith.constant 13 : index
    %get3A_77 = arith.constant 0 : index
    %get3A_78 = arith.constant 0 : index
    %get3A_79 = vector.load %arg1[%get3A_75, %get3A_76, %get3A_77, %get3A_78] : memref<2x16x4x2048xf32, #tpu.memory_space<vmem>>, vector<1x1x4x2048xf32>
    %get3A_80 = vector.shape_cast %get3A_79 : vector<1x1x4x2048xf32> to vector<4x2048xf32>
    %add3A_81 = arith.addf %add3A_74, %get3A_80 : vector<4x2048xf32>
    %get3A_82 = arith.constant 1 : index
    %get3A_83 = arith.constant 1 : index
    %get3A_84 = arith.constant 0 : index
    %get3A_85 = arith.constant 0 : index
    %get3A_86 = vector.load %arg1[%get3A_82, %get3A_83, %get3A_84, %get3A_85] : memref<2x16x4x2048xf32, #tpu.memory_space<vmem>>, vector<1x1x4x2048xf32>
    %get3A_87 = vector.shape_cast %get3A_86 : vector<1x1x4x2048xf32> to vector<4x2048xf32>
    %add3A_88 = arith.addf %add3A_81, %get3A_87 : vector<4x2048xf32>
    %get3A_89 = arith.constant 1 : index
    %get3A_90 = arith.constant 5 : index
    %get3A_91 = arith.constant 0 : index
    %get3A_92 = arith.constant 0 : index
    %get3A_93 = vector.load %arg1[%get3A_89, %get3A_90, %get3A_91, %get3A_92] : memref<2x16x4x2048xf32, #tpu.memory_space<vmem>>, vector<1x1x4x2048xf32>
    %get3A_94 = vector.shape_cast %get3A_93 : vector<1x1x4x2048xf32> to vector<4x2048xf32>
    %add3A_95 = arith.addf %add3A_88, %get3A_94 : vector<4x2048xf32>
    %get3A_96 = arith.constant 1 : index
    %get3A_97 = arith.constant 9 : index
    %get3A_98 = arith.constant 0 : index
    %get3A_99 = arith.constant 0 : index
    %get3A_100 = vector.load %arg1[%get3A_96, %get3A_97, %get3A_98, %get3A_99] : memref<2x16x4x2048xf32, #tpu.memory_space<vmem>>, vector<1x1x4x2048xf32>
    %get3A_101 = vector.shape_cast %get3A_100 : vector<1x1x4x2048xf32> to vector<4x2048xf32>
    %add3A_102 = arith.addf %add3A_95, %get3A_101 : vector<4x2048xf32>
    %get3A_103 = arith.constant 1 : index
    %get3A_104 = arith.constant 13 : index
    %get3A_105 = arith.constant 0 : index
    %get3A_106 = arith.constant 0 : index
    %get3A_107 = vector.load %arg1[%get3A_103, %get3A_104, %get3A_105, %get3A_106] : memref<2x16x4x2048xf32, #tpu.memory_space<vmem>>, vector<1x1x4x2048xf32>
    %get3A_108 = vector.shape_cast %get3A_107 : vector<1x1x4x2048xf32> to vector<4x2048xf32>
    %add3A_109 = arith.addf %add3A_102, %get3A_108 : vector<4x2048xf32>
    %get3A_110 = arith.constant 0 : index
    %get3A_111 = arith.constant 2 : index
    %get3A_112 = arith.constant 0 : index
    %get3A_113 = arith.constant 0 : index
    %get3A_114 = vector.load %arg1[%get3A_110, %get3A_111, %get3A_112, %get3A_113] : memref<2x16x4x2048xf32, #tpu.memory_space<vmem>>, vector<1x1x4x2048xf32>
    %get3A_115 = vector.shape_cast %get3A_114 : vector<1x1x4x2048xf32> to vector<4x2048xf32>
    %get3A_116 = arith.constant 0 : index
    %get3A_117 = arith.constant 6 : index
    %get3A_118 = arith.constant 0 : index
    %get3A_119 = arith.constant 0 : index
    %get3A_120 = vector.load %arg1[%get3A_116, %get3A_117, %get3A_118, %get3A_119] : memref<2x16x4x2048xf32, #tpu.memory_space<vmem>>, vector<1x1x4x2048xf32>
    %get3A_121 = vector.shape_cast %get3A_120 : vector<1x1x4x2048xf32> to vector<4x2048xf32>
    %add3A_122 = arith.addf %get3A_115, %get3A_121 : vector<4x2048xf32>
    %get3A_123 = arith.constant 0 : index
    %get3A_124 = arith.constant 10 : index
    %get3A_125 = arith.constant 0 : index
    %get3A_126 = arith.constant 0 : index
    %get3A_127 = vector.load %arg1[%get3A_123, %get3A_124, %get3A_125, %get3A_126] : memref<2x16x4x2048xf32, #tpu.memory_space<vmem>>, vector<1x1x4x2048xf32>
    %get3A_128 = vector.shape_cast %get3A_127 : vector<1x1x4x2048xf32> to vector<4x2048xf32>
    %add3A_129 = arith.addf %add3A_122, %get3A_128 : vector<4x2048xf32>
    %get3A_130 = arith.constant 0 : index
    %get3A_131 = arith.constant 14 : index
    %get3A_132 = arith.constant 0 : index
    %get3A_133 = arith.constant 0 : index
    %get3A_134 = vector.load %arg1[%get3A_130, %get3A_131, %get3A_132, %get3A_133] : memref<2x16x4x2048xf32, #tpu.memory_space<vmem>>, vector<1x1x4x2048xf32>
    %get3A_135 = vector.shape_cast %get3A_134 : vector<1x1x4x2048xf32> to vector<4x2048xf32>
    %add3A_136 = arith.addf %add3A_129, %get3A_135 : vector<4x2048xf32>
    %get3A_137 = arith.constant 1 : index
    %get3A_138 = arith.constant 2 : index
    %get3A_139 = arith.constant 0 : index
    %get3A_140 = arith.constant 0 : index
    %get3A_141 = vector.load %arg1[%get3A_137, %get3A_138, %get3A_139, %get3A_140] : memref<2x16x4x2048xf32, #tpu.memory_space<vmem>>, vector<1x1x4x2048xf32>
    %get3A_142 = vector.shape_cast %get3A_141 : vector<1x1x4x2048xf32> to vector<4x2048xf32>
    %add3A_143 = arith.addf %add3A_136, %get3A_142 : vector<4x2048xf32>
    %get3A_144 = arith.constant 1 : index
    %get3A_145 = arith.constant 6 : index
    %get3A_146 = arith.constant 0 : index
    %get3A_147 = arith.constant 0 : index
    %get3A_148 = vector.load %arg1[%get3A_144, %get3A_145, %get3A_146, %get3A_147] : memref<2x16x4x2048xf32, #tpu.memory_space<vmem>>, vector<1x1x4x2048xf32>
    %get3A_149 = vector.shape_cast %get3A_148 : vector<1x1x4x2048xf32> to vector<4x2048xf32>
    %add3A_150 = arith.addf %add3A_143, %get3A_149 : vector<4x2048xf32>
    %get3A_151 = arith.constant 1 : index
    %get3A_152 = arith.constant 10 : index
    %get3A_153 = arith.constant 0 : index
    %get3A_154 = arith.constant 0 : index
    %get3A_155 = vector.load %arg1[%get3A_151, %get3A_152, %get3A_153, %get3A_154] : memref<2x16x4x2048xf32, #tpu.memory_space<vmem>>, vector<1x1x4x2048xf32>
    %get3A_156 = vector.shape_cast %get3A_155 : vector<1x1x4x2048xf32> to vector<4x2048xf32>
    %add3A_157 = arith.addf %add3A_150, %get3A_156 : vector<4x2048xf32>
    %get3A_158 = arith.constant 1 : index
    %get3A_159 = arith.constant 14 : index
    %get3A_160 = arith.constant 0 : index
    %get3A_161 = arith.constant 0 : index
    %get3A_162 = vector.load %arg1[%get3A_158, %get3A_159, %get3A_160, %get3A_161] : memref<2x16x4x2048xf32, #tpu.memory_space<vmem>>, vector<1x1x4x2048xf32>
    %get3A_163 = vector.shape_cast %get3A_162 : vector<1x1x4x2048xf32> to vector<4x2048xf32>
    %add3A_164 = arith.addf %add3A_157, %get3A_163 : vector<4x2048xf32>
    %get3A_165 = arith.constant 0 : index
    %get3A_166 = arith.constant 3 : index
    %get3A_167 = arith.constant 0 : index
    %get3A_168 = arith.constant 0 : index
    %get3A_169 = vector.load %arg1[%get3A_165, %get3A_166, %get3A_167, %get3A_168] : memref<2x16x4x2048xf32, #tpu.memory_space<vmem>>, vector<1x1x4x2048xf32>
    %get3A_170 = vector.shape_cast %get3A_169 : vector<1x1x4x2048xf32> to vector<4x2048xf32>
    %get3A_171 = arith.constant 0 : index
    %get3A_172 = arith.constant 7 : index
    %get3A_173 = arith.constant 0 : index
    %get3A_174 = arith.constant 0 : index
    %get3A_175 = vector.load %arg1[%get3A_171, %get3A_172, %get3A_173, %get3A_174] : memref<2x16x4x2048xf32, #tpu.memory_space<vmem>>, vector<1x1x4x2048xf32>
    %get3A_176 = vector.shape_cast %get3A_175 : vector<1x1x4x2048xf32> to vector<4x2048xf32>
    %add3A_177 = arith.addf %get3A_170, %get3A_176 : vector<4x2048xf32>
    %get3A_178 = arith.constant 0 : index
    %get3A_179 = arith.constant 11 : index
    %get3A_180 = arith.constant 0 : index
    %get3A_181 = arith.constant 0 : index
    %get3A_182 = vector.load %arg1[%get3A_178, %get3A_179, %get3A_180, %get3A_181] : memref<2x16x4x2048xf32, #tpu.memory_space<vmem>>, vector<1x1x4x2048xf32>
    %get3A_183 = vector.shape_cast %get3A_182 : vector<1x1x4x2048xf32> to vector<4x2048xf32>
    %add3A_184 = arith.addf %add3A_177, %get3A_183 : vector<4x2048xf32>
    %get3A_185 = arith.constant 0 : index
    %get3A_186 = arith.constant 15 : index
    %get3A_187 = arith.constant 0 : index
    %get3A_188 = arith.constant 0 : index
    %get3A_189 = vector.load %arg1[%get3A_185, %get3A_186, %get3A_187, %get3A_188] : memref<2x16x4x2048xf32, #tpu.memory_space<vmem>>, vector<1x1x4x2048xf32>
    %get3A_190 = vector.shape_cast %get3A_189 : vector<1x1x4x2048xf32> to vector<4x2048xf32>
    %add3A_191 = arith.addf %add3A_184, %get3A_190 : vector<4x2048xf32>
    %get3A_192 = arith.constant 1 : index
    %get3A_193 = arith.constant 3 : index
    %get3A_194 = arith.constant 0 : index
    %get3A_195 = arith.constant 0 : index
    %get3A_196 = vector.load %arg1[%get3A_192, %get3A_193, %get3A_194, %get3A_195] : memref<2x16x4x2048xf32, #tpu.memory_space<vmem>>, vector<1x1x4x2048xf32>
    %get3A_197 = vector.shape_cast %get3A_196 : vector<1x1x4x2048xf32> to vector<4x2048xf32>
    %add3A_198 = arith.addf %add3A_191, %get3A_197 : vector<4x2048xf32>
    %get3A_199 = arith.constant 1 : index
    %get3A_200 = arith.constant 7 : index
    %get3A_201 = arith.constant 0 : index
    %get3A_202 = arith.constant 0 : index
    %get3A_203 = vector.load %arg1[%get3A_199, %get3A_200, %get3A_201, %get3A_202] : memref<2x16x4x2048xf32, #tpu.memory_space<vmem>>, vector<1x1x4x2048xf32>
    %get3A_204 = vector.shape_cast %get3A_203 : vector<1x1x4x2048xf32> to vector<4x2048xf32>
    %add3A_205 = arith.addf %add3A_198, %get3A_204 : vector<4x2048xf32>
    %get3A_206 = arith.constant 1 : index
    %get3A_207 = arith.constant 11 : index
    %get3A_208 = arith.constant 0 : index
    %get3A_209 = arith.constant 0 : index
    %get3A_210 = vector.load %arg1[%get3A_206, %get3A_207, %get3A_208, %get3A_209] : memref<2x16x4x2048xf32, #tpu.memory_space<vmem>>, vector<1x1x4x2048xf32>
    %get3A_211 = vector.shape_cast %get3A_210 : vector<1x1x4x2048xf32> to vector<4x2048xf32>
    %add3A_212 = arith.addf %add3A_205, %get3A_211 : vector<4x2048xf32>
    %get3A_213 = arith.constant 1 : index
    %get3A_214 = arith.constant 15 : index
    %get3A_215 = arith.constant 0 : index
    %get3A_216 = arith.constant 0 : index
    %get3A_217 = vector.load %arg1[%get3A_213, %get3A_214, %get3A_215, %get3A_216] : memref<2x16x4x2048xf32, #tpu.memory_space<vmem>>, vector<1x1x4x2048xf32>
    %get3A_218 = vector.shape_cast %get3A_217 : vector<1x1x4x2048xf32> to vector<4x2048xf32>
    %add3A_219 = arith.addf %add3A_212, %get3A_218 : vector<4x2048xf32>
    %concatenate3A = tpu.concatenate %add3A_54, %add3A_109, %add3A_164, %add3A_219 in 0 : vector<4x2048xf32>, vector<4x2048xf32>, vector<4x2048xf32>, vector<4x2048xf32> -> vector<16x2048xf32>
    %get3A_220 = arith.constant 0 : index
    %get3A_221 = arith.constant 0 : index
    %get3A_222 = vector.load %arg2[%get3A_220, %get3A_221] : memref<16x2048xf32, #tpu.memory_space<vmem>>, vector<16x2048xf32>
    %add3A_223 = arith.addf %concatenate3A, %get3A_222 : vector<16x2048xf32>
    %mul3A = vector.broadcast %broadcast_in_dim3A : vector<1x2048xf32> to vector<16x2048xf32>
    %mul3A_224 = arith.mulf %mul3A, %add3A_223 : vector<16x2048xf32>
    %max3A = arith.constant 0.000000e+00 : f32
    %max3A_225 = vector.broadcast %max3A : f32 to vector<16x2048xf32>
    %max3A_226 = arith.maximumf %mul3A_224, %max3A_225 : vector<16x2048xf32>
    %get3A_227 = arith.constant 0 : index
    %get3A_228 = arith.constant 0 : index
    %get3A_229 = vector.load %arg4[%get3A_227, %get3A_228] : memref<16x16xf32, #tpu.memory_space<vmem>>, vector<16x16xf32>
    %dot_general3A = arith.constant dense<0.000000e+00> : vector<16x2048xf32>
    %dot_general3A_230 = tpu.matmul %get3A_229, %max3A_226, %dot_general3A {dimension_numbers = #tpu.dot_dimension_numbers<[1], [0], [0], [1], [0, 0, 1, 1], [], []>, transpose_lhs_hint = false} : vector<16x16xf32>, vector<16x2048xf32>, vector<16x2048xf32> -> vector<16x2048xf32>
    %broadcast_in_dim3A_231 = vector.shape_cast %get3A_0 : vector<2048xf32> to vector<1x2048xf32>
    %get3A_232 = arith.constant 0 : index
    %get3A_233 = vector.load %arg5[%get3A_232] : memref<16xf32, #tpu.memory_space<vmem>>, vector<16xf32>
    %broadcast_in_dim3A_234 = vector.shape_cast %get3A_233 : vector<16xf32> to vector<16x1xf32>
    %add3A_235 = vector.broadcast %broadcast_in_dim3A_234 : vector<16x1xf32> to vector<16x2048xf32>
    %add3A_236 = arith.addf %dot_general3A_230, %add3A_235 : vector<16x2048xf32>
    %mul3A_237 = vector.broadcast %broadcast_in_dim3A_231 : vector<1x2048xf32> to vector<16x2048xf32>
    %mul3A_238 = arith.mulf %mul3A_237, %add3A_236 : vector<16x2048xf32>
    %swap3A = arith.constant 0 : index
    %swap3A_239 = arith.constant 0 : index
    %swap3A_240 = vector.load %arg6[%swap3A, %swap3A_239] : memref<16x2048xf32, #tpu.memory_space<vmem>>, vector<16x2048xf32>
    tpu.vector_store %arg6[%swap3A, %swap3A_239], %mul3A_238 {strides = array<i32>} : memref<16x2048xf32, #tpu.memory_space<vmem>>, vector<16x2048xf32>,
    return
  }
  func.func @transform_0(%arg0: i32) -> (i32, i32, i32, i32) {
    %c0_i32 = arith.constant 0 : i32
    %c0_i32_0 = arith.constant 0 : i32
    %c0_i32_1 = arith.constant 0 : i32
    %c0_i32_2 = arith.constant 0 : i32
    return %c0_i32, %c0_i32_0, %c0_i32_1, %arg0 : i32, i32, i32, i32
  }
  func.func @transform_1(%arg0: i32) -> (i32, i32) {
    %c0_i32 = arith.constant 0 : i32
    %c0_i32_0 = arith.constant 0 : i32
    return %c0_i32, %arg0 : i32, i32
  }
  func.func @transform_2(%arg0: i32) -> i32 {
    %c0_i32 = arith.constant 0 : i32
    return %arg0 : i32
  }
  func.func @transform_3(%arg0: i32) -> (i32, i32) {
    %c0_i32 = arith.constant 0 : i32
    %c0_i32_0 = arith.constant 0 : i32
    %c0_i32_1 = arith.constant 0 : i32
    return %c0_i32, %c0_i32_0 : i32, i32
  }
  func.func @transform_4(%arg0: i32) -> i32 {
    %c0_i32 = arith.constant 0 : i32
    %c0_i32_0 = arith.constant 0 : i32
    return %c0_i32 : i32
  }
  func.func @transform_5(%arg0: i32) -> (i32, i32) {
    %c0_i32 = arith.constant 0 : i32
    %c0_i32_0 = arith.constant 0 : i32
    return %c0_i32, %arg0 : i32, i32
  }
}

module attributes {stable_mosaic.version = 14 : i64} {
  func.func @body(%arg0: i32, %arg1: memref<2x16x4x2048xf32, #tpu.memory_space<vmem>>, %arg2: memref<16x2048xf32, #tpu.memory_space<vmem>>, %arg3: memref<2048xf32, #tpu.memory_space<vmem>>, %arg4: memref<7x2048xf32, #tpu.memory_space<vmem>>) attributes {dimension_semantics = [#tpu.dimension_semantics<arbitrary>], iteration_bounds = array<i64: 5>, scalar_prefetch = 0 : i64, scratch_operands = 0 : i64, tpu.core_type = #tpu.core_type<tc>, window_params = [{transform_indices = @transform_0, window_bounds = array<i64: 2, 16, 4, 2048>}, {transform_indices = @transform_1, window_bounds = array<i64: 16, 2048>}, {transform_indices = @transform_2, window_bounds = array<i64: 2048>}, {transform_indices = @transform_3, window_bounds = array<i64: 7, 2048>}]} {
    %get3A = arith.constant 0 : index
    %get3A_0 = vector.load %arg3[%get3A] : memref<2048xf32, #tpu.memory_space<vmem>>, vector<2048xf32>
    %broadcast_in_dim3A = vector.shape_cast %get3A_0 : vector<2048xf32> to vector<1x2048xf32>
    %get3A_1 = arith.constant 0 : index
    %get3A_2 = arith.constant 0 : index
    %get3A_3 = arith.constant 0 : index
    %get3A_4 = arith.constant 0 : index
    %get3A_5 = vector.load %arg1[%get3A_1, %get3A_2, %get3A_3, %get3A_4] : memref<2x16x4x2048xf32, #tpu.memory_space<vmem>>, vector<1x1x4x2048xf32>
    %get3A_6 = vector.shape_cast %get3A_5 : vector<1x1x4x2048xf32> to vector<4x2048xf32>
    %get3A_7 = arith.constant 0 : index
    %get3A_8 = arith.constant 4 : index
    %get3A_9 = arith.constant 0 : index
    %get3A_10 = arith.constant 0 : index
    %get3A_11 = vector.load %arg1[%get3A_7, %get3A_8, %get3A_9, %get3A_10] : memref<2x16x4x2048xf32, #tpu.memory_space<vmem>>, vector<1x1x4x2048xf32>
    %get3A_12 = vector.shape_cast %get3A_11 : vector<1x1x4x2048xf32> to vector<4x2048xf32>
    %add3A = arith.addf %get3A_6, %get3A_12 : vector<4x2048xf32>
    %get3A_13 = arith.constant 0 : index
    %get3A_14 = arith.constant 8 : index
    %get3A_15 = arith.constant 0 : index
    %get3A_16 = arith.constant 0 : index
    %get3A_17 = vector.load %arg1[%get3A_13, %get3A_14, %get3A_15, %get3A_16] : memref<2x16x4x2048xf32, #tpu.memory_space<vmem>>, vector<1x1x4x2048xf32>
    %get3A_18 = vector.shape_cast %get3A_17 : vector<1x1x4x2048xf32> to vector<4x2048xf32>
    %add3A_19 = arith.addf %add3A, %get3A_18 : vector<4x2048xf32>
    %get3A_20 = arith.constant 0 : index
    %get3A_21 = arith.constant 12 : index
    %get3A_22 = arith.constant 0 : index
    %get3A_23 = arith.constant 0 : index
    %get3A_24 = vector.load %arg1[%get3A_20, %get3A_21, %get3A_22, %get3A_23] : memref<2x16x4x2048xf32, #tpu.memory_space<vmem>>, vector<1x1x4x2048xf32>
    %get3A_25 = vector.shape_cast %get3A_24 : vector<1x1x4x2048xf32> to vector<4x2048xf32>
    %add3A_26 = arith.addf %add3A_19, %get3A_25 : vector<4x2048xf32>
    %get3A_27 = arith.constant 1 : index
    %get3A_28 = arith.constant 0 : index
    %get3A_29 = arith.constant 0 : index
    %get3A_30 = arith.constant 0 : index
    %get3A_31 = vector.load %arg1[%get3A_27, %get3A_28, %get3A_29, %get3A_30] : memref<2x16x4x2048xf32, #tpu.memory_space<vmem>>, vector<1x1x4x2048xf32>
    %get3A_32 = vector.shape_cast %get3A_31 : vector<1x1x4x2048xf32> to vector<4x2048xf32>
    %add3A_33 = arith.addf %add3A_26, %get3A_32 : vector<4x2048xf32>
    %get3A_34 = arith.constant 1 : index
    %get3A_35 = arith.constant 4 : index
    %get3A_36 = arith.constant 0 : index
    %get3A_37 = arith.constant 0 : index
    %get3A_38 = vector.load %arg1[%get3A_34, %get3A_35, %get3A_36, %get3A_37] : memref<2x16x4x2048xf32, #tpu.memory_space<vmem>>, vector<1x1x4x2048xf32>
    %get3A_39 = vector.shape_cast %get3A_38 : vector<1x1x4x2048xf32> to vector<4x2048xf32>
    %add3A_40 = arith.addf %add3A_33, %get3A_39 : vector<4x2048xf32>
    %get3A_41 = arith.constant 1 : index
    %get3A_42 = arith.constant 8 : index
    %get3A_43 = arith.constant 0 : index
    %get3A_44 = arith.constant 0 : index
    %get3A_45 = vector.load %arg1[%get3A_41, %get3A_42, %get3A_43, %get3A_44] : memref<2x16x4x2048xf32, #tpu.memory_space<vmem>>, vector<1x1x4x2048xf32>
    %get3A_46 = vector.shape_cast %get3A_45 : vector<1x1x4x2048xf32> to vector<4x2048xf32>
    %add3A_47 = arith.addf %add3A_40, %get3A_46 : vector<4x2048xf32>
    %get3A_48 = arith.constant 1 : index
    %get3A_49 = arith.constant 12 : index
    %get3A_50 = arith.constant 0 : index
    %get3A_51 = arith.constant 0 : index
    %get3A_52 = vector.load %arg1[%get3A_48, %get3A_49, %get3A_50, %get3A_51] : memref<2x16x4x2048xf32, #tpu.memory_space<vmem>>, vector<1x1x4x2048xf32>
    %get3A_53 = vector.shape_cast %get3A_52 : vector<1x1x4x2048xf32> to vector<4x2048xf32>
    %add3A_54 = arith.addf %add3A_47, %get3A_53 : vector<4x2048xf32>
    %get3A_55 = arith.constant 0 : index
    %get3A_56 = arith.constant 1 : index
    %get3A_57 = arith.constant 0 : index
    %get3A_58 = arith.constant 0 : index
    %get3A_59 = vector.load %arg1[%get3A_55, %get3A_56, %get3A_57, %get3A_58] : memref<2x16x4x2048xf32, #tpu.memory_space<vmem>>, vector<1x1x4x2048xf32>
    %get3A_60 = vector.shape_cast %get3A_59 : vector<1x1x4x2048xf32> to vector<4x2048xf32>
    %get3A_61 = arith.constant 0 : index
    %get3A_62 = arith.constant 5 : index
    %get3A_63 = arith.constant 0 : index
    %get3A_64 = arith.constant 0 : index
    %get3A_65 = vector.load %arg1[%get3A_61, %get3A_62, %get3A_63, %get3A_64] : memref<2x16x4x2048xf32, #tpu.memory_space<vmem>>, vector<1x1x4x2048xf32>
    %get3A_66 = vector.shape_cast %get3A_65 : vector<1x1x4x2048xf32> to vector<4x2048xf32>
    %add3A_67 = arith.addf %get3A_60, %get3A_66 : vector<4x2048xf32>
    %get3A_68 = arith.constant 0 : index
    %get3A_69 = arith.constant 9 : index
    %get3A_70 = arith.constant 0 : index
    %get3A_71 = arith.constant 0 : index
    %get3A_72 = vector.load %arg1[%get3A_68, %get3A_69, %get3A_70, %get3A_71] : memref<2x16x4x2048xf32, #tpu.memory_space<vmem>>, vector<1x1x4x2048xf32>
    %get3A_73 = vector.shape_cast %get3A_72 : vector<1x1x4x2048xf32> to vector<4x2048xf32>
    %add3A_74 = arith.addf %add3A_67, %get3A_73 : vector<4x2048xf32>
    %get3A_75 = arith.constant 0 : index
    %get3A_76 = arith.constant 13 : index
    %get3A_77 = arith.constant 0 : index
    %get3A_78 = arith.constant 0 : index
    %get3A_79 = vector.load %arg1[%get3A_75, %get3A_76, %get3A_77, %get3A_78] : memref<2x16x4x2048xf32, #tpu.memory_space<vmem>>, vector<1x1x4x2048xf32>
    %get3A_80 = vector.shape_cast %get3A_79 : vector<1x1x4x2048xf32> to vector<4x2048xf32>
    %add3A_81 = arith.addf %add3A_74, %get3A_80 : vector<4x2048xf32>
    %get3A_82 = arith.constant 1 : index
    %get3A_83 = arith.constant 1 : index
    %get3A_84 = arith.constant 0 : index
    %get3A_85 = arith.constant 0 : index
    %get3A_86 = vector.load %arg1[%get3A_82, %get3A_83, %get3A_84, %get3A_85] : memref<2x16x4x2048xf32, #tpu.memory_space<vmem>>, vector<1x1x4x2048xf32>
    %get3A_87 = vector.shape_cast %get3A_86 : vector<1x1x4x2048xf32> to vector<4x2048xf32>
    %add3A_88 = arith.addf %add3A_81, %get3A_87 : vector<4x2048xf32>
    %get3A_89 = arith.constant 1 : index
    %get3A_90 = arith.constant 5 : index
    %get3A_91 = arith.constant 0 : index
    %get3A_92 = arith.constant 0 : index
    %get3A_93 = vector.load %arg1[%get3A_89, %get3A_90, %get3A_91, %get3A_92] : memref<2x16x4x2048xf32, #tpu.memory_space<vmem>>, vector<1x1x4x2048xf32>
    %get3A_94 = vector.shape_cast %get3A_93 : vector<1x1x4x2048xf32> to vector<4x2048xf32>
    %add3A_95 = arith.addf %add3A_88, %get3A_94 : vector<4x2048xf32>
    %get3A_96 = arith.constant 1 : index
    %get3A_97 = arith.constant 9 : index
    %get3A_98 = arith.constant 0 : index
    %get3A_99 = arith.constant 0 : index
    %get3A_100 = vector.load %arg1[%get3A_96, %get3A_97, %get3A_98, %get3A_99] : memref<2x16x4x2048xf32, #tpu.memory_space<vmem>>, vector<1x1x4x2048xf32>
    %get3A_101 = vector.shape_cast %get3A_100 : vector<1x1x4x2048xf32> to vector<4x2048xf32>
    %add3A_102 = arith.addf %add3A_95, %get3A_101 : vector<4x2048xf32>
    %get3A_103 = arith.constant 1 : index
    %get3A_104 = arith.constant 13 : index
    %get3A_105 = arith.constant 0 : index
    %get3A_106 = arith.constant 0 : index
    %get3A_107 = vector.load %arg1[%get3A_103, %get3A_104, %get3A_105, %get3A_106] : memref<2x16x4x2048xf32, #tpu.memory_space<vmem>>, vector<1x1x4x2048xf32>
    %get3A_108 = vector.shape_cast %get3A_107 : vector<1x1x4x2048xf32> to vector<4x2048xf32>
    %add3A_109 = arith.addf %add3A_102, %get3A_108 : vector<4x2048xf32>
    %get3A_110 = arith.constant 0 : index
    %get3A_111 = arith.constant 2 : index
    %get3A_112 = arith.constant 0 : index
    %get3A_113 = arith.constant 0 : index
    %get3A_114 = vector.load %arg1[%get3A_110, %get3A_111, %get3A_112, %get3A_113] : memref<2x16x4x2048xf32, #tpu.memory_space<vmem>>, vector<1x1x4x2048xf32>
    %get3A_115 = vector.shape_cast %get3A_114 : vector<1x1x4x2048xf32> to vector<4x2048xf32>
    %get3A_116 = arith.constant 0 : index
    %get3A_117 = arith.constant 6 : index
    %get3A_118 = arith.constant 0 : index
    %get3A_119 = arith.constant 0 : index
    %get3A_120 = vector.load %arg1[%get3A_116, %get3A_117, %get3A_118, %get3A_119] : memref<2x16x4x2048xf32, #tpu.memory_space<vmem>>, vector<1x1x4x2048xf32>
    %get3A_121 = vector.shape_cast %get3A_120 : vector<1x1x4x2048xf32> to vector<4x2048xf32>
    %add3A_122 = arith.addf %get3A_115, %get3A_121 : vector<4x2048xf32>
    %get3A_123 = arith.constant 0 : index
    %get3A_124 = arith.constant 10 : index
    %get3A_125 = arith.constant 0 : index
    %get3A_126 = arith.constant 0 : index
    %get3A_127 = vector.load %arg1[%get3A_123, %get3A_124, %get3A_125, %get3A_126] : memref<2x16x4x2048xf32, #tpu.memory_space<vmem>>, vector<1x1x4x2048xf32>
    %get3A_128 = vector.shape_cast %get3A_127 : vector<1x1x4x2048xf32> to vector<4x2048xf32>
    %add3A_129 = arith.addf %add3A_122, %get3A_128 : vector<4x2048xf32>
    %get3A_130 = arith.constant 0 : index
    %get3A_131 = arith.constant 14 : index
    %get3A_132 = arith.constant 0 : index
    %get3A_133 = arith.constant 0 : index
    %get3A_134 = vector.load %arg1[%get3A_130, %get3A_131, %get3A_132, %get3A_133] : memref<2x16x4x2048xf32, #tpu.memory_space<vmem>>, vector<1x1x4x2048xf32>
    %get3A_135 = vector.shape_cast %get3A_134 : vector<1x1x4x2048xf32> to vector<4x2048xf32>
    %add3A_136 = arith.addf %add3A_129, %get3A_135 : vector<4x2048xf32>
    %get3A_137 = arith.constant 1 : index
    %get3A_138 = arith.constant 2 : index
    %get3A_139 = arith.constant 0 : index
    %get3A_140 = arith.constant 0 : index
    %get3A_141 = vector.load %arg1[%get3A_137, %get3A_138, %get3A_139, %get3A_140] : memref<2x16x4x2048xf32, #tpu.memory_space<vmem>>, vector<1x1x4x2048xf32>
    %get3A_142 = vector.shape_cast %get3A_141 : vector<1x1x4x2048xf32> to vector<4x2048xf32>
    %add3A_143 = arith.addf %add3A_136, %get3A_142 : vector<4x2048xf32>
    %get3A_144 = arith.constant 1 : index
    %get3A_145 = arith.constant 6 : index
    %get3A_146 = arith.constant 0 : index
    %get3A_147 = arith.constant 0 : index
    %get3A_148 = vector.load %arg1[%get3A_144, %get3A_145, %get3A_146, %get3A_147] : memref<2x16x4x2048xf32, #tpu.memory_space<vmem>>, vector<1x1x4x2048xf32>
    %get3A_149 = vector.shape_cast %get3A_148 : vector<1x1x4x2048xf32> to vector<4x2048xf32>
    %add3A_150 = arith.addf %add3A_143, %get3A_149 : vector<4x2048xf32>
    %get3A_151 = arith.constant 1 : index
    %get3A_152 = arith.constant 10 : index
    %get3A_153 = arith.constant 0 : index
    %get3A_154 = arith.constant 0 : index
    %get3A_155 = vector.load %arg1[%get3A_151, %get3A_152, %get3A_153, %get3A_154] : memref<2x16x4x2048xf32, #tpu.memory_space<vmem>>, vector<1x1x4x2048xf32>
    %get3A_156 = vector.shape_cast %get3A_155 : vector<1x1x4x2048xf32> to vector<4x2048xf32>
    %add3A_157 = arith.addf %add3A_150, %get3A_156 : vector<4x2048xf32>
    %get3A_158 = arith.constant 1 : index
    %get3A_159 = arith.constant 14 : index
    %get3A_160 = arith.constant 0 : index
    %get3A_161 = arith.constant 0 : index
    %get3A_162 = vector.load %arg1[%get3A_158, %get3A_159, %get3A_160, %get3A_161] : memref<2x16x4x2048xf32, #tpu.memory_space<vmem>>, vector<1x1x4x2048xf32>
    %get3A_163 = vector.shape_cast %get3A_162 : vector<1x1x4x2048xf32> to vector<4x2048xf32>
    %add3A_164 = arith.addf %add3A_157, %get3A_163 : vector<4x2048xf32>
    %get3A_165 = arith.constant 0 : index
    %get3A_166 = arith.constant 3 : index
    %get3A_167 = arith.constant 0 : index
    %get3A_168 = arith.constant 0 : index
    %get3A_169 = vector.load %arg1[%get3A_165, %get3A_166, %get3A_167, %get3A_168] : memref<2x16x4x2048xf32, #tpu.memory_space<vmem>>, vector<1x1x4x2048xf32>
    %get3A_170 = vector.shape_cast %get3A_169 : vector<1x1x4x2048xf32> to vector<4x2048xf32>
    %get3A_171 = arith.constant 0 : index
    %get3A_172 = arith.constant 7 : index
    %get3A_173 = arith.constant 0 : index
    %get3A_174 = arith.constant 0 : index
    %get3A_175 = vector.load %arg1[%get3A_171, %get3A_172, %get3A_173, %get3A_174] : memref<2x16x4x2048xf32, #tpu.memory_space<vmem>>, vector<1x1x4x2048xf32>
    %get3A_176 = vector.shape_cast %get3A_175 : vector<1x1x4x2048xf32> to vector<4x2048xf32>
    %add3A_177 = arith.addf %get3A_170, %get3A_176 : vector<4x2048xf32>
    %get3A_178 = arith.constant 0 : index
    %get3A_179 = arith.constant 11 : index
    %get3A_180 = arith.constant 0 : index
    %get3A_181 = arith.constant 0 : index
    %get3A_182 = vector.load %arg1[%get3A_178, %get3A_179, %get3A_180, %get3A_181] : memref<2x16x4x2048xf32, #tpu.memory_space<vmem>>, vector<1x1x4x2048xf32>
    %get3A_183 = vector.shape_cast %get3A_182 : vector<1x1x4x2048xf32> to vector<4x2048xf32>
    %add3A_184 = arith.addf %add3A_177, %get3A_183 : vector<4x2048xf32>
    %get3A_185 = arith.constant 0 : index
    %get3A_186 = arith.constant 15 : index
    %get3A_187 = arith.constant 0 : index
    %get3A_188 = arith.constant 0 : index
    %get3A_189 = vector.load %arg1[%get3A_185, %get3A_186, %get3A_187, %get3A_188] : memref<2x16x4x2048xf32, #tpu.memory_space<vmem>>, vector<1x1x4x2048xf32>
    %get3A_190 = vector.shape_cast %get3A_189 : vector<1x1x4x2048xf32> to vector<4x2048xf32>
    %add3A_191 = arith.addf %add3A_184, %get3A_190 : vector<4x2048xf32>
    %get3A_192 = arith.constant 1 : index
    %get3A_193 = arith.constant 3 : index
    %get3A_194 = arith.constant 0 : index
    %get3A_195 = arith.constant 0 : index
    %get3A_196 = vector.load %arg1[%get3A_192, %get3A_193, %get3A_194, %get3A_195] : memref<2x16x4x2048xf32, #tpu.memory_space<vmem>>, vector<1x1x4x2048xf32>
    %get3A_197 = vector.shape_cast %get3A_196 : vector<1x1x4x2048xf32> to vector<4x2048xf32>
    %add3A_198 = arith.addf %add3A_191, %get3A_197 : vector<4x2048xf32>
    %get3A_199 = arith.constant 1 : index
    %get3A_200 = arith.constant 7 : index
    %get3A_201 = arith.constant 0 : index
    %get3A_202 = arith.constant 0 : index
    %get3A_203 = vector.load %arg1[%get3A_199, %get3A_200, %get3A_201, %get3A_202] : memref<2x16x4x2048xf32, #tpu.memory_space<vmem>>, vector<1x1x4x2048xf32>
    %get3A_204 = vector.shape_cast %get3A_203 : vector<1x1x4x2048xf32> to vector<4x2048xf32>
    %add3A_205 = arith.addf %add3A_198, %get3A_204 : vector<4x2048xf32>
    %get3A_206 = arith.constant 1 : index
    %get3A_207 = arith.constant 11 : index
    %get3A_208 = arith.constant 0 : index
    %get3A_209 = arith.constant 0 : index
    %get3A_210 = vector.load %arg1[%get3A_206, %get3A_207, %get3A_208, %get3A_209] : memref<2x16x4x2048xf32, #tpu.memory_space<vmem>>, vector<1x1x4x2048xf32>
    %get3A_211 = vector.shape_cast %get3A_210 : vector<1x1x4x2048xf32> to vector<4x2048xf32>
    %add3A_212 = arith.addf %add3A_205, %get3A_211 : vector<4x2048xf32>
    %get3A_213 = arith.constant 1 : index
    %get3A_214 = arith.constant 15 : index
    %get3A_215 = arith.constant 0 : index
    %get3A_216 = arith.constant 0 : index
    %get3A_217 = vector.load %arg1[%get3A_213, %get3A_214, %get3A_215, %get3A_216] : memref<2x16x4x2048xf32, #tpu.memory_space<vmem>>, vector<1x1x4x2048xf32>
    %get3A_218 = vector.shape_cast %get3A_217 : vector<1x1x4x2048xf32> to vector<4x2048xf32>
    %add3A_219 = arith.addf %add3A_212, %get3A_218 : vector<4x2048xf32>
    %concatenate3A = tpu.concatenate %add3A_54, %add3A_109, %add3A_164, %add3A_219 in 0 : vector<4x2048xf32>, vector<4x2048xf32>, vector<4x2048xf32>, vector<4x2048xf32> -> vector<16x2048xf32>
    %get3A_220 = arith.constant 0 : index
    %get3A_221 = arith.constant 0 : index
    %get3A_222 = vector.load %arg2[%get3A_220, %get3A_221] : memref<16x2048xf32, #tpu.memory_space<vmem>>, vector<16x2048xf32>
    %add3A_223 = arith.addf %concatenate3A, %get3A_222 : vector<16x2048xf32>
    %mul3A = vector.broadcast %broadcast_in_dim3A : vector<1x2048xf32> to vector<16x2048xf32>
    %mul3A_224 = arith.mulf %mul3A, %add3A_223 : vector<16x2048xf32>
    %slice3A = vector.extract_strided_slice %mul3A_224 {offsets = [0, 0], sizes = [7, 2048], strides = [1, 1]} : vector<16x2048xf32> to vector<7x2048xf32>
    %reduce_max3A = arith.constant dense<0xFF800000> : vector<2048xf32>
    %reduce_max3A_225 = vector.multi_reduction <maximumf>, %slice3A, %reduce_max3A [0] : vector<7x2048xf32> to vector<2048xf32>
    %broadcast_in_dim3A_226 = vector.shape_cast %reduce_max3A_225 : vector<2048xf32> to vector<1x2048xf32>
    %sub3A = vector.broadcast %broadcast_in_dim3A_226 : vector<1x2048xf32> to vector<7x2048xf32>
    %sub3A_227 = arith.subf %slice3A, %sub3A : vector<7x2048xf32>
    %exp3A = math.exp %sub3A_227 : vector<7x2048xf32>
    %reduce_sum3A = arith.constant dense<0.000000e+00> : vector<2048xf32>
    %reduce_sum3A_228 = vector.multi_reduction <add>, %exp3A, %reduce_sum3A [0] : vector<7x2048xf32> to vector<2048xf32>
    %broadcast_in_dim3A_229 = vector.shape_cast %reduce_sum3A_228 : vector<2048xf32> to vector<1x2048xf32>
    %log3A = math.log %broadcast_in_dim3A_229 : vector<1x2048xf32>
    %sub3A_230 = vector.broadcast %broadcast_in_dim3A_226 : vector<1x2048xf32> to vector<7x2048xf32>
    %sub3A_231 = arith.subf %slice3A, %sub3A_230 : vector<7x2048xf32>
    %sub3A_232 = vector.broadcast %log3A : vector<1x2048xf32> to vector<7x2048xf32>
    %sub3A_233 = arith.subf %sub3A_231, %sub3A_232 : vector<7x2048xf32>
    %swap3A = arith.constant 0 : index
    %swap3A_234 = arith.constant 0 : index
    %swap3A_235 = vector.load %arg4[%swap3A, %swap3A_234] : memref<7x2048xf32, #tpu.memory_space<vmem>>, vector<7x2048xf32>
    tpu.vector_store %arg4[%swap3A, %swap3A_234], %sub3A_233 {strides = array<i32>} : memref<7x2048xf32, #tpu.memory_space<vmem>>, vector<7x2048xf32>,
    return
  }
  func.func @transform_0(%arg0: i32) -> (i32, i32, i32, i32) {
    %c0_i32 = arith.constant 0 : i32
    %c0_i32_0 = arith.constant 0 : i32
    %c0_i32_1 = arith.constant 0 : i32
    %c0_i32_2 = arith.constant 0 : i32
    return %c0_i32, %c0_i32_0, %c0_i32_1, %arg0 : i32, i32, i32, i32
  }
  func.func @transform_1(%arg0: i32) -> (i32, i32) {
    %c0_i32 = arith.constant 0 : i32
    %c0_i32_0 = arith.constant 0 : i32
    return %c0_i32, %arg0 : i32, i32
  }
  func.func @transform_2(%arg0: i32) -> i32 {
    %c0_i32 = arith.constant 0 : i32
    return %arg0 : i32
  }
  func.func @transform_3(%arg0: i32) -> (i32, i32) {
    %c0_i32 = arith.constant 0 : i32
    %c0_i32_0 = arith.constant 0 : i32
    return %c0_i32, %arg0 : i32, i32
  }
}

</mosaic_0001>

<sc_bundles>
// kernel: kernel.11.cloned.1.call-start
scs
__scs_entry_jumppad:
0x0: {  	(pc) =	sbr.rel $0x88, $3  }
0x1: {  	(tag) =	ssettag $0x0;
	lr =	simm.s32 $0x1  }
0x2: {  	[smem:$0x3F9B] =	sst lr;
	_ =	strace $0xD0000000  }
0x3: {  	_ = 	snop  }
0x4: {  	_ = 	snop  }
0x5: {  	_ = 	snop  }
0x6: {  	_ = 	snop  }
0x7: {  	_ = 	snop  }
__scs_overlays_trampoline_lowered:
0x8: {  	[smem:$0x3FAA] =	sst s0  }
0x9: {  	[smem:$0x3FAB] =	sst s1  }
0xa: {  	[smem:$0x3FAC] =	sst s2  }
0xb: {  	[smem:$0x3FAD] =	sst s3  }
0xc: {  	[smem:$0x3FAE] =	sst s4  }
0xd: {  	[smem:$0x3FAF] =	sst s5  }
0xe: {  	[smem:$0x3FB0] =	sst s6  }
0xf: {  	[smem:$0x3FB1] =	sst s7  }
0x10: {  	[smem:$0x3FB2] =	sst s8  }
0x11: {  	[smem:$0x3FB3] =	sst s9;
	s0 =	simm.s32 @!p0 $0x0  }
0x12: {  	s1 =	sld [smem:$0x3F99];
	s0 =	simm.s32 @p0 $0x1  }
0x13: {  	[smem:$0x3FB4] =	sst s0;
	s0 =	simm.s32 @!p1 $0x0  }
0x14: {  	s2 =	sld [smem:$0x3F98];
	s0 =	simm.s32 @p1 $0x1  }
0x15: {  	[smem:$0x3FB5] =	sst s0;
	s0 =	simm.s32 @!p2 $0x0  }
0x16: {  	s3 =	sld [smem:$0x3FDB];
	s0 =	simm.s32 @p2 $0x1  }
0x17: {  	s4 =	simm.s32 $0x1BF5;
	[smem:$0x3FB7] =	sst s0  }
0x18: {  	s0 =	sld [smem:$0x3F9A];
	_ =	swait.ge [sflag:s4], $0x0  }
0x19: {  	s7 =	sld [smem:$0x3F9B]  }
0x1a: {  	s8 =	sadd.s32 $0xFFFFE003, lr  }
0x1b: {  	s9 =	sadd.s32 $0xFFFFFEF7, lr;
	s5 =	simm.s32 $0xFFFFFFFF;
	p2 =	slt.u32 s8, $0xFFFFF086  }
0x1c: {  	p1 =	slt.u32 s9, $0xF7A;
	s5 =	simm.s32 @!p2 $0x0  }
0x1d: {  	s5 =	simm.s32 @p1 $0x1;
	p0 =	seq.s32 s7, s2  }
0x1e: {  	s7 =	smul.u32 @!p0 $0xF7A, s2;
	p2 =	seq.s32 @!p0 s5, $0x0  }
0x1f: {  	s9 =	smul.u32 $0xF7A, s1;
	s8 =	simm.s32 @!p0 $0x1BF5;
	p2 =	por !p2, p0  }
0x20: {  	[sflag:s8] =	ssyncset.s32 @!p0 $0xFFFFF086;
	s6 =	sadd.s32 @!p0 s3, s7;
	s7 =	simm.s32 @!p0 $0x108  }
0x21: {  	s3 =	sadd.s32 s3, s9;
	s6 =	sadd.s32 @!p0 $0x88, s6;
	s7 =	simm.s32 @p2 $0x1082  }
0x22: {  	[simem:s7], [sflag:s8] =	dma.local @!p0 [hbm:s6], $0xF7A  }
0x23: {  	s9 =	sor.u32 $0xD0000000, s2;
	s6 =	simm.s32 $0x108;
	_ =	swait.ge @!p0 [sflag:s8], $0x0  }
0x24: {  	s3 =	sadd.s32 $0x88, s3;
	s6 =	simm.s32 @!p1 $0x1082;
	[sflag:s4] =	ssyncset.s32 $0xFFFFF086  }
0x25: {  	[simem:s6], [sflag:s4] =	dma.local [hbm:s3], $0xF7A  }
0x26: {  	[smem:$0x3F9B] =	sst s1;
	(tag) =	ssettag s2;
	_ =	strace s9  }
0x27: {  	s1 =	sld [smem:$0x3FAB]  }
0x28: {  	s2 =	sld [smem:$0x3FAC]  }
0x29: {  	s4 =	sld [smem:$0x3FAE]  }
0x2a: {  	p0 =	seq.s32 s5, $0x0;
	s5 =	sld [smem:$0x3FAF]  }
0x2b: {  	s6 =	sld [smem:$0x3FB0]  }
0x2c: {  	s7 =	sld [smem:$0x3FB1]  }
0x2d: {  	s3 =	simm.s32 $0x108;
	s8 =	sld [smem:$0x3FB2]  }
0x2e: {  	s3 =	simm.s32 @!p0 $0x1082;
	s9 =	sld [smem:$0x3FB3]  }
0x2f: {  	lr =	sadd.s32 s0, s3;
	s0 =	sld [smem:$0x3FAA]  }
0x30: {  	s3 =	sld [smem:$0x3FAD]  }
0x31: {  	[smem:$0x3FB6] =	sst s10  }
0x32: {  	s10 =	sld [smem:$0x3FB4];
	_ =	sdelay $0x3  }
0x33: {  	p0 =	seq.s32 s10, $0x1;
	s10 =	sld [smem:$0x3FB6];
	_ =	sdelay $0x3  }
0x34: {  	[smem:$0x3FB6] =	sst s10  }
0x35: {  	s10 =	sld [smem:$0x3FB5];
	_ =	sdelay $0x3  }
0x36: {  	p1 =	seq.s32 s10, $0x1;
	s10 =	sld [smem:$0x3FB6];
	_ =	sdelay $0x3  }
0x37: {  	[smem:$0x3FB6] =	sst s10  }
0x38: {  	s10 =	sld [smem:$0x3FB7]  }
0x39: {  	_ = 	snop;
	(pc) =	sbr.ind lr, $3  }
0x3a: {  	_ = 	snop  }
0x3b: {  	_ = 	snop  }
0x3c: {  	p2 =	seq.s32 s10, $0x1;
	s10 =	sld [smem:$0x3FB6]  }
0x3d: {  	_ =	shalt  }
0x3e: {  	_ =	shalt  }
0x3f: {  	_ =	shalt  }
0x40: {  	_ =	shalt  }
0x41: {  	_ =	shalt  }
0x42: {  	_ =	shalt  }
0x43: {  	_ =	shalt  }
0x44: {  	_ =	shalt  }
0x45: {  	_ =	shalt  }
0x46: {  	_ =	shalt  }
0x47: {  	_ =	shalt  }
0x48: {  	_ =	shalt  }
0x49: {  	_ =	shalt  }
0x4a: {  	_ =	shalt  }
0x4b: {  	_ =	shalt  }
0x4c: {  	_ =	shalt  }
0x4d: {  	_ =	shalt  }
0x4e: {  	_ =	shalt  }
0x4f: {  	_ =	shalt  }
0x50: {  	_ =	shalt  }
0x51: {  	_ =	shalt  }
0x52: {  	_ =	shalt  }
0x53: {  	_ =	shalt  }
0x54: {  	_ =	shalt  }
0x55: {  	_ =	shalt  }
0x56: {  	_ =	shalt  }
0x57: {  	_ =	shalt  }
0x58: {  	_ =	shalt  }
0x59: {  	_ =	shalt  }
0x5a: {  	_ =	shalt  }
0x5b: {  	_ =	shalt  }
0x5c: {  	_ =	shalt  }
0x5d: {  	_ =	shalt  }
0x5e: {  	_ =	shalt  }
0x5f: {  	_ =	shalt  }
0x60: {  	_ =	shalt  }
0x61: {  	_ =	shalt  }
0x62: {  	_ =	shalt  }
0x63: {  	_ =	shalt  }
0x64: {  	_ =	shalt  }
0x65: {  	_ =	shalt  }
0x66: {  	_ =	shalt  }
0x67: {  	_ =	shalt  }
0x68: {  	_ =	shalt  }
0x69: {  	_ =	shalt  }
0x6a: {  	_ =	shalt  }
0x6b: {  	_ =	shalt  }
0x6c: {  	_ =	shalt  }
0x6d: {  	_ =	shalt  }
0x6e: {  	_ =	shalt  }
0x6f: {  	_ =	shalt  }
0x70: {  	_ =	shalt  }
0x71: {  	_ =	shalt  }
0x72: {  	_ =	shalt  }
0x73: {  	_ =	shalt  }
0x74: {  	_ =	shalt  }
0x75: {  	_ =	shalt  }
0x76: {  	_ =	shalt  }
0x77: {  	_ =	shalt  }
0x78: {  	_ =	shalt  }
0x79: {  	_ =	shalt  }
0x7a: {  	_ =	shalt  }
0x7b: {  	_ =	shalt  }
0x7c: {  	_ =	shalt  }
0x7d: {  	_ =	shalt  }
0x7e: {  	_ =	shalt  }
0x7f: {  	_ =	shalt  }
0x80: {  	_ =	shalt  }
0x81: {  	_ =	shalt  }
0x82: {  	_ =	shalt  }
0x83: {  	_ =	shalt  }
0x84: {  	_ =	shalt  }
0x85: {  	_ =	shalt  }
0x86: {  	_ =	shalt  }
0x87: {  	_ =	shalt  }
.Lfunc_end0:
.L_simem_size_0:
called_computation.1_lowered:
.L_overlay_start_0:
0x88: {  	s2 =	sld [smem:$0x3FD9]  }
0x89: {  	s3 =	sld [smem:$0x3FFE];
	_ =	sdelay $0x1  }
0x8a: {  	s1 =	srdreg.scid  }
0x8b: {  	s0 =	sand.u32 $0x1, s1  }
0x8c: {  	s16 =	sshll.u32 s0, $0xA;
	s2 =	sadd.s32 s3, s2  }
0x8d: {  	s2 =	sadd.s32 s2, s16  }
0x8e: {  	[smem:$0x3FC2] =	sst s2  }
0x8f: {  	_ = 	snop  }
0x90: {  	(tm) =	ssettm $0x1  }
0x91: {  	s17 =	sld [smem:$0x3FFB];
	_ =	sdelay $0x3  }
0x92: {  	_ =	strace s17  }
0x93: {  	s2 =	sld [smem:$0x3FFC];
	_ =	sdelay $0x3  }
0x94: {  	_ =	strace s2  }
0x95: {  	s2 =	sld [smem:$0x3FFD];
	_ =	sdelay $0x3  }
0x96: {  	_ =	strace s2  }
0x97: {  	_ =	strace $0x8FFFFFFF  }
0x98: {  	s18 =	sld [smem:$0x3FDB];
	_ =	sdelay $0x1  }
0x99: {  	s19 =	simm.s32 $_scs_section_size  }
0x9a: {  	s4 =	simm.s32 $_size__tile_overlayer_lowered;
	s5 =	simm.s32 $_tile_overlayer_lowered  }
0x9b: {  	s22 =	simm.s32 $0x1BFF;
	s21 =	sshll.u32 s5, $0x1;
	s2 =	sadd.s32 s19, s18  }
0x9c: {  	s6 =	simm.s32 $0x0;
	s20 =	sshll.u32 s4, $0x1;
	s4 =	sadd.s32 s21, s2  }
0x9d: {  	[timem:s6], [sflag:s22] =	dma.local [hbm:s4], s20  }
0x9e: {  	_ =	swait.ge [sflag:s22], s20  }
0x9f: {  	s3 =	ssub.s32 $0x0, s20;
	[sflag:s22] =	ssyncset.done $0x0  }
0xa0: {  	[sflag:s22] =	ssyncadd.s32 s3;
	_ =	sdelay $0x1  }
0xa1: {  	s23 =	simm.s32 $0x1B8B  }
0xa2: {  	_ =	swait.ge [sflag:s23], $0x1  }
0xa3: {  	[sflag:s23] =	ssyncset.done $0x0  }
0xa4: {  	s25 =	simm.s32 $0x1B8E;
	s24 =	sld [smem:$0x3FFE];
	[sflag:s23] =	ssyncadd.s32 $0xFFFFFFFF  }
0xa5: {  	s26 =	simm.s32 $execute0_lowered;
	[smem:$0x3FD2] =	sst s25  }
0xa6: {  	s4 =	sshll.u32 s26, $0x1;
	_ =	strace $0x80000049;
	[dreg:$0x1] =	wrdreg $0xFFFFFFFF  }
0xa7: {  	s28 =	simm.s32 $_size_execute0_lowered;
	s2 =	sadd.s32 s2, s4;
	[dreg:$0x0] =	wrdreg $0x0  }
0xa8: {  	s4 =	sshll.u32 s28, $0x1;
	[dreg:$0x2] =	wrdreg s2  }
0xa9: {  	[dreg:$0x3] =	wrdreg s4  }
0xaa: {  	[dreg:$0x4] =	wrdreg $0xC0  }
0xab: {  	_ =	task [dreg:s6], $0x5FFFF  }
0xac: {  	[dreg:$0x1] =	wrdreg $0xFFFFFFFF  }
0xad: {  	[dreg:$0x0] =	wrdreg $0x60  }
0xae: {  	[dreg:$0x2] =	wrdreg s24  }
0xaf: {  	[dreg:$0x3] =	wrdreg $0x9  }
0xb0: {  	_ =	task.clear_ibuf [dreg:s6], $0x4FFFF;
	_ =	strace $0x90000049  }
0xb1: {  	s29 =	simm.s32 $0x9;
	_ =	strace $0x8000004B  }
0xb2: {  	_ =	swait.ge [sflag:s29], $0x1  }
0xb3: {  	[sflag:s29] =	ssyncadd.s32 $0xFFFFFFFF  }
0xb4: {  	_ =	strace $0x9000004B  }
0xb5: {  	_ =	sfence  }
0xb6: {  	s30 =	sld [smem:$0x0];
	_ =	sdelay $0x2  }
0xb7: {  	s31 =	sshll.u32 s1, $0xD;
	s1 =	sshrl.u32 s1, $0x2  }
0xb8: {  	s3 =	sand.u32 $0x4000, s31;
	s1 =	sadd.s32 s1, s30  }
0xb9: {  	s0 =	sor.u32 s3, s0;
	s1 =	sshll.u32 s1, $0x11  }
0xba: {  	s0 =	sor.u32 s1, s0  }
0xbb: {  	s0 =	sadd.s32 $0x8F2B, s0  }
0xbc: {  	[sflag:s0] =	ssyncadd.remote.s32 $0x1  }
0xbd: {  	_ =	sfence.sel $0xFFFF  }
0xbe: {  	[dreg:$0x0] =	wrdreg $0xFFFFFFFF;
	(pc) =	sbr.abs _section_cstart, $3  }
0xbf: {  	[dreg:$0x1] =	wrdreg $0xFFFFFFFF  }
0xc0: {  	_ =	task.clear_ibuf [dreg:s6], $0x2FFFF;
	_ =	strace $0x9FFFFFFF  }
0xc1: {  	(tm) =	ssettm $0x7FFFFFFF  }
tec
execute0_lowered:
.L_overlay_start_1:
0x0: {  	(tag) =	ssettag $0x1  }
0x1: {  	s4 =	rddreg [dreg:$0x0];
	s2 =	srdreg.scid  }
0x2: {  	s0 =	rddreg [dreg:$0x1];
	s1 =	stileid.u32  }
0x3: {  	s13 =	simm.s32 $0x400;
	s14 =	simm.s32 $0x14000;
	s15 =	simm.s32 $0x14800  }
0x4: {  	s16 =	simm.s32 $0x1;
	s17 =	simm.s32 $0x2;
	s18 =	simm.s32 $0xA000  }
0x5: {  	s19 =	simm.s32 $0x3;
	s20 =	simm.s32 $0x4;
	s21 =	simm.s32 $0x0  }
0x6: {  	s5 =	sand.u32 $0x1, s2;
	s2 =	simm.s32 $0x0;
	s3 =	sshll.u32 s1, $0x6  }
0x7: {  	s7 =	smul.u32 $0xA000, s1;
	s28 =	sshrl.u32 s1, $0x2;
	s30 =	sshll.u32 s1, $0x1E  }
0x8: {  	s6 =	smul.u32 $0xA0000, s5;
	[smem:$0x7FF] =	sst s2;
	s3 =	sand.u32 $0x40, s3  }
0x9: {  	s9 =	ssub.s32 $0x2, s5;
	s10 =	smul.u32 $0xA, s28;
	p0 =	seq.s32 s5, $0x0  }
0xa: {  	s31 =	sshra.s32 s30, $0x1F;
	s5 =	simm.s32 $0x1E;
	_ =	strace $0x8000004A  }
0xb: {  	s8 =	sadd.s32 s3, s4;
	s3 =	sadd.s32 $0x2600, s4;
	s6 =	sadd.s32 s7, s6  }
0xc: {  	s29 =	sshrl.u32 s9, $0x1;
	s7 =	smul.u32 $0x1E, s28;
	s6 =	sshrl.u32 s6, $0x3  }
0xd: {  	s5 =	simm.s32 @!p0 $0xA;
	s11 =	sadd.s32 s6, s4;
	s4 =	sadd.s32 $0x78, s10  }
0xe: {  	s12 =	ssub.s32 s9, s29;
	s6 =	sand.u32 $0x2800, s31;
	s4 =	smov.u32 @p0 s7  }
0xf: {  	s9 =	sshrl.u32 s5, $0x1;
	s8 =	sadd.s32 s6, s8;
	s7 =	sshll.u32 s4, $0x7  }
0x10: {  	s10 =	sadd.s32 $0x11600, s11;
	s11 =	smax.u32 s12, $0x1;
	s6 =	sadd.s32 s3, s7  }
0x11: {  	v0 =	vimm.f32 $0.0e+00;
	s12 =	simm.s32 $0x200;
	s7 =	sadd.s32 $0xC600, s8;
	s8 =	sadd.s32 $0x5000, s6  }
.LBB2_1:
0x12: {  	[tilespmem:s2], [sflag:$0x1] =	stream.strided.gather [hbm4b:s7+s12], $0xA000, s13, s12, $0x38;
	[tilespmem:$0x15000] =	vst v63  }
0x13: {  	_ = 	snop  }
0x14: {  	[tilespmem:s14], [sflag:$0x2] =	stream.linear.gather [hbm4b:s6+s2], $0x400, $0x38;
	[tilespmem:$0x15000] =	vst v63  }
0x15: {  	s22 =	simm.s32 $0xA100  }
0x16: {  	[tilespmem:s15], [sflag:$0x2] =	stream.linear.gather [hbm4b:s8+s2], $0x400, $0x38;
	[tilespmem:$0x15000] =	vst v63  }
0x17: {  	[tilespmem:s22+$0xFFFFFF00] =	vst v0  }
0x18: {  	[tilespmem:s22+$0xF0] =	vst v0  }
0x19: {  	[tilespmem:s22+$0x70] =	vst v0  }
0x1a: {  	[tilespmem:s22+$0xFFFFFFF0] =	vst v0  }
0x1b: {  	[tilespmem:s22+$0xFFFFFF70] =	vst v0  }
0x1c: {  	[tilespmem:s22+$0xE0] =	vst v0  }
0x1d: {  	[tilespmem:s22+$0x60] =	vst v0  }
0x1e: {  	[tilespmem:s22+$0xFFFFFFE0] =	vst v0  }
0x1f: {  	[tilespmem:s22+$0xFFFFFF60] =	vst v0  }
0x20: {  	[tilespmem:s22+$0xD0] =	vst v0  }
0x21: {  	[tilespmem:s22+$0x50] =	vst v0  }
0x22: {  	[tilespmem:s22+$0xFFFFFFD0] =	vst v0  }
0x23: {  	[tilespmem:s22+$0xFFFFFF50] =	vst v0  }
0x24: {  	[tilespmem:s22+$0xC0] =	vst v0  }
0x25: {  	[tilespmem:s22+$0x40] =	vst v0  }
0x26: {  	[tilespmem:s22+$0xFFFFFFC0] =	vst v0  }
0x27: {  	[tilespmem:s22+$0xFFFFFF40] =	vst v0  }
0x28: {  	[tilespmem:s22+$0xB0] =	vst v0  }
0x29: {  	[tilespmem:s22+$0x30] =	vst v0  }
0x2a: {  	[tilespmem:s22+$0xFFFFFFB0] =	vst v0  }
0x2b: {  	[tilespmem:s22+$0xFFFFFF30] =	vst v0  }
0x2c: {  	[tilespmem:s22+$0xA0] =	vst v0  }
0x2d: {  	[tilespmem:s22+$0x20] =	vst v0  }
0x2e: {  	[tilespmem:s22+$0xFFFFFFA0] =	vst v0  }
0x2f: {  	[tilespmem:s22+$0xFFFFFF20] =	vst v0  }
0x30: {  	[tilespmem:s22+$0x90] =	vst v0  }
0x31: {  	[tilespmem:s22+$0x10] =	vst v0  }
0x32: {  	[tilespmem:s22+$0xFFFFFF90] =	vst v0  }
0x33: {  	[tilespmem:s22+$0xFFFFFF10] =	vst v0  }
0x34: {  	[tilespmem:s22+$0x80] =	vst v0  }
0x35: {  	s23 =	simm.s32 $0x0;
	[tilespmem:s22+$0x0] =	vst v0  }
.LBB2_2:
0x36: {  	s23 =	sadd.s32 $0x8, s23;
	[tilespmem:s22+$0xFFFFFF80] =	vst v0;
	s22 =	sadd.s32 $0x200, s22  }
0x37: {  	[tilespmem:s22+$0xFFFFFF00] =	vst v0;
	p0 =	slt.u32 s23, $0x278  }
0x38: {  	[tilespmem:s22+$0xF0] =	vst v0  }
0x39: {  	[tilespmem:s22+$0x70] =	vst v0  }
0x3a: {  	[tilespmem:s22+$0xFFFFFFF0] =	vst v0  }
0x3b: {  	[tilespmem:s22+$0xFFFFFF70] =	vst v0  }
0x3c: {  	[tilespmem:s22+$0xE0] =	vst v0  }
0x3d: {  	[tilespmem:s22+$0x60] =	vst v0  }
0x3e: {  	[tilespmem:s22+$0xFFFFFFE0] =	vst v0  }
0x3f: {  	[tilespmem:s22+$0xFFFFFF60] =	vst v0  }
0x40: {  	[tilespmem:s22+$0xD0] =	vst v0  }
0x41: {  	[tilespmem:s22+$0x50] =	vst v0  }
0x42: {  	[tilespmem:s22+$0xFFFFFFD0] =	vst v0  }
0x43: {  	[tilespmem:s22+$0xFFFFFF50] =	vst v0  }
0x44: {  	[tilespmem:s22+$0xC0] =	vst v0  }
0x45: {  	[tilespmem:s22+$0x40] =	vst v0  }
0x46: {  	[tilespmem:s22+$0xFFFFFFC0] =	vst v0  }
0x47: {  	[tilespmem:s22+$0xFFFFFF40] =	vst v0  }
0x48: {  	[tilespmem:s22+$0xB0] =	vst v0  }
0x49: {  	[tilespmem:s22+$0x30] =	vst v0  }
0x4a: {  	[tilespmem:s22+$0xFFFFFFB0] =	vst v0  }
0x4b: {  	[tilespmem:s22+$0xFFFFFF30] =	vst v0  }
0x4c: {  	[tilespmem:s22+$0xA0] =	vst v0  }
0x4d: {  	[tilespmem:s22+$0x20] =	vst v0  }
0x4e: {  	[tilespmem:s22+$0xFFFFFFA0] =	vst v0  }
0x4f: {  	[tilespmem:s22+$0xFFFFFF20] =	vst v0  }
0x50: {  	[tilespmem:s22+$0x90] =	vst v0  }
.Ltmp0:
0x51: {  	[tilespmem:s22+$0x10] =	vst v0;
	(pc) =	sbr.rel @p0 .LBB2_2-.Ltmp0, $4  }
0x52: {  	[tilespmem:s22+$0xFFFFFF90] =	vst v0  }
0x53: {  	[tilespmem:s22+$0xFFFFFF10] =	vst v0  }
0x54: {  	[tilespmem:s22+$0x80] =	vst v0  }
0x55: {  	[tilespmem:s22+$0x0] =	vst v0  }
0x56: {  	[tilespmem:s22+$0xFFFFFF80] =	vst v0  }
0x57: {  	_ =	swait.ge [sflag:s16], $0xA000  }
0x58: {  	[sflag:s16] =	ssyncset.done $0x0  }
0x59: {  	s22 =	simm.s32 $0x0;
	[sflag:s16] =	ssyncadd.s32 $0xFFFF6000  }
.LBB2_4:
0x5a: {  	s23 =	sshllo.u32 s22, $0x1  }
0x5b: {  	p0 =	sge.u32 s23, s5  }
0x5c: {  	s23 =	sadd.s32 @!p0 s4, s23  }
0x5d: {  	s25 =	simm.s32 @!p0 $0x0;
	s23 =	sshll.u32 @!p0 s23, $0x7  }
0x5e: {  	s26 =	simm.s32 @!p0 $0x14400;
	s24 =	sadd.s32 @!p0 s3, s23;
	s23 =	sand.u32 @!p0 $0x1FFFFF80, s23  }
0x5f: {  	[tilespmem:s26], [sflag:$0x3] =	stream.linear.gather @!p0 [hbm4b:s24+s25], $0x400, $0x38;
	[tilespmem:$0x15000] =	vst v63  }
0x60: {  	s23 =	sadd.s32 @!p0 s3, s23  }
0x61: {  	s24 =	simm.s32 @!p0 $0x14C00;
	s23 =	sadd.s32 @!p0 $0x5000, s23  }
0x62: {  	[tilespmem:s24], [sflag:$0x3] =	stream.linear.gather @!p0 [hbm4b:s23+s25], $0x400, $0x38;
	[tilespmem:$0x15000] =	vst v63  }
0x63: {  	_ =	swait.ge [sflag:s17], $0x400  }
0x64: {  	[sflag:s17] =	ssyncset.done $0x0  }
0x65: {  	[sflag:s17] =	ssyncadd.s32 $0xFFFFFC00  }
0x66: {  	_ =	swait.ge [sflag:s17], $0x400  }
0x67: {  	[sflag:s17] =	ssyncset.done $0x0  }
0x68: {  	s24 =	simm.s32 $0x14040;
	[sflag:s17] =	ssyncadd.s32 $0xFFFFFC00  }
0x69: {  	s23 =	simm.s32 $0x14840;
	v1 =	vld [tilespmem:s24+$0x30]  }
0x6a: {  	v2 =	vld [tilespmem:s23+$0xFFFFFFC0]  }
0x6b: {  	v3 =	vld [tilespmem:s24+$0xFFFFFFC0]  }
0x6c: {  	v4 =	vld [tilespmem:s24+$0x20]  }
0x6d: {  	v12 =	vld [tilespmem:s24+$0xFFFFFFE0]  }
0x6e: {  	v5 =	vld [tilespmem:s24+$0xFFFFFFD0]  }
0x6f: {  	v7 =	vld [tilespmem:s24+$0x0];
	v10 =	vand.u32 $0x7F, v2;
	v2 =	vshll.u32 v2, $0x2;
	v9 =	vshll.u32 v1, $0x2  }
0x70: {  	v6 =	vld [tilespmem:s24+$0xFFFFFFF0];
	v11 =	vand.u32 $0x7F, v3;
	v1 =	vand.u32 $0x7F, v1;
	v14 =	vshll.u32 v3, $0x2  }
0x71: {  	v15 =	vshll.u32 v4, $0x2;
	v4 =	vand.u32 $0x7F, v4;
	v9 =	vand.u32 $0xFFFFFE00, v9  }
0x72: {  	v8 =	vld [tilespmem:s23+$0x30];
	v16 =	vshll.u32 v12, $0x2;
	v12 =	vand.u32 $0x7F, v12;
	v3 =	vor.u32 v1, v9  }
0x73: {  	v13 =	vld [tilespmem:s24+$0x10];
	v1 =	vand.u32 $0xFFFFFE00, v14;
	v9 =	vand.u32 $0xFFFFFE00, v15;
	v14 =	vand.u32 $0xFFFFFE00, v2  }
0x74: {  	v17 =	vld [tilespmem:s23+$0xFFFFFFD0];
	v2 =	vor.u32 v11, v1;
	v11 =	vor.u32 v4, v9;
	v1 =	vshll.u32 v7, $0x2  }
0x75: {  	v18 =	vld [tilespmem:s23+$0x0];
	v4 =	vshll.u32 v6, $0x2;
	v9 =	vshll.u32 v5, $0x2;
	v5 =	vand.u32 $0x7F, v5  }
0x76: {  	v19 =	vld [tilespmem:s23+$0x20];
	v6 =	vand.u32 $0x7F, v6;
	v7 =	vand.u32 $0x7F, v7;
	v9 =	vand.u32 $0xFFFFFE00, v9  }
0x77: {  	v21 =	vld [tilespmem:s23+$0xFFFFFFF0];
	v4 =	vand.u32 $0xFFFFFE00, v4;
	v1 =	vand.u32 $0xFFFFFE00, v1;
	v5 =	vor.u32 v5, v9  }
0x78: {  	v15 =	vld [tilespmem:s23+$0xFFFFFFE0];
	v9 =	vor.u32 v6, v4;
	v4 =	vand.u32 $0xFFFFFE00, v16;
	v6 =	vor.u32 v7, v1  }
0x79: {  	v7 =	vshll.u32 v13, $0x2;
	v4 =	vor.u32 v12, v4;
	v12 =	vand.u32 $0x7F, v13;
	v13 =	vld [tilespmem:s23+$0x10]  }
0x7a: {  	v20 =	vld.idx.msk [tilespmem:v3+s2+$0x0], $0xffff  }
0x7b: {  	v7 =	vand.u32 $0xFFFFFE00, v7;
	v22 =	vld.idx.msk [tilespmem:v11+s2+$0x0], $0xffff  }
0x7c: {  	v1 =	vor.u32 v10, v14;
	v14 =	vshll.u32 v19, $0x2;
	v7 =	vor.u32 v12, v7;
	v10 =	vld.idx.msk [tilespmem:v2+s2+$0x0], $0xffff  }
0x7d: {  	v14 =	vand.u32 $0xFFFFFE00, v14;
	v12 =	vand.u32 $0x7F, v19;
	v23 =	vld.idx.msk [tilespmem:v5+s2+$0x0], $0xffff  }
0x7e: {  	v24 =	vshll.u32 v21, $0x2;
	v25 =	vshll.u32 v8, $0x2;
	v16 =	vor.u32 v12, v14;
	v19 =	vld.idx.msk [tilespmem:v9+s2+$0x0], $0xffff  }
0x7f: {  	v12 =	vand.u32 $0x7F, v21;
	v14 =	vand.u32 $0xFFFFFE00, v24;
	v24 =	vor.u32 $0x80, v11;
	v21 =	vld.idx.msk [tilespmem:v6+s2+$0x0], $0xffff  }
0x80: {  	v8 =	vand.u32 $0x7F, v8;
	v14 =	vor.u32 v12, v14;
	v12 =	vand.u32 $0xFFFFFE00, v25;
	v26 =	vld.idx.msk [tilespmem:v4+s2+$0x0], $0xffff  }
0x81: {  	v8 =	vor.u32 v8, v12;
	v27 =	vld.idx.msk [tilespmem:v7+s2+$0x0], $0xffff  }
0x82: {  	v28 =	vor.u32 $0x80, v3;
	v25 =	vor.u32 $0x80, v9;
	v12 =	vshll.u32 v13, $0x2;
	[tilespmem:v1+s18+$0x0] =	vst.idx.add.f32.msk $0xffff, v10  }
0x83: {  	v29 =	vor.u32 $0x80, v16;
	v13 =	vand.u32 $0x7F, v13;
	v12 =	vand.u32 $0xFFFFFE00, v12;
	[tilespmem:v16+s18+$0x0] =	vst.idx.add.f32.msk $0xffff, v22  }
0x84: {  	v10 =	vshll.u32 v15, $0x2;
	v15 =	vand.u32 $0x7F, v15;
	v13 =	vor.u32 v13, v12;
	v24 =	vld.idx.msk [tilespmem:v24+s2+$0x0], $0xffff  }
0x85: {  	v12 =	vshll.u32 v17, $0x2;
	v17 =	vand.u32 $0x7F, v17;
	v10 =	vand.u32 $0xFFFFFE00, v10;
	[tilespmem:v14+s18+$0x0] =	vst.idx.add.f32.msk $0xffff, v19  }
0x86: {  	v12 =	vand.u32 $0xFFFFFE00, v12;
	v10 =	vor.u32 v15, v10;
	v15 =	vshll.u32 v18, $0x2;
	[tilespmem:v8+s18+$0x0] =	vst.idx.add.f32.msk $0xffff, v20  }
0x87: {  	v25 =	vld.idx.msk [tilespmem:v25+s2+$0x0], $0xffff;
	v20 =	vand.u32 $0xFFFFFE00, v15;
	v15 =	vor.u32 v17, v12  }
0x88: {  	v18 =	vand.u32 $0x7F, v18;
	v28 =	vld.idx.msk [tilespmem:v28+s2+$0x0], $0xffff;
	v17 =	vor.u32 $0x80, v7  }
0x89: {  	v12 =	vor.u32 v18, v20;
	v18 =	vor.u32 $0x80, v5;
	[tilespmem:v13+s18+$0x0] =	vst.idx.add.f32.msk $0xffff, v27  }
0x8a: {  	v19 =	vor.u32 $0x80, v4;
	[tilespmem:v29+s18+$0x0] =	vst.idx.add.f32.msk $0xffff, v24  }
0x8b: {  	[tilespmem:v10+s18+$0x0] =	vst.idx.add.f32.msk $0xffff, v26  }
0x8c: {  	[tilespmem:v15+s18+$0x0] =	vst.idx.add.f32.msk $0xffff, v23  }
0x8d: {  	v24 =	vor.u32 $0x80, v14;
	v27 =	vld.idx.msk [tilespmem:v17+s2+$0x0], $0xffff  }
0x8e: {  	v17 =	vld.idx.msk [tilespmem:v18+s2+$0x0], $0xffff;
	v18 =	vor.u32 $0x100, v11  }
0x8f: {  	v22 =	vld.idx.msk [tilespmem:v19+s2+$0x0], $0xffff;
	v19 =	vor.u32 $0x80, v8  }
0x90: {  	v63 =	vor.u32 $0x80, v13  }
0x91: {  	v20 =	vor.u32 $0x100, v3;
	[tilespmem:v12+s18+$0x0] =	vst.idx.add.f32.msk $0xffff, v21  }
0x92: {  	v21 =	vor.u32 $0x80, v6;
	[tilespmem:v24+s18+$0x0] =	vst.idx.add.f32.msk $0xffff, v25  }
0x93: {  	v24 =	vld.idx.msk [tilespmem:v18+s2+$0x0], $0xffff;
	v18 =	vor.u32 $0x80, v15  }
0x94: {  	[tilespmem:v19+s18+$0x0] =	vst.idx.add.f32.msk $0xffff, v28  }
0x95: {  	[tilespmem:v63+s18+$0x0] =	vst.idx.add.f32.msk $0xffff, v27  }
0x96: {  	v23 =	vld.idx.msk [tilespmem:v20+s2+$0x0], $0xffff  }
0x97: {  	s26 =	simm.s32 $0x0;
	s25 =	sshll.u32 s22, $0x1;
	v25 =	vor.u32 $0x80, v12;
	v26 =	vld.idx.msk [tilespmem:v21+s2+$0x0], $0xffff  }
.LBB2_5:
0x98: {  	s26 =	sadd.s32 $0x8, s26;
	[tilespmem:v18+s18+$0x0] =	vst.idx.add.f32.msk $0xffff, v17;
	s24 =	sadd.s32 $0x80, s24;
	s23 =	sadd.s32 $0x80, s23  }
0x99: {  	v17 =	vld [tilespmem:s23+$0x30];
	p0 =	slt.u32 s26, $0x38  }
0x9a: {  	v18 =	vld [tilespmem:s24+$0xFFFFFFD0]  }
0x9b: {  	v20 =	vld [tilespmem:s24+$0xFFFFFFE0]  }
0x9c: {  	v27 =	vor.u32 $0x100, v5;
	v21 =	vld [tilespmem:s24+$0xFFFFFFF0]  }
0x9d: {  	v19 =	vld [tilespmem:s24+$0x0]  }
0x9e: {  	v28 =	vld [tilespmem:s24+$0x10]  }
0x9f: {  	v29 =	vld [tilespmem:s24+$0x20]  }
0xa0: {  	[tilespmem:v25+s18+$0x0] =	vst.idx.add.f32.msk $0xffff, v26;
	v25 =	vor.u32 $0x100, v8  }
0xa1: {  	v26 =	vld.idx.msk [tilespmem:v27+s2+$0x0], $0xffff;
	v27 =	vor.u32 $0x100, v16  }
0xa2: {  	v31 =	vor.u32 $0x100, v9;
	v30 =	vld [tilespmem:s24+$0x30]  }
0xa3: {  	v33 =	vor.u32 $0x80, v2;
	v32 =	vld [tilespmem:s24+$0xFFFFFFC0]  }
0xa4: {  	v11 =	vor.u32 $0x180, v11;
	v34 =	vld [tilespmem:s23+$0xFFFFFFC0]  }
0xa5: {  	v35 =	vor.u32 $0x80, v10;
	[tilespmem:v25+s18+$0x0] =	vst.idx.add.f32.msk $0xffff, v23  }
0xa6: {  	v23 =	vor.u32 $0x100, v7;
	[tilespmem:v27+s18+$0x0] =	vst.idx.add.f32.msk $0xffff, v24  }
0xa7: {  	v24 =	vor.u32 $0x100, v4;
	v25 =	vld.idx.msk [tilespmem:v31+s2+$0x0], $0xffff  }
0xa8: {  	v31 =	vor.u32 $0x100, v6;
	v27 =	vld.idx.msk [tilespmem:v33+s2+$0x0], $0xffff  }
0xa9: {  	v33 =	vor.u32 $0x100, v15;
	v11 =	vld.idx.msk [tilespmem:v11+s2+$0x0], $0xffff  }
0xaa: {  	v16 =	vor.u32 $0x180, v16;
	[tilespmem:v35+s18+$0x0] =	vst.idx.add.f32.msk $0xffff, v22  }
0xab: {  	v22 =	vor.u32 $0x80, v1;
	v23 =	vld.idx.msk [tilespmem:v23+s2+$0x0], $0xffff  }
0xac: {  	v35 =	vor.u32 $0x100, v14;
	v24 =	vld.idx.msk [tilespmem:v24+s2+$0x0], $0xffff  }
0xad: {  	v9 =	vor.u32 $0x180, v9;
	v31 =	vld.idx.msk [tilespmem:v31+s2+$0x0], $0xffff  }
0xae: {  	[tilespmem:v33+s18+$0x0] =	vst.idx.add.f32.msk $0xffff, v26;
	v26 =	vor.u32 $0x100, v12  }
0xaf: {  	v3 =	vor.u32 $0x180, v3;
	[tilespmem:v16+s18+$0x0] =	vst.idx.add.f32.msk $0xffff, v11  }
0xb0: {  	v11 =	vor.u32 $0x100, v13;
	[tilespmem:v22+s18+$0x0] =	vst.idx.add.f32.msk $0xffff, v27  }
0xb1: {  	v16 =	vor.u32 $0x100, v2;
	[tilespmem:v35+s18+$0x0] =	vst.idx.add.f32.msk $0xffff, v25  }
0xb2: {  	v5 =	vor.u32 $0x180, v5;
	v9 =	vld.idx.msk [tilespmem:v9+s2+$0x0], $0xffff  }
0xb3: {  	v7 =	vor.u32 $0x180, v7;
	[tilespmem:v26+s18+$0x0] =	vst.idx.add.f32.msk $0xffff, v31  }
0xb4: {  	v14 =	vor.u32 $0x180, v14;
	v3 =	vld.idx.msk [tilespmem:v3+s2+$0x0], $0xffff  }
0xb5: {  	v6 =	vor.u32 $0x180, v6;
	[tilespmem:v11+s18+$0x0] =	vst.idx.add.f32.msk $0xffff, v23  }
0xb6: {  	v11 =	vld.idx.msk [tilespmem:v16+s2+$0x0], $0xffff;
	v16 =	vor.u32 $0x100, v10  }
0xb7: {  	v22 =	vor.u32 $0x100, v1;
	v5 =	vld.idx.msk [tilespmem:v5+s2+$0x0], $0xffff  }
0xb8: {  	v4 =	vor.u32 $0x180, v4;
	v2 =	vor.u32 $0x180, v2;
	v7 =	vld.idx.msk [tilespmem:v7+s2+$0x0], $0xffff  }
0xb9: {  	[tilespmem:v14+s18+$0x0] =	vst.idx.add.f32.msk $0xffff, v9  }
0xba: {  	v9 =	vor.u32 $0x180, v15;
	v6 =	vld.idx.msk [tilespmem:v6+s2+$0x0], $0xffff  }
0xbb: {  	v13 =	vor.u32 $0x180, v13;
	[tilespmem:v16+s18+$0x0] =	vst.idx.add.f32.msk $0xffff, v24  }
0xbc: {  	v8 =	vor.u32 $0x180, v8;
	[tilespmem:v22+s18+$0x0] =	vst.idx.add.f32.msk $0xffff, v11  }
0xbd: {  	v12 =	vor.u32 $0x180, v12;
	v14 =	vor.u32 $0x180, v1;
	v11 =	vld.idx.msk [tilespmem:v2+s2+$0x0], $0xffff  }
0xbe: {  	v10 =	vor.u32 $0x180, v10;
	v1 =	vand.u32 $0x7F, v34;
	v2 =	vshll.u32 v34, $0x2;
	v4 =	vld.idx.msk [tilespmem:v4+s2+$0x0], $0xffff  }
0xbf: {  	v15 =	vand.u32 $0x7F, v32;
	v16 =	vshll.u32 v32, $0x2;
	v2 =	vand.u32 $0xFFFFFE00, v2;
	[tilespmem:v9+s18+$0x0] =	vst.idx.add.f32.msk $0xffff, v5  }
0xc0: {  	v5 =	vand.u32 $0xFFFFFE00, v16;
	v1 =	vor.u32 v1, v2;
	v9 =	vshll.u32 v30, $0x2;
	[tilespmem:v13+s18+$0x0] =	vst.idx.add.f32.msk $0xffff, v7  }
0xc1: {  	v16 =	vand.u32 $0x7F, v30;
	v7 =	vand.u32 $0x7F, v29;
	v13 =	vshll.u32 v29, $0x2;
	[tilespmem:v8+s18+$0x0] =	vst.idx.add.f32.msk $0xffff, v3  }
0xc2: {  	v2 =	vor.u32 v15, v5;
	v3 =	vshll.u32 v28, $0x2;
	v5 =	vand.u32 $0xFFFFFE00, v13;
	[tilespmem:v12+s18+$0x0] =	vst.idx.add.f32.msk $0xffff, v6  }
0xc3: {  	v6 =	vshll.u32 v19, $0x2;
	v8 =	vand.u32 $0xFFFFFE00, v3;
	v3 =	vand.u32 $0xFFFFFE00, v9;
	[tilespmem:v14+s18+$0x0] =	vst.idx.add.f32.msk $0xffff, v11  }
0xc4: {  	v9 =	vshll.u32 v21, $0x2;
	v12 =	vand.u32 $0x7F, v28;
	v3 =	vor.u32 v16, v3;
	[tilespmem:v10+s18+$0x0] =	vst.idx.add.f32.msk $0xffff, v4  }
0xc5: {  	v13 =	vand.u32 $0x7F, v21;
	v9 =	vand.u32 $0xFFFFFE00, v9;
	v4 =	vshll.u32 v20, $0x2;
	v10 =	vld [tilespmem:s23+$0xFFFFFFE0]  }
0xc6: {  	v14 =	vshll.u32 v18, $0x2;
	v11 =	vor.u32 v7, v5;
	v4 =	vand.u32 $0xFFFFFE00, v4;
	v15 =	vld [tilespmem:s23+$0xFFFFFFD0]  }
0xc7: {  	v7 =	vor.u32 v12, v8;
	v5 =	vand.u32 $0xFFFFFE00, v14;
	v14 =	vand.u32 $0x7F, v20;
	v20 =	vld [tilespmem:s23+$0x0]  }
0xc8: {  	v8 =	vand.u32 $0x7F, v18;
	v4 =	vor.u32 v14, v4;
	v14 =	vand.u32 $0x7F, v17;
	v12 =	vld [tilespmem:s23+$0x20]  }
0xc9: {  	v6 =	vand.u32 $0xFFFFFE00, v6;
	v5 =	vor.u32 v8, v5;
	v8 =	vand.u32 $0x7F, v19;
	v18 =	vld.idx.msk [tilespmem:v3+s2+$0x0], $0xffff  }
0xca: {  	v9 =	vor.u32 v13, v9;
	v6 =	vor.u32 v8, v6;
	v16 =	vshll.u32 v10, $0x2;
	v19 =	vld [tilespmem:s23+$0xFFFFFFF0]  }
0xcb: {  	v8 =	vshll.u32 v17, $0x2;
	v21 =	vshll.u32 v15, $0x2;
	v13 =	vand.u32 $0xFFFFFE00, v16;
	v22 =	vld.idx.msk [tilespmem:v11+s2+$0x0], $0xffff  }
0xcc: {  	v8 =	vand.u32 $0xFFFFFE00, v8;
	v17 =	vld.idx.msk [tilespmem:v2+s2+$0x0], $0xffff;
	v16 =	vshll.u32 v20, $0x2  }
0xcd: {  	v8 =	vor.u32 v14, v8;
	v23 =	vand.u32 $0xFFFFFE00, v16;
	v24 =	vld [tilespmem:s23+$0x10];
	v16 =	vshll.u32 v12, $0x2  }
0xce: {  	v12 =	vand.u32 $0x7F, v12;
	v25 =	vld.idx.msk [tilespmem:v5+s2+$0x0], $0xffff;
	v14 =	vand.u32 $0xFFFFFE00, v16  }
0xcf: {  	v26 =	vld.idx.msk [tilespmem:v9+s2+$0x0], $0xffff;
	v27 =	vshll.u32 v19, $0x2;
	v16 =	vor.u32 v12, v14  }
0xd0: {  	v12 =	vand.u32 $0x7F, v19;
	v14 =	vand.u32 $0xFFFFFE00, v27;
	v19 =	vld.idx.msk [tilespmem:v6+s2+$0x0], $0xffff;
	v27 =	vor.u32 $0x80, v11  }
0xd1: {  	v28 =	vld.idx.msk [tilespmem:v4+s2+$0x0], $0xffff;
	v14 =	vor.u32 v12, v14  }
0xd2: {  	v29 =	vor.u32 $0x80, v9;
	[tilespmem:v1+s18+$0x0] =	vst.idx.add.f32.msk $0xffff, v17;
	v17 =	vor.u32 $0x80, v4;
	v30 =	vand.u32 $0x7F, v24  }
0xd3: {  	v31 =	vor.u32 $0x80, v3;
	v12 =	vand.u32 $0x7F, v20;
	v24 =	vshll.u32 v24, $0x2;
	v20 =	vld.idx.msk [tilespmem:v7+s2+$0x0], $0xffff  }
0xd4: {  	v10 =	vand.u32 $0x7F, v10;
	v12 =	vor.u32 v12, v23;
	v23 =	vand.u32 $0xFFFFFE00, v24;
	[tilespmem:v16+s18+$0x0] =	vst.idx.add.f32.msk $0xffff, v22  }
0xd5: {  	v10 =	vor.u32 v10, v13;
	v13 =	vor.u32 v30, v23;
	v23 =	vld.idx.msk [tilespmem:v27+s2+$0x0], $0xffff  }
0xd6: {  	v24 =	vor.u32 $0x80, v16;
	[tilespmem:v14+s18+$0x0] =	vst.idx.add.f32.msk $0xffff, v26  }
0xd7: {  	v26 =	vld.idx.msk [tilespmem:v29+s2+$0x0], $0xffff  }
0xd8: {  	v15 =	vand.u32 $0x7F, v15;
	v21 =	vand.u32 $0xFFFFFE00, v21;
	v27 =	vor.u32 $0x80, v6;
	[tilespmem:v8+s18+$0x0] =	vst.idx.add.f32.msk $0xffff, v18  }
0xd9: {  	v15 =	vor.u32 v15, v21;
	v18 =	vld.idx.msk [tilespmem:v31+s2+$0x0], $0xffff  }
0xda: {  	[tilespmem:v13+s18+$0x0] =	vst.idx.add.f32.msk $0xffff, v20  }
0xdb: {  	v20 =	vor.u32 $0x80, v7;
	[tilespmem:v10+s18+$0x0] =	vst.idx.add.f32.msk $0xffff, v28  }
0xdc: {  	v21 =	vor.u32 $0x80, v5;
	v22 =	vld.idx.msk [tilespmem:v17+s2+$0x0], $0xffff  }
0xdd: {  	[tilespmem:v24+s18+$0x0] =	vst.idx.add.f32.msk $0xffff, v23;
	v23 =	vor.u32 $0x80, v8  }
0xde: {  	v24 =	vor.u32 $0x100, v3;
	[tilespmem:v15+s18+$0x0] =	vst.idx.add.f32.msk $0xffff, v25  }
0xdf: {  	v28 =	vor.u32 $0x80, v14;
	[tilespmem:v12+s18+$0x0] =	vst.idx.add.f32.msk $0xffff, v19  }
0xe0: {  	v25 =	vor.u32 $0x80, v12;
	v19 =	vld.idx.msk [tilespmem:v20+s2+$0x0], $0xffff  }
0xe1: {  	v20 =	vor.u32 $0x100, v11;
	v17 =	vld.idx.msk [tilespmem:v21+s2+$0x0], $0xffff  }
0xe2: {  	v21 =	vor.u32 $0x80, v13;
	[tilespmem:v23+s18+$0x0] =	vst.idx.add.f32.msk $0xffff, v18  }
.Ltmp1:
0xe3: {  	v18 =	vor.u32 $0x80, v15;
	v23 =	vld.idx.msk [tilespmem:v24+s2+$0x0], $0xffff;
	(pc) =	sbr.rel @p0 .LBB2_5-.Ltmp1, $4  }
0xe4: {  	[tilespmem:v28+s18+$0x0] =	vst.idx.add.f32.msk $0xffff, v26  }
0xe5: {  	v26 =	vld.idx.msk [tilespmem:v27+s2+$0x0], $0xffff  }
0xe6: {  	v24 =	vld.idx.msk [tilespmem:v20+s2+$0x0], $0xffff  }
0xe7: {  	[tilespmem:v21+s18+$0x0] =	vst.idx.add.f32.msk $0xffff, v19  }
0xe8: {  	_ = 	snop  }
0xe9: {  	v19 =	vor.u32 $0x100, v5  }
0xea: {  	v20 =	vor.u32 $0x100, v8  }
0xeb: {  	v21 =	vor.u32 $0x100, v16  }
0xec: {  	[tilespmem:v18+s18+$0x0] =	vst.idx.add.f32.msk $0xffff, v17;
	v17 =	vor.u32 $0x100, v9  }
0xed: {  	v18 =	vor.u32 $0x80, v2;
	[tilespmem:v25+s18+$0x0] =	vst.idx.add.f32.msk $0xffff, v26  }
0xee: {  	v11 =	vor.u32 $0x180, v11;
	v19 =	vld.idx.msk [tilespmem:v19+s2+$0x0], $0xffff  }
0xef: {  	v3 =	vor.u32 $0x180, v3;
	[tilespmem:v20+s18+$0x0] =	vst.idx.add.f32.msk $0xffff, v23  }
0xf0: {  	v25 =	vor.u32 $0x80, v10;
	[tilespmem:v21+s18+$0x0] =	vst.idx.add.f32.msk $0xffff, v24  }
0xf1: {  	v20 =	vor.u32 $0x100, v7;
	v17 =	vld.idx.msk [tilespmem:v17+s2+$0x0], $0xffff  }
0xf2: {  	v21 =	vor.u32 $0x100, v4;
	v18 =	vld.idx.msk [tilespmem:v18+s2+$0x0], $0xffff  }
0xf3: {  	v23 =	vor.u32 $0x100, v6;
	v11 =	vld.idx.msk [tilespmem:v11+s2+$0x0], $0xffff  }
0xf4: {  	v24 =	vor.u32 $0x100, v15;
	v3 =	vld.idx.msk [tilespmem:v3+s2+$0x0], $0xffff  }
0xf5: {  	v16 =	vor.u32 $0x180, v16;
	[tilespmem:v25+s18+$0x0] =	vst.idx.add.f32.msk $0xffff, v22  }
0xf6: {  	v5 =	vor.u32 $0x180, v5;
	v20 =	vld.idx.msk [tilespmem:v20+s2+$0x0], $0xffff  }
0xf7: {  	v8 =	vor.u32 $0x180, v8;
	v21 =	vld.idx.msk [tilespmem:v21+s2+$0x0], $0xffff  }
0xf8: {  	v22 =	vor.u32 $0x80, v1;
	v23 =	vld.idx.msk [tilespmem:v23+s2+$0x0], $0xffff  }
0xf9: {  	v25 =	vor.u32 $0x100, v14;
	[tilespmem:v24+s18+$0x0] =	vst.idx.add.f32.msk $0xffff, v19  }
0xfa: {  	v9 =	vor.u32 $0x180, v9;
	[tilespmem:v16+s18+$0x0] =	vst.idx.add.f32.msk $0xffff, v11  }
0xfb: {  	v11 =	vor.u32 $0x100, v13;
	v5 =	vld.idx.msk [tilespmem:v5+s2+$0x0], $0xffff  }
0xfc: {  	v16 =	vor.u32 $0x100, v2;
	[tilespmem:v8+s18+$0x0] =	vst.idx.add.f32.msk $0xffff, v3  }
0xfd: {  	v19 =	vor.u32 $0x100, v12;
	[tilespmem:v22+s18+$0x0] =	vst.idx.add.f32.msk $0xffff, v18  }
0xfe: {  	v6 =	vor.u32 $0x180, v6;
	[tilespmem:v25+s18+$0x0] =	vst.idx.add.f32.msk $0xffff, v17  }
0xff: {  	v7 =	vor.u32 $0x180, v7;
	v9 =	vld.idx.msk [tilespmem:v9+s2+$0x0], $0xffff  }
0x100: {  	v14 =	vor.u32 $0x180, v14;
	[tilespmem:v11+s18+$0x0] =	vst.idx.add.f32.msk $0xffff, v20  }
0x101: {  	v11 =	vld.idx.msk [tilespmem:v16+s2+$0x0], $0xffff;
	v16 =	vor.u32 $0x100, v10  }
0x102: {  	v17 =	vor.u32 $0x100, v1;
	[tilespmem:v19+s18+$0x0] =	vst.idx.add.f32.msk $0xffff, v23  }
0x103: {  	v2 =	vor.u32 $0x180, v2;
	v6 =	vld.idx.msk [tilespmem:v6+s2+$0x0], $0xffff  }
0x104: {  	v4 =	vor.u32 $0x180, v4;
	v7 =	vld.idx.msk [tilespmem:v7+s2+$0x0], $0xffff  }
0x105: {  	v13 =	vor.u32 $0x180, v13;
	[tilespmem:v14+s18+$0x0] =	vst.idx.add.f32.msk $0xffff, v9  }
0x106: {  	v9 =	vor.u32 $0x180, v15;
	[tilespmem:v16+s18+$0x0] =	vst.idx.add.f32.msk $0xffff, v21  }
0x107: {  	[tilespmem:v17+s18+$0x0] =	vst.idx.add.f32.msk $0xffff, v11;
	v11 =	vor.u32 $0x180, v12  }
0x108: {  	v1 =	vor.u32 $0x180, v1;
	v2 =	vld.idx.msk [tilespmem:v2+s2+$0x0], $0xffff  }
0x109: {  	s23 =	sadd.s32 $0x2, s25;
	v10 =	vor.u32 $0x180, v10;
	v4 =	vld.idx.msk [tilespmem:v4+s2+$0x0], $0xffff  }
0x10a: {  	p0 =	sge.u32 s23, s5;
	[tilespmem:v13+s18+$0x0] =	vst.idx.add.f32.msk $0xffff, v7  }
0x10b: {  	s23 =	sadd.s32 @!p0 s4, s23;
	[tilespmem:v9+s18+$0x0] =	vst.idx.add.f32.msk $0xffff, v5  }
0x10c: {  	s23 =	sshll.u32 @!p0 s23, $0x7;
	[tilespmem:v11+s18+$0x0] =	vst.idx.add.f32.msk $0xffff, v6  }
0x10d: {  	s24 =	sadd.s32 @!p0 s3, s23;
	s23 =	sand.u32 @!p0 $0x1FFFFF80, s23;
	[tilespmem:v1+s18+$0x0] =	vst.idx.add.f32.msk $0xffff, v2  }
0x10e: {  	s25 =	simm.s32 @!p0 $0x0;
	s26 =	simm.s32 @!p0 $0x14000;
	s23 =	sadd.s32 @!p0 s3, s23;
	[tilespmem:v10+s18+$0x0] =	vst.idx.add.f32.msk $0xffff, v4  }
0x10f: {  	[tilespmem:s26], [sflag:$0x2] =	stream.linear.gather @!p0 [hbm4b:s24+s25], $0x400, $0x38;
	[tilespmem:$0x15000] =	vst v63  }
0x110: {  	s23 =	sadd.s32 @!p0 $0x5000, s23;
	s24 =	simm.s32 @!p0 $0x14800  }
0x111: {  	[tilespmem:s24], [sflag:$0x2] =	stream.linear.gather @!p0 [hbm4b:s23+s25], $0x400, $0x38;
	[tilespmem:$0x15000] =	vst v63  }
0x112: {  	_ =	swait.ge [sflag:s19], $0x400  }
0x113: {  	[sflag:s19] =	ssyncset.done $0x0  }
0x114: {  	[sflag:s19] =	ssyncadd.s32 $0xFFFFFC00  }
0x115: {  	_ =	swait.ge [sflag:s19], $0x400  }
0x116: {  	[sflag:s19] =	ssyncset.done $0x0  }
0x117: {  	s24 =	simm.s32 $0x14440;
	[sflag:s19] =	ssyncadd.s32 $0xFFFFFC00  }
0x118: {  	s23 =	simm.s32 $0x14C40;
	v1 =	vld [tilespmem:s24+$0x30]  }
0x119: {  	v2 =	vld [tilespmem:s23+$0xFFFFFFC0]  }
0x11a: {  	v3 =	vld [tilespmem:s24+$0xFFFFFFC0]  }
0x11b: {  	v4 =	vld [tilespmem:s24+$0x20]  }
0x11c: {  	v12 =	vld [tilespmem:s24+$0xFFFFFFE0]  }
0x11d: {  	v5 =	vld [tilespmem:s24+$0xFFFFFFD0]  }
0x11e: {  	v7 =	vld [tilespmem:s24+$0x0];
	v10 =	vand.u32 $0x7F, v2;
	v2 =	vshll.u32 v2, $0x2;
	v9 =	vshll.u32 v1, $0x2  }
0x11f: {  	v6 =	vld [tilespmem:s24+$0xFFFFFFF0];
	v11 =	vand.u32 $0x7F, v3;
	v1 =	vand.u32 $0x7F, v1;
	v14 =	vshll.u32 v3, $0x2  }
0x120: {  	v15 =	vshll.u32 v4, $0x2;
	v4 =	vand.u32 $0x7F, v4;
	v9 =	vand.u32 $0xFFFFFE00, v9  }
0x121: {  	v8 =	vld [tilespmem:s23+$0x30];
	v16 =	vshll.u32 v12, $0x2;
	v12 =	vand.u32 $0x7F, v12;
	v3 =	vor.u32 v1, v9  }
0x122: {  	v13 =	vld [tilespmem:s24+$0x10];
	v1 =	vand.u32 $0xFFFFFE00, v14;
	v9 =	vand.u32 $0xFFFFFE00, v15;
	v14 =	vand.u32 $0xFFFFFE00, v2  }
0x123: {  	v17 =	vld [tilespmem:s23+$0xFFFFFFD0];
	v2 =	vor.u32 v11, v1;
	v11 =	vor.u32 v4, v9;
	v1 =	vshll.u32 v7, $0x2  }
0x124: {  	v18 =	vld [tilespmem:s23+$0x0];
	v4 =	vshll.u32 v6, $0x2;
	v9 =	vshll.u32 v5, $0x2;
	v5 =	vand.u32 $0x7F, v5  }
0x125: {  	v19 =	vld [tilespmem:s23+$0x20];
	v6 =	vand.u32 $0x7F, v6;
	v7 =	vand.u32 $0x7F, v7;
	v9 =	vand.u32 $0xFFFFFE00, v9  }
0x126: {  	v21 =	vld [tilespmem:s23+$0xFFFFFFF0];
	v4 =	vand.u32 $0xFFFFFE00, v4;
	v1 =	vand.u32 $0xFFFFFE00, v1;
	v5 =	vor.u32 v5, v9  }
0x127: {  	v15 =	vld [tilespmem:s23+$0xFFFFFFE0];
	v9 =	vor.u32 v6, v4;
	v4 =	vand.u32 $0xFFFFFE00, v16;
	v6 =	vor.u32 v7, v1  }
0x128: {  	v7 =	vshll.u32 v13, $0x2;
	v4 =	vor.u32 v12, v4;
	v12 =	vand.u32 $0x7F, v13;
	v13 =	vld [tilespmem:s23+$0x10]  }
0x129: {  	v20 =	vld.idx.msk [tilespmem:v3+s2+$0x0], $0xffff  }
0x12a: {  	v7 =	vand.u32 $0xFFFFFE00, v7;
	v22 =	vld.idx.msk [tilespmem:v11+s2+$0x0], $0xffff  }
0x12b: {  	v1 =	vor.u32 v10, v14;
	v14 =	vshll.u32 v19, $0x2;
	v7 =	vor.u32 v12, v7;
	v10 =	vld.idx.msk [tilespmem:v2+s2+$0x0], $0xffff  }
0x12c: {  	v14 =	vand.u32 $0xFFFFFE00, v14;
	v12 =	vand.u32 $0x7F, v19;
	v23 =	vld.idx.msk [tilespmem:v5+s2+$0x0], $0xffff  }
0x12d: {  	v24 =	vshll.u32 v21, $0x2;
	v25 =	vshll.u32 v8, $0x2;
	v16 =	vor.u32 v12, v14;
	v19 =	vld.idx.msk [tilespmem:v9+s2+$0x0], $0xffff  }
0x12e: {  	v12 =	vand.u32 $0x7F, v21;
	v14 =	vand.u32 $0xFFFFFE00, v24;
	v24 =	vor.u32 $0x80, v11;
	v21 =	vld.idx.msk [tilespmem:v6+s2+$0x0], $0xffff  }
0x12f: {  	v8 =	vand.u32 $0x7F, v8;
	v14 =	vor.u32 v12, v14;
	v12 =	vand.u32 $0xFFFFFE00, v25;
	v26 =	vld.idx.msk [tilespmem:v4+s2+$0x0], $0xffff  }
0x130: {  	v8 =	vor.u32 v8, v12;
	v27 =	vld.idx.msk [tilespmem:v7+s2+$0x0], $0xffff  }
0x131: {  	v28 =	vor.u32 $0x80, v3;
	v25 =	vor.u32 $0x80, v9;
	v12 =	vshll.u32 v13, $0x2;
	[tilespmem:v1+s18+$0x0] =	vst.idx.add.f32.msk $0xffff, v10  }
0x132: {  	v29 =	vor.u32 $0x80, v16;
	v13 =	vand.u32 $0x7F, v13;
	v12 =	vand.u32 $0xFFFFFE00, v12;
	[tilespmem:v16+s18+$0x0] =	vst.idx.add.f32.msk $0xffff, v22  }
0x133: {  	v10 =	vshll.u32 v15, $0x2;
	v15 =	vand.u32 $0x7F, v15;
	v13 =	vor.u32 v13, v12;
	v24 =	vld.idx.msk [tilespmem:v24+s2+$0x0], $0xffff  }
0x134: {  	v12 =	vshll.u32 v17, $0x2;
	v17 =	vand.u32 $0x7F, v17;
	v10 =	vand.u32 $0xFFFFFE00, v10;
	[tilespmem:v14+s18+$0x0] =	vst.idx.add.f32.msk $0xffff, v19  }
0x135: {  	v12 =	vand.u32 $0xFFFFFE00, v12;
	v10 =	vor.u32 v15, v10;
	v15 =	vshll.u32 v18, $0x2;
	[tilespmem:v8+s18+$0x0] =	vst.idx.add.f32.msk $0xffff, v20  }
0x136: {  	v25 =	vld.idx.msk [tilespmem:v25+s2+$0x0], $0xffff;
	v20 =	vand.u32 $0xFFFFFE00, v15;
	v15 =	vor.u32 v17, v12  }
0x137: {  	v18 =	vand.u32 $0x7F, v18;
	v28 =	vld.idx.msk [tilespmem:v28+s2+$0x0], $0xffff;
	v17 =	vor.u32 $0x80, v7  }
0x138: {  	v12 =	vor.u32 v18, v20;
	v18 =	vor.u32 $0x80, v5;
	[tilespmem:v13+s18+$0x0] =	vst.idx.add.f32.msk $0xffff, v27  }
0x139: {  	v19 =	vor.u32 $0x80, v4;
	[tilespmem:v29+s18+$0x0] =	vst.idx.add.f32.msk $0xffff, v24  }
0x13a: {  	[tilespmem:v10+s18+$0x0] =	vst.idx.add.f32.msk $0xffff, v26  }
0x13b: {  	[tilespmem:v15+s18+$0x0] =	vst.idx.add.f32.msk $0xffff, v23  }
0x13c: {  	v24 =	vor.u32 $0x80, v14;
	v27 =	vld.idx.msk [tilespmem:v17+s2+$0x0], $0xffff  }
0x13d: {  	v17 =	vld.idx.msk [tilespmem:v18+s2+$0x0], $0xffff;
	v18 =	vor.u32 $0x100, v11  }
0x13e: {  	v22 =	vld.idx.msk [tilespmem:v19+s2+$0x0], $0xffff;
	v19 =	vor.u32 $0x80, v8  }
0x13f: {  	v63 =	vor.u32 $0x80, v13  }
0x140: {  	v20 =	vor.u32 $0x100, v3;
	[tilespmem:v12+s18+$0x0] =	vst.idx.add.f32.msk $0xffff, v21  }
0x141: {  	v21 =	vor.u32 $0x80, v6;
	[tilespmem:v24+s18+$0x0] =	vst.idx.add.f32.msk $0xffff, v25  }
0x142: {  	v24 =	vld.idx.msk [tilespmem:v18+s2+$0x0], $0xffff;
	v18 =	vor.u32 $0x80, v15  }
0x143: {  	[tilespmem:v19+s18+$0x0] =	vst.idx.add.f32.msk $0xffff, v28  }
0x144: {  	[tilespmem:v63+s18+$0x0] =	vst.idx.add.f32.msk $0xffff, v27  }
0x145: {  	v23 =	vld.idx.msk [tilespmem:v20+s2+$0x0], $0xffff  }
0x146: {  	s25 =	simm.s32 $0x0;
	v25 =	vor.u32 $0x80, v12;
	v26 =	vld.idx.msk [tilespmem:v21+s2+$0x0], $0xffff  }
.LBB2_7:
0x147: {  	s25 =	sadd.s32 $0x8, s25;
	[tilespmem:v18+s18+$0x0] =	vst.idx.add.f32.msk $0xffff, v17;
	s24 =	sadd.s32 $0x80, s24;
	s23 =	sadd.s32 $0x80, s23  }
0x148: {  	v17 =	vld [tilespmem:s23+$0x30];
	p0 =	slt.u32 s25, $0x38  }
0x149: {  	v18 =	vld [tilespmem:s24+$0xFFFFFFD0]  }
0x14a: {  	v20 =	vld [tilespmem:s24+$0xFFFFFFE0]  }
0x14b: {  	v27 =	vor.u32 $0x100, v5;
	v21 =	vld [tilespmem:s24+$0xFFFFFFF0]  }
0x14c: {  	v19 =	vld [tilespmem:s24+$0x0]  }
0x14d: {  	v28 =	vld [tilespmem:s24+$0x10]  }
0x14e: {  	v29 =	vld [tilespmem:s24+$0x20]  }
0x14f: {  	[tilespmem:v25+s18+$0x0] =	vst.idx.add.f32.msk $0xffff, v26;
	v25 =	vor.u32 $0x100, v8  }
0x150: {  	v26 =	vld.idx.msk [tilespmem:v27+s2+$0x0], $0xffff;
	v27 =	vor.u32 $0x100, v16  }
0x151: {  	v31 =	vor.u32 $0x100, v9;
	v30 =	vld [tilespmem:s24+$0x30]  }
0x152: {  	v33 =	vor.u32 $0x80, v2;
	v32 =	vld [tilespmem:s24+$0xFFFFFFC0]  }
0x153: {  	v11 =	vor.u32 $0x180, v11;
	v34 =	vld [tilespmem:s23+$0xFFFFFFC0]  }
0x154: {  	v35 =	vor.u32 $0x80, v10;
	[tilespmem:v25+s18+$0x0] =	vst.idx.add.f32.msk $0xffff, v23  }
0x155: {  	v23 =	vor.u32 $0x100, v7;
	[tilespmem:v27+s18+$0x0] =	vst.idx.add.f32.msk $0xffff, v24  }
0x156: {  	v24 =	vor.u32 $0x100, v4;
	v25 =	vld.idx.msk [tilespmem:v31+s2+$0x0], $0xffff  }
0x157: {  	v31 =	vor.u32 $0x100, v6;
	v27 =	vld.idx.msk [tilespmem:v33+s2+$0x0], $0xffff  }
0x158: {  	v33 =	vor.u32 $0x100, v15;
	v11 =	vld.idx.msk [tilespmem:v11+s2+$0x0], $0xffff  }
0x159: {  	v16 =	vor.u32 $0x180, v16;
	[tilespmem:v35+s18+$0x0] =	vst.idx.add.f32.msk $0xffff, v22  }
0x15a: {  	v22 =	vor.u32 $0x80, v1;
	v23 =	vld.idx.msk [tilespmem:v23+s2+$0x0], $0xffff  }
0x15b: {  	v35 =	vor.u32 $0x100, v14;
	v24 =	vld.idx.msk [tilespmem:v24+s2+$0x0], $0xffff  }
0x15c: {  	v9 =	vor.u32 $0x180, v9;
	v31 =	vld.idx.msk [tilespmem:v31+s2+$0x0], $0xffff  }
0x15d: {  	[tilespmem:v33+s18+$0x0] =	vst.idx.add.f32.msk $0xffff, v26;
	v26 =	vor.u32 $0x100, v12  }
0x15e: {  	v3 =	vor.u32 $0x180, v3;
	[tilespmem:v16+s18+$0x0] =	vst.idx.add.f32.msk $0xffff, v11  }
0x15f: {  	v11 =	vor.u32 $0x100, v13;
	[tilespmem:v22+s18+$0x0] =	vst.idx.add.f32.msk $0xffff, v27  }
0x160: {  	v16 =	vor.u32 $0x100, v2;
	[tilespmem:v35+s18+$0x0] =	vst.idx.add.f32.msk $0xffff, v25  }
0x161: {  	v5 =	vor.u32 $0x180, v5;
	v9 =	vld.idx.msk [tilespmem:v9+s2+$0x0], $0xffff  }
0x162: {  	v7 =	vor.u32 $0x180, v7;
	[tilespmem:v26+s18+$0x0] =	vst.idx.add.f32.msk $0xffff, v31  }
0x163: {  	v14 =	vor.u32 $0x180, v14;
	v3 =	vld.idx.msk [tilespmem:v3+s2+$0x0], $0xffff  }
0x164: {  	v6 =	vor.u32 $0x180, v6;
	[tilespmem:v11+s18+$0x0] =	vst.idx.add.f32.msk $0xffff, v23  }
0x165: {  	v11 =	vld.idx.msk [tilespmem:v16+s2+$0x0], $0xffff;
	v16 =	vor.u32 $0x100, v10  }
0x166: {  	v22 =	vor.u32 $0x100, v1;
	v5 =	vld.idx.msk [tilespmem:v5+s2+$0x0], $0xffff  }
0x167: {  	v4 =	vor.u32 $0x180, v4;
	v2 =	vor.u32 $0x180, v2;
	v7 =	vld.idx.msk [tilespmem:v7+s2+$0x0], $0xffff  }
0x168: {  	[tilespmem:v14+s18+$0x0] =	vst.idx.add.f32.msk $0xffff, v9  }
0x169: {  	v9 =	vor.u32 $0x180, v15;
	v6 =	vld.idx.msk [tilespmem:v6+s2+$0x0], $0xffff  }
0x16a: {  	v13 =	vor.u32 $0x180, v13;
	[tilespmem:v16+s18+$0x0] =	vst.idx.add.f32.msk $0xffff, v24  }
0x16b: {  	v8 =	vor.u32 $0x180, v8;
	[tilespmem:v22+s18+$0x0] =	vst.idx.add.f32.msk $0xffff, v11  }
0x16c: {  	v12 =	vor.u32 $0x180, v12;
	v14 =	vor.u32 $0x180, v1;
	v11 =	vld.idx.msk [tilespmem:v2+s2+$0x0], $0xffff  }
0x16d: {  	v10 =	vor.u32 $0x180, v10;
	v1 =	vand.u32 $0x7F, v34;
	v2 =	vshll.u32 v34, $0x2;
	v4 =	vld.idx.msk [tilespmem:v4+s2+$0x0], $0xffff  }
0x16e: {  	v15 =	vand.u32 $0x7F, v32;
	v16 =	vshll.u32 v32, $0x2;
	v2 =	vand.u32 $0xFFFFFE00, v2;
	[tilespmem:v9+s18+$0x0] =	vst.idx.add.f32.msk $0xffff, v5  }
0x16f: {  	v5 =	vand.u32 $0xFFFFFE00, v16;
	v1 =	vor.u32 v1, v2;
	v9 =	vshll.u32 v30, $0x2;
	[tilespmem:v13+s18+$0x0] =	vst.idx.add.f32.msk $0xffff, v7  }
0x170: {  	v16 =	vand.u32 $0x7F, v30;
	v7 =	vand.u32 $0x7F, v29;
	v13 =	vshll.u32 v29, $0x2;
	[tilespmem:v8+s18+$0x0] =	vst.idx.add.f32.msk $0xffff, v3  }
0x171: {  	v2 =	vor.u32 v15, v5;
	v3 =	vshll.u32 v28, $0x2;
	v5 =	vand.u32 $0xFFFFFE00, v13;
	[tilespmem:v12+s18+$0x0] =	vst.idx.add.f32.msk $0xffff, v6  }
0x172: {  	v6 =	vshll.u32 v19, $0x2;
	v8 =	vand.u32 $0xFFFFFE00, v3;
	v3 =	vand.u32 $0xFFFFFE00, v9;
	[tilespmem:v14+s18+$0x0] =	vst.idx.add.f32.msk $0xffff, v11  }
0x173: {  	v9 =	vshll.u32 v21, $0x2;
	v12 =	vand.u32 $0x7F, v28;
	v3 =	vor.u32 v16, v3;
	[tilespmem:v10+s18+$0x0] =	vst.idx.add.f32.msk $0xffff, v4  }
0x174: {  	v13 =	vand.u32 $0x7F, v21;
	v9 =	vand.u32 $0xFFFFFE00, v9;
	v4 =	vshll.u32 v20, $0x2;
	v10 =	vld [tilespmem:s23+$0xFFFFFFE0]  }
0x175: {  	v14 =	vshll.u32 v18, $0x2;
	v11 =	vor.u32 v7, v5;
	v4 =	vand.u32 $0xFFFFFE00, v4;
	v15 =	vld [tilespmem:s23+$0xFFFFFFD0]  }
0x176: {  	v7 =	vor.u32 v12, v8;
	v5 =	vand.u32 $0xFFFFFE00, v14;
	v14 =	vand.u32 $0x7F, v20;
	v20 =	vld [tilespmem:s23+$0x0]  }
0x177: {  	v8 =	vand.u32 $0x7F, v18;
	v4 =	vor.u32 v14, v4;
	v14 =	vand.u32 $0x7F, v17;
	v12 =	vld [tilespmem:s23+$0x20]  }
0x178: {  	v6 =	vand.u32 $0xFFFFFE00, v6;
	v5 =	vor.u32 v8, v5;
	v8 =	vand.u32 $0x7F, v19;
	v18 =	vld.idx.msk [tilespmem:v3+s2+$0x0], $0xffff  }
0x179: {  	v9 =	vor.u32 v13, v9;
	v6 =	vor.u32 v8, v6;
	v16 =	vshll.u32 v10, $0x2;
	v19 =	vld [tilespmem:s23+$0xFFFFFFF0]  }
0x17a: {  	v8 =	vshll.u32 v17, $0x2;
	v21 =	vshll.u32 v15, $0x2;
	v13 =	vand.u32 $0xFFFFFE00, v16;
	v22 =	vld.idx.msk [tilespmem:v11+s2+$0x0], $0xffff  }
0x17b: {  	v8 =	vand.u32 $0xFFFFFE00, v8;
	v17 =	vld.idx.msk [tilespmem:v2+s2+$0x0], $0xffff;
	v16 =	vshll.u32 v20, $0x2  }
0x17c: {  	v8 =	vor.u32 v14, v8;
	v23 =	vand.u32 $0xFFFFFE00, v16;
	v24 =	vld [tilespmem:s23+$0x10];
	v16 =	vshll.u32 v12, $0x2  }
0x17d: {  	v12 =	vand.u32 $0x7F, v12;
	v25 =	vld.idx.msk [tilespmem:v5+s2+$0x0], $0xffff;
	v14 =	vand.u32 $0xFFFFFE00, v16  }
0x17e: {  	v26 =	vld.idx.msk [tilespmem:v9+s2+$0x0], $0xffff;
	v27 =	vshll.u32 v19, $0x2;
	v16 =	vor.u32 v12, v14  }
0x17f: {  	v12 =	vand.u32 $0x7F, v19;
	v14 =	vand.u32 $0xFFFFFE00, v27;
	v19 =	vld.idx.msk [tilespmem:v6+s2+$0x0], $0xffff;
	v27 =	vor.u32 $0x80, v11  }
0x180: {  	v28 =	vld.idx.msk [tilespmem:v4+s2+$0x0], $0xffff;
	v14 =	vor.u32 v12, v14  }
0x181: {  	v29 =	vor.u32 $0x80, v9;
	[tilespmem:v1+s18+$0x0] =	vst.idx.add.f32.msk $0xffff, v17;
	v17 =	vor.u32 $0x80, v4;
	v30 =	vand.u32 $0x7F, v24  }
0x182: {  	v31 =	vor.u32 $0x80, v3;
	v12 =	vand.u32 $0x7F, v20;
	v24 =	vshll.u32 v24, $0x2;
	v20 =	vld.idx.msk [tilespmem:v7+s2+$0x0], $0xffff  }
0x183: {  	v10 =	vand.u32 $0x7F, v10;
	v12 =	vor.u32 v12, v23;
	v23 =	vand.u32 $0xFFFFFE00, v24;
	[tilespmem:v16+s18+$0x0] =	vst.idx.add.f32.msk $0xffff, v22  }
0x184: {  	v10 =	vor.u32 v10, v13;
	v13 =	vor.u32 v30, v23;
	v23 =	vld.idx.msk [tilespmem:v27+s2+$0x0], $0xffff  }
0x185: {  	v24 =	vor.u32 $0x80, v16;
	[tilespmem:v14+s18+$0x0] =	vst.idx.add.f32.msk $0xffff, v26  }
0x186: {  	v26 =	vld.idx.msk [tilespmem:v29+s2+$0x0], $0xffff  }
0x187: {  	v15 =	vand.u32 $0x7F, v15;
	v21 =	vand.u32 $0xFFFFFE00, v21;
	v27 =	vor.u32 $0x80, v6;
	[tilespmem:v8+s18+$0x0] =	vst.idx.add.f32.msk $0xffff, v18  }
0x188: {  	v15 =	vor.u32 v15, v21;
	v18 =	vld.idx.msk [tilespmem:v31+s2+$0x0], $0xffff  }
0x189: {  	[tilespmem:v13+s18+$0x0] =	vst.idx.add.f32.msk $0xffff, v20  }
0x18a: {  	v20 =	vor.u32 $0x80, v7;
	[tilespmem:v10+s18+$0x0] =	vst.idx.add.f32.msk $0xffff, v28  }
0x18b: {  	v21 =	vor.u32 $0x80, v5;
	v22 =	vld.idx.msk [tilespmem:v17+s2+$0x0], $0xffff  }
0x18c: {  	[tilespmem:v24+s18+$0x0] =	vst.idx.add.f32.msk $0xffff, v23;
	v23 =	vor.u32 $0x80, v8  }
0x18d: {  	v24 =	vor.u32 $0x100, v3;
	[tilespmem:v15+s18+$0x0] =	vst.idx.add.f32.msk $0xffff, v25  }
0x18e: {  	v28 =	vor.u32 $0x80, v14;
	[tilespmem:v12+s18+$0x0] =	vst.idx.add.f32.msk $0xffff, v19  }
0x18f: {  	v25 =	vor.u32 $0x80, v12;
	v19 =	vld.idx.msk [tilespmem:v20+s2+$0x0], $0xffff  }
0x190: {  	v20 =	vor.u32 $0x100, v11;
	v17 =	vld.idx.msk [tilespmem:v21+s2+$0x0], $0xffff  }
0x191: {  	v21 =	vor.u32 $0x80, v13;
	[tilespmem:v23+s18+$0x0] =	vst.idx.add.f32.msk $0xffff, v18  }
.Ltmp2:
0x192: {  	v18 =	vor.u32 $0x80, v15;
	v23 =	vld.idx.msk [tilespmem:v24+s2+$0x0], $0xffff;
	(pc) =	sbr.rel @p0 .LBB2_7-.Ltmp2, $4  }
0x193: {  	[tilespmem:v28+s18+$0x0] =	vst.idx.add.f32.msk $0xffff, v26  }
0x194: {  	v26 =	vld.idx.msk [tilespmem:v27+s2+$0x0], $0xffff  }
0x195: {  	v24 =	vld.idx.msk [tilespmem:v20+s2+$0x0], $0xffff  }
0x196: {  	[tilespmem:v21+s18+$0x0] =	vst.idx.add.f32.msk $0xffff, v19  }
0x197: {  	_ = 	snop  }
0x198: {  	v19 =	vor.u32 $0x100, v5  }
0x199: {  	v20 =	vor.u32 $0x100, v8  }
0x19a: {  	v21 =	vor.u32 $0x100, v16  }
0x19b: {  	[tilespmem:v18+s18+$0x0] =	vst.idx.add.f32.msk $0xffff, v17;
	v37 =	vor.u32 $0x100, v9  }
0x19c: {  	v38 =	vor.u32 $0x80, v2;
	[tilespmem:v25+s18+$0x0] =	vst.idx.add.f32.msk $0xffff, v26  }
0x19d: {  	v39 =	vor.u32 $0x80, v10;
	v19 =	vld.idx.msk [tilespmem:v19+s2+$0x0], $0xffff  }
0x19e: {  	v40 =	vor.u32 $0x100, v7;
	[tilespmem:v20+s18+$0x0] =	vst.idx.add.f32.msk $0xffff, v23  }
0x19f: {  	v42 =	vor.u32 $0x100, v6;
	[tilespmem:v21+s18+$0x0] =	vst.idx.add.f32.msk $0xffff, v24  }
0x1a0: {  	v11 =	vor.u32 $0x180, v11;
	v17 =	vld.idx.msk [tilespmem:v37+s2+$0x0], $0xffff  }
0x1a1: {  	v41 =	vor.u32 $0x100, v4;
	v18 =	vld.idx.msk [tilespmem:v38+s2+$0x0], $0xffff  }
0x1a2: {  	v3 =	vor.u32 $0x180, v3;
	[tilespmem:v39+s18+$0x0] =	vst.idx.add.f32.msk $0xffff, v22  }
0x1a3: {  	v43 =	vor.u32 $0x100, v15;
	v20 =	vld.idx.msk [tilespmem:v40+s2+$0x0], $0xffff  }
0x1a4: {  	v45 =	vor.u32 $0x80, v1;
	v23 =	vld.idx.msk [tilespmem:v42+s2+$0x0], $0xffff  }
0x1a5: {  	v46 =	vor.u32 $0x100, v14;
	v11 =	vld.idx.msk [tilespmem:v11+s2+$0x0], $0xffff  }
0x1a6: {  	v48 =	vor.u32 $0x100, v12;
	v21 =	vld.idx.msk [tilespmem:v41+s2+$0x0], $0xffff  }
0x1a7: {  	v49 =	vor.u32 $0x100, v13;
	v3 =	vld.idx.msk [tilespmem:v3+s2+$0x0], $0xffff  }
0x1a8: {  	v44 =	vor.u32 $0x180, v16;
	[tilespmem:v43+s18+$0x0] =	vst.idx.add.f32.msk $0xffff, v19  }
0x1a9: {  	v47 =	vor.u32 $0x180, v9;
	[tilespmem:v45+s18+$0x0] =	vst.idx.add.f32.msk $0xffff, v18  }
0x1aa: {  	v50 =	vor.u32 $0x100, v2;
	[tilespmem:v46+s18+$0x0] =	vst.idx.add.f32.msk $0xffff, v17  }
0x1ab: {  	v51 =	vor.u32 $0x180, v5;
	[tilespmem:v48+s18+$0x0] =	vst.idx.add.f32.msk $0xffff, v23  }
0x1ac: {  	v52 =	vor.u32 $0x180, v7;
	[tilespmem:v49+s18+$0x0] =	vst.idx.add.f32.msk $0xffff, v20  }
0x1ad: {  	v54 =	vor.u32 $0x180, v6;
	[tilespmem:v44+s18+$0x0] =	vst.idx.add.f32.msk $0xffff, v11  }
0x1ae: {  	v56 =	vor.u32 $0x100, v10;
	v9 =	vld.idx.msk [tilespmem:v47+s2+$0x0], $0xffff  }
0x1af: {  	v61 =	vor.u32 $0x180, v8;
	v55 =	vld.idx.msk [tilespmem:v50+s2+$0x0], $0xffff  }
0x1b0: {  	v58 =	vor.u32 $0x180, v4;
	v5 =	vld.idx.msk [tilespmem:v51+s2+$0x0], $0xffff  }
0x1b1: {  	v53 =	vor.u32 $0x180, v14;
	v7 =	vld.idx.msk [tilespmem:v52+s2+$0x0], $0xffff  }
0x1b2: {  	v57 =	vor.u32 $0x100, v1;
	v6 =	vld.idx.msk [tilespmem:v54+s2+$0x0], $0xffff  }
0x1b3: {  	v2 =	vor.u32 $0x180, v2;
	[tilespmem:v56+s18+$0x0] =	vst.idx.add.f32.msk $0xffff, v21  }
0x1b4: {  	v59 =	vor.u32 $0x180, v15;
	[tilespmem:v61+s18+$0x0] =	vst.idx.add.f32.msk $0xffff, v3  }
0x1b5: {  	v60 =	vor.u32 $0x180, v13;
	v4 =	vld.idx.msk [tilespmem:v58+s2+$0x0], $0xffff  }
0x1b6: {  	v62 =	vor.u32 $0x180, v12;
	[tilespmem:v53+s18+$0x0] =	vst.idx.add.f32.msk $0xffff, v9  }
0x1b7: {  	v63 =	vor.u32 $0x180, v10;
	s22 =	sadd.s32 $0x1, s22;
	[tilespmem:v57+s18+$0x0] =	vst.idx.add.f32.msk $0xffff, v55  }
0x1b8: {  	v1 =	vor.u32 $0x180, v1;
	p0 =	sne.s32 s22, s9;
	v2 =	vld.idx.msk [tilespmem:v2+s2+$0x0], $0xffff  }
.Ltmp3:
0x1b9: {  	[tilespmem:v59+s18+$0x0] =	vst.idx.add.f32.msk $0xffff, v5;
	(pc) =	sbr.rel @p0 .LBB2_4-.Ltmp3, $4  }
0x1ba: {  	[tilespmem:v60+s18+$0x0] =	vst.idx.add.f32.msk $0xffff, v7  }
0x1bb: {  	[tilespmem:v62+s18+$0x0] =	vst.idx.add.f32.msk $0xffff, v6  }
0x1bc: {  	[tilespmem:v63+s18+$0x0] =	vst.idx.add.f32.msk $0xffff, v4  }
0x1bd: {  	[tilespmem:v1+s18+$0x0] =	vst.idx.add.f32.msk $0xffff, v2  }
0x1be: {  	s21 =	sadd.s32 $0x1, s21  }
0x1bf: {  	p0 =	sne.s32 s21, s11  }
.Ltmp4:
0x1c0: {  	_ = 	snop;
	(pc) =	sbr.rel @p0 .LBB2_1-.Ltmp4, $4  }
0x1c1: {  	[hbm4b:s10+s2] =	stream.linear.scatter [tilespmem:s18], [sflag:$0x4], $0xA000, $0x38;
	[tilespmem:$0x15000] =	vst v63  }
0x1c2: {  	_ =	swait.ge [sflag:s20], $0xA000  }
0x1c3: {  	[sflag:s20] =	ssyncset.done $0x0  }
0x1c4: {  	[sflag:s20] =	ssyncadd.s32 $0xFFFF6000  }
0x1c5: {  	_ =	sfence.sel $0x180000  }
0x1c6: {  	[bflag:$0x0] =	sbarrier.arrive $0xFFFF  }
0x1c7: {  	p0 =	sne.s32 s1, $0x0;
	_ =	strace $0x9000004A  }
0x1c8: {  	s0 =	sadd.s32 @!p0 $0x100000, s0;
	[bflag:$0x2] =	sbarrier.arrive $0xFFFF  }
0x1c9: {  	[sflag:s0] =	ssyncadd.tile.s32 @!p0 $0x1;
	_ =	shalt  }
.Lfunc_end2:
_tile_overlayer_lowered:
.L_overlay_start_2:
0x1ca: {  	(tag) =	ssettag $0x2  }
0x1cb: {  	s0 =	rddreg [dreg:$0x0];
	s2 =	stileid.u32  }
0x1cc: {  	s1 =	rddreg [dreg:$0x1];
	p0 =	sne.s32 s2, $0x0  }
0x1cd: {  	s3 =	rddreg [dreg:$0x2];
	[bflag:$0x3] =	sbarrier.arrive $0xFFFF;
	s2 =	simm.s32 @!p0 $0x1C04  }
0x1ce: {  	[timem:s3], [sflag:s2] =	dma.local @!p0 [hbm:s0], s1  }
0x1cf: {  	s0 =	simm.s32 @!p0 $0x4  }
0x1d0: {  	_ =	swait.ge @!p0 [sflag:s0], s1  }
0x1d1: {  	s1 =	ssub.s32 @!p0 $0x0, s1;
	[sflag:s0] =	ssyncset.done @!p0 $0x0  }
0x1d2: {  	[sflag:s0] =	ssyncadd.s32 @!p0 s1  }
0x1d3: {  	[bflag:$0x3] =	sbarrier.arrive $0xFFFF  }
0x1d4: {  	_ =	shalt  }

// kernel: kernel.14.cloned.1.call-start
scs
__scs_entry_jumppad:
0x0: {  	(pc) =	sbr.rel $0x88, $3  }
0x1: {  	(tag) =	ssettag $0x0;
	lr =	simm.s32 $0x1  }
0x2: {  	[smem:$0x3F9B] =	sst lr;
	_ =	strace $0xD0000000  }
0x3: {  	_ = 	snop  }
0x4: {  	_ = 	snop  }
0x5: {  	_ = 	snop  }
0x6: {  	_ = 	snop  }
0x7: {  	_ = 	snop  }
__scs_overlays_trampoline_lowered:
0x8: {  	[smem:$0x3FAA] =	sst s0  }
0x9: {  	[smem:$0x3FAB] =	sst s1  }
0xa: {  	[smem:$0x3FAC] =	sst s2  }
0xb: {  	[smem:$0x3FAD] =	sst s3  }
0xc: {  	[smem:$0x3FAE] =	sst s4  }
0xd: {  	[smem:$0x3FAF] =	sst s5  }
0xe: {  	[smem:$0x3FB0] =	sst s6  }
0xf: {  	[smem:$0x3FB1] =	sst s7  }
0x10: {  	[smem:$0x3FB2] =	sst s8  }
0x11: {  	[smem:$0x3FB3] =	sst s9;
	s0 =	simm.s32 @!p0 $0x0  }
0x12: {  	s1 =	sld [smem:$0x3F99];
	s0 =	simm.s32 @p0 $0x1  }
0x13: {  	[smem:$0x3FB4] =	sst s0;
	s0 =	simm.s32 @!p1 $0x0  }
0x14: {  	s2 =	sld [smem:$0x3F98];
	s0 =	simm.s32 @p1 $0x1  }
0x15: {  	[smem:$0x3FB5] =	sst s0;
	s0 =	simm.s32 @!p2 $0x0  }
0x16: {  	s3 =	sld [smem:$0x3FDB];
	s0 =	simm.s32 @p2 $0x1  }
0x17: {  	s4 =	simm.s32 $0x1BF5;
	[smem:$0x3FB7] =	sst s0  }
0x18: {  	s0 =	sld [smem:$0x3F9A];
	_ =	swait.ge [sflag:s4], $0x0  }
0x19: {  	s7 =	sld [smem:$0x3F9B]  }
0x1a: {  	s8 =	sadd.s32 $0xFFFFE003, lr  }
0x1b: {  	s9 =	sadd.s32 $0xFFFFFEF7, lr;
	s5 =	simm.s32 $0xFFFFFFFF;
	p2 =	slt.u32 s8, $0xFFFFF086  }
0x1c: {  	p1 =	slt.u32 s9, $0xF7A;
	s5 =	simm.s32 @!p2 $0x0  }
0x1d: {  	s5 =	simm.s32 @p1 $0x1;
	p0 =	seq.s32 s7, s2  }
0x1e: {  	s7 =	smul.u32 @!p0 $0xF7A, s2;
	p2 =	seq.s32 @!p0 s5, $0x0  }
0x1f: {  	s9 =	smul.u32 $0xF7A, s1;
	s8 =	simm.s32 @!p0 $0x1BF5;
	p2 =	por !p2, p0  }
0x20: {  	[sflag:s8] =	ssyncset.s32 @!p0 $0xFFFFF086;
	s6 =	sadd.s32 @!p0 s3, s7;
	s7 =	simm.s32 @!p0 $0x108  }
0x21: {  	s3 =	sadd.s32 s3, s9;
	s6 =	sadd.s32 @!p0 $0x88, s6;
	s7 =	simm.s32 @p2 $0x1082  }
0x22: {  	[simem:s7], [sflag:s8] =	dma.local @!p0 [hbm:s6], $0xF7A  }
0x23: {  	s9 =	sor.u32 $0xD0000000, s2;
	s6 =	simm.s32 $0x108;
	_ =	swait.ge @!p0 [sflag:s8], $0x0  }
0x24: {  	s3 =	sadd.s32 $0x88, s3;
	s6 =	simm.s32 @!p1 $0x1082;
	[sflag:s4] =	ssyncset.s32 $0xFFFFF086  }
0x25: {  	[simem:s6], [sflag:s4] =	dma.local [hbm:s3], $0xF7A  }
0x26: {  	[smem:$0x3F9B] =	sst s1;
	(tag) =	ssettag s2;
	_ =	strace s9  }
0x27: {  	s1 =	sld [smem:$0x3FAB]  }
0x28: {  	s2 =	sld [smem:$0x3FAC]  }
0x29: {  	s4 =	sld [smem:$0x3FAE]  }
0x2a: {  	p0 =	seq.s32 s5, $0x0;
	s5 =	sld [smem:$0x3FAF]  }
0x2b: {  	s6 =	sld [smem:$0x3FB0]  }
0x2c: {  	s7 =	sld [smem:$0x3FB1]  }
0x2d: {  	s3 =	simm.s32 $0x108;
	s8 =	sld [smem:$0x3FB2]  }
0x2e: {  	s3 =	simm.s32 @!p0 $0x1082;
	s9 =	sld [smem:$0x3FB3]  }
0x2f: {  	lr =	sadd.s32 s0, s3;
	s0 =	sld [smem:$0x3FAA]  }
0x30: {  	s3 =	sld [smem:$0x3FAD]  }
0x31: {  	[smem:$0x3FB6] =	sst s10  }
0x32: {  	s10 =	sld [smem:$0x3FB4];
	_ =	sdelay $0x3  }
0x33: {  	p0 =	seq.s32 s10, $0x1;
	s10 =	sld [smem:$0x3FB6];
	_ =	sdelay $0x3  }
0x34: {  	[smem:$0x3FB6] =	sst s10  }
0x35: {  	s10 =	sld [smem:$0x3FB5];
	_ =	sdelay $0x3  }
0x36: {  	p1 =	seq.s32 s10, $0x1;
	s10 =	sld [smem:$0x3FB6];
	_ =	sdelay $0x3  }
0x37: {  	[smem:$0x3FB6] =	sst s10  }
0x38: {  	s10 =	sld [smem:$0x3FB7]  }
0x39: {  	_ = 	snop;
	(pc) =	sbr.ind lr, $3  }
0x3a: {  	_ = 	snop  }
0x3b: {  	_ = 	snop  }
0x3c: {  	p2 =	seq.s32 s10, $0x1;
	s10 =	sld [smem:$0x3FB6]  }
0x3d: {  	_ =	shalt  }
0x3e: {  	_ =	shalt  }
0x3f: {  	_ =	shalt  }
0x40: {  	_ =	shalt  }
0x41: {  	_ =	shalt  }
0x42: {  	_ =	shalt  }
0x43: {  	_ =	shalt  }
0x44: {  	_ =	shalt  }
0x45: {  	_ =	shalt  }
0x46: {  	_ =	shalt  }
0x47: {  	_ =	shalt  }
0x48: {  	_ =	shalt  }
0x49: {  	_ =	shalt  }
0x4a: {  	_ =	shalt  }
0x4b: {  	_ =	shalt  }
0x4c: {  	_ =	shalt  }
0x4d: {  	_ =	shalt  }
0x4e: {  	_ =	shalt  }
0x4f: {  	_ =	shalt  }
0x50: {  	_ =	shalt  }
0x51: {  	_ =	shalt  }
0x52: {  	_ =	shalt  }
0x53: {  	_ =	shalt  }
0x54: {  	_ =	shalt  }
0x55: {  	_ =	shalt  }
0x56: {  	_ =	shalt  }
0x57: {  	_ =	shalt  }
0x58: {  	_ =	shalt  }
0x59: {  	_ =	shalt  }
0x5a: {  	_ =	shalt  }
0x5b: {  	_ =	shalt  }
0x5c: {  	_ =	shalt  }
0x5d: {  	_ =	shalt  }
0x5e: {  	_ =	shalt  }
0x5f: {  	_ =	shalt  }
0x60: {  	_ =	shalt  }
0x61: {  	_ =	shalt  }
0x62: {  	_ =	shalt  }
0x63: {  	_ =	shalt  }
0x64: {  	_ =	shalt  }
0x65: {  	_ =	shalt  }
0x66: {  	_ =	shalt  }
0x67: {  	_ =	shalt  }
0x68: {  	_ =	shalt  }
0x69: {  	_ =	shalt  }
0x6a: {  	_ =	shalt  }
0x6b: {  	_ =	shalt  }
0x6c: {  	_ =	shalt  }
0x6d: {  	_ =	shalt  }
0x6e: {  	_ =	shalt  }
0x6f: {  	_ =	shalt  }
0x70: {  	_ =	shalt  }
0x71: {  	_ =	shalt  }
0x72: {  	_ =	shalt  }
0x73: {  	_ =	shalt  }
0x74: {  	_ =	shalt  }
0x75: {  	_ =	shalt  }
0x76: {  	_ =	shalt  }
0x77: {  	_ =	shalt  }
0x78: {  	_ =	shalt  }
0x79: {  	_ =	shalt  }
0x7a: {  	_ =	shalt  }
0x7b: {  	_ =	shalt  }
0x7c: {  	_ =	shalt  }
0x7d: {  	_ =	shalt  }
0x7e: {  	_ =	shalt  }
0x7f: {  	_ =	shalt  }
0x80: {  	_ =	shalt  }
0x81: {  	_ =	shalt  }
0x82: {  	_ =	shalt  }
0x83: {  	_ =	shalt  }
0x84: {  	_ =	shalt  }
0x85: {  	_ =	shalt  }
0x86: {  	_ =	shalt  }
0x87: {  	_ =	shalt  }
.Lfunc_end0:
.L_simem_size_0:
called_computation.2_lowered:
.L_overlay_start_0:
0x88: {  	s2 =	sld [smem:$0x3FD9]  }
0x89: {  	s3 =	sld [smem:$0x3FFE];
	_ =	sdelay $0x1  }
0x8a: {  	s1 =	srdreg.scid  }
0x8b: {  	s0 =	sand.u32 $0x1, s1  }
0x8c: {  	s16 =	sshll.u32 s0, $0xA;
	s2 =	sadd.s32 s3, s2  }
0x8d: {  	s2 =	sadd.s32 s2, s16  }
0x8e: {  	[smem:$0x3FC2] =	sst s2  }
0x8f: {  	_ = 	snop  }
0x90: {  	(tm) =	ssettm $0x1  }
0x91: {  	s17 =	sld [smem:$0x3FFB];
	_ =	sdelay $0x3  }
0x92: {  	_ =	strace s17  }
0x93: {  	s2 =	sld [smem:$0x3FFC];
	_ =	sdelay $0x3  }
0x94: {  	_ =	strace s2  }
0x95: {  	s2 =	sld [smem:$0x3FFD];
	_ =	sdelay $0x3  }
0x96: {  	_ =	strace s2  }
0x97: {  	_ =	strace $0x8FFFFFFF  }
0x98: {  	s18 =	sld [smem:$0x3FDB];
	_ =	sdelay $0x1  }
0x99: {  	s19 =	simm.s32 $_scs_section_size  }
0x9a: {  	s4 =	simm.s32 $_size__tile_overlayer_lowered;
	s5 =	simm.s32 $_tile_overlayer_lowered  }
0x9b: {  	s22 =	simm.s32 $0x1BFF;
	s21 =	sshll.u32 s5, $0x1;
	s2 =	sadd.s32 s19, s18  }
0x9c: {  	s6 =	simm.s32 $0x0;
	s20 =	sshll.u32 s4, $0x1;
	s4 =	sadd.s32 s21, s2  }
0x9d: {  	[timem:s6], [sflag:s22] =	dma.local [hbm:s4], s20  }
0x9e: {  	_ =	swait.ge [sflag:s22], s20  }
0x9f: {  	s3 =	ssub.s32 $0x0, s20;
	[sflag:s22] =	ssyncset.done $0x0  }
0xa0: {  	[sflag:s22] =	ssyncadd.s32 s3;
	_ =	sdelay $0x1  }
0xa1: {  	s23 =	simm.s32 $0x1B8B  }
0xa2: {  	_ =	swait.ge [sflag:s23], $0x1  }
0xa3: {  	[sflag:s23] =	ssyncset.done $0x0  }
0xa4: {  	s25 =	simm.s32 $0x1B8E;
	s24 =	sld [smem:$0x3FFE];
	[sflag:s23] =	ssyncadd.s32 $0xFFFFFFFF  }
0xa5: {  	s26 =	simm.s32 $execute0_lowered;
	[smem:$0x3FD2] =	sst s25  }
0xa6: {  	s4 =	sshll.u32 s26, $0x1;
	_ =	strace $0x8000004C;
	[dreg:$0x1] =	wrdreg $0xFFFFFFFF  }
0xa7: {  	s28 =	simm.s32 $_size_execute0_lowered;
	s2 =	sadd.s32 s2, s4;
	[dreg:$0x0] =	wrdreg $0x0  }
0xa8: {  	s4 =	sshll.u32 s28, $0x1;
	[dreg:$0x2] =	wrdreg s2  }
0xa9: {  	[dreg:$0x3] =	wrdreg s4  }
0xaa: {  	[dreg:$0x4] =	wrdreg $0xC0  }
0xab: {  	_ =	task [dreg:s6], $0x5FFFF  }
0xac: {  	[dreg:$0x1] =	wrdreg $0xFFFFFFFF  }
0xad: {  	[dreg:$0x0] =	wrdreg $0x60  }
0xae: {  	[dreg:$0x2] =	wrdreg s24  }
0xaf: {  	[dreg:$0x3] =	wrdreg $0x9  }
0xb0: {  	_ =	task.clear_ibuf [dreg:s6], $0x4FFFF;
	_ =	strace $0x9000004C  }
0xb1: {  	s29 =	simm.s32 $0x9;
	_ =	strace $0x8000004E  }
0xb2: {  	_ =	swait.ge [sflag:s29], $0x1  }
0xb3: {  	[sflag:s29] =	ssyncadd.s32 $0xFFFFFFFF  }
0xb4: {  	_ =	strace $0x9000004E  }
0xb5: {  	_ =	sfence  }
0xb6: {  	s30 =	sld [smem:$0x0];
	_ =	sdelay $0x2  }
0xb7: {  	s31 =	sshll.u32 s1, $0xD;
	s1 =	sshrl.u32 s1, $0x2  }
0xb8: {  	s3 =	sand.u32 $0x4000, s31;
	s1 =	sadd.s32 s1, s30  }
0xb9: {  	s0 =	sor.u32 s3, s0;
	s1 =	sshll.u32 s1, $0x11  }
0xba: {  	s0 =	sor.u32 s1, s0  }
0xbb: {  	s0 =	sadd.s32 $0x8F2B, s0  }
0xbc: {  	[sflag:s0] =	ssyncadd.remote.s32 $0x1  }
0xbd: {  	_ =	sfence.sel $0xFFFF  }
0xbe: {  	[dreg:$0x0] =	wrdreg $0xFFFFFFFF;
	(pc) =	sbr.abs _section_cstart, $3  }
0xbf: {  	[dreg:$0x1] =	wrdreg $0xFFFFFFFF  }
0xc0: {  	_ =	task.clear_ibuf [dreg:s6], $0x2FFFF;
	_ =	strace $0x9FFFFFFF  }
0xc1: {  	(tm) =	ssettm $0x7FFFFFFF  }
tec
execute0_lowered:
.L_overlay_start_1:
0x0: {  	(tag) =	ssettag $0x1  }
0x1: {  	s4 =	rddreg [dreg:$0x0];
	s2 =	srdreg.scid  }
0x2: {  	s0 =	rddreg [dreg:$0x1];
	s1 =	stileid.u32  }
0x3: {  	s13 =	simm.s32 $0x400;
	s14 =	simm.s32 $0x14000;
	s15 =	simm.s32 $0x14800  }
0x4: {  	s16 =	simm.s32 $0x1;
	s17 =	simm.s32 $0x2;
	s18 =	simm.s32 $0xA000  }
0x5: {  	s19 =	simm.s32 $0x3;
	s20 =	simm.s32 $0x4;
	s21 =	simm.s32 $0x0  }
0x6: {  	s5 =	sand.u32 $0x1, s2;
	s2 =	simm.s32 $0x0;
	s3 =	sshll.u32 s1, $0x6  }
0x7: {  	s7 =	smul.u32 $0xA000, s1;
	s28 =	sshrl.u32 s1, $0x2;
	s30 =	sshll.u32 s1, $0x1E  }
0x8: {  	s6 =	smul.u32 $0xA0000, s5;
	[smem:$0x7FF] =	sst s2;
	s3 =	sand.u32 $0x40, s3  }
0x9: {  	s9 =	ssub.s32 $0x2, s5;
	s10 =	smul.u32 $0xA, s28;
	p0 =	seq.s32 s5, $0x0  }
0xa: {  	s31 =	sshra.s32 s30, $0x1F;
	s5 =	simm.s32 $0x1E;
	_ =	strace $0x8000004D  }
0xb: {  	s8 =	sadd.s32 s3, s4;
	s3 =	sadd.s32 $0x2600, s4;
	s6 =	sadd.s32 s7, s6  }
0xc: {  	s29 =	sshrl.u32 s9, $0x1;
	s7 =	smul.u32 $0x1E, s28;
	s6 =	sshrl.u32 s6, $0x3  }
0xd: {  	s5 =	simm.s32 @!p0 $0xA;
	s11 =	sadd.s32 s6, s4;
	s4 =	sadd.s32 $0x78, s10  }
0xe: {  	s12 =	ssub.s32 s9, s29;
	s6 =	sand.u32 $0x2800, s31;
	s4 =	smov.u32 @p0 s7  }
0xf: {  	s9 =	sshrl.u32 s5, $0x1;
	s8 =	sadd.s32 s6, s8;
	s7 =	sshll.u32 s4, $0x7  }
0x10: {  	s10 =	sadd.s32 $0x11600, s11;
	s11 =	smax.u32 s12, $0x1;
	s6 =	sadd.s32 s3, s7  }
0x11: {  	v0 =	vimm.f32 $0.0e+00;
	s12 =	simm.s32 $0x200;
	s7 =	sadd.s32 $0xC600, s8;
	s8 =	sadd.s32 $0x5000, s6  }
.LBB2_1:
0x12: {  	[tilespmem:s2], [sflag:$0x1] =	stream.strided.gather [hbm4b:s7+s12], $0xA000, s13, s12, $0x38;
	[tilespmem:$0x15000] =	vst v63  }
0x13: {  	_ = 	snop  }
0x14: {  	[tilespmem:s14], [sflag:$0x2] =	stream.linear.gather [hbm4b:s6+s2], $0x400, $0x38;
	[tilespmem:$0x15000] =	vst v63  }
0x15: {  	s22 =	simm.s32 $0xA100  }
0x16: {  	[tilespmem:s15], [sflag:$0x2] =	stream.linear.gather [hbm4b:s8+s2], $0x400, $0x38;
	[tilespmem:$0x15000] =	vst v63  }
0x17: {  	[tilespmem:s22+$0xFFFFFF00] =	vst v0  }
0x18: {  	[tilespmem:s22+$0xF0] =	vst v0  }
0x19: {  	[tilespmem:s22+$0x70] =	vst v0  }
0x1a: {  	[tilespmem:s22+$0xFFFFFFF0] =	vst v0  }
0x1b: {  	[tilespmem:s22+$0xFFFFFF70] =	vst v0  }
0x1c: {  	[tilespmem:s22+$0xE0] =	vst v0  }
0x1d: {  	[tilespmem:s22+$0x60] =	vst v0  }
0x1e: {  	[tilespmem:s22+$0xFFFFFFE0] =	vst v0  }
0x1f: {  	[tilespmem:s22+$0xFFFFFF60] =	vst v0  }
0x20: {  	[tilespmem:s22+$0xD0] =	vst v0  }
0x21: {  	[tilespmem:s22+$0x50] =	vst v0  }
0x22: {  	[tilespmem:s22+$0xFFFFFFD0] =	vst v0  }
0x23: {  	[tilespmem:s22+$0xFFFFFF50] =	vst v0  }
0x24: {  	[tilespmem:s22+$0xC0] =	vst v0  }
0x25: {  	[tilespmem:s22+$0x40] =	vst v0  }
0x26: {  	[tilespmem:s22+$0xFFFFFFC0] =	vst v0  }
0x27: {  	[tilespmem:s22+$0xFFFFFF40] =	vst v0  }
0x28: {  	[tilespmem:s22+$0xB0] =	vst v0  }
0x29: {  	[tilespmem:s22+$0x30] =	vst v0  }
0x2a: {  	[tilespmem:s22+$0xFFFFFFB0] =	vst v0  }
0x2b: {  	[tilespmem:s22+$0xFFFFFF30] =	vst v0  }
0x2c: {  	[tilespmem:s22+$0xA0] =	vst v0  }
0x2d: {  	[tilespmem:s22+$0x20] =	vst v0  }
0x2e: {  	[tilespmem:s22+$0xFFFFFFA0] =	vst v0  }
0x2f: {  	[tilespmem:s22+$0xFFFFFF20] =	vst v0  }
0x30: {  	[tilespmem:s22+$0x90] =	vst v0  }
0x31: {  	[tilespmem:s22+$0x10] =	vst v0  }
0x32: {  	[tilespmem:s22+$0xFFFFFF90] =	vst v0  }
0x33: {  	[tilespmem:s22+$0xFFFFFF10] =	vst v0  }
0x34: {  	[tilespmem:s22+$0x80] =	vst v0  }
0x35: {  	s23 =	simm.s32 $0x0;
	[tilespmem:s22+$0x0] =	vst v0  }
.LBB2_2:
0x36: {  	s23 =	sadd.s32 $0x8, s23;
	[tilespmem:s22+$0xFFFFFF80] =	vst v0;
	s22 =	sadd.s32 $0x200, s22  }
0x37: {  	[tilespmem:s22+$0xFFFFFF00] =	vst v0;
	p0 =	slt.u32 s23, $0x278  }
0x38: {  	[tilespmem:s22+$0xF0] =	vst v0  }
0x39: {  	[tilespmem:s22+$0x70] =	vst v0  }
0x3a: {  	[tilespmem:s22+$0xFFFFFFF0] =	vst v0  }
0x3b: {  	[tilespmem:s22+$0xFFFFFF70] =	vst v0  }
0x3c: {  	[tilespmem:s22+$0xE0] =	vst v0  }
0x3d: {  	[tilespmem:s22+$0x60] =	vst v0  }
0x3e: {  	[tilespmem:s22+$0xFFFFFFE0] =	vst v0  }
0x3f: {  	[tilespmem:s22+$0xFFFFFF60] =	vst v0  }
0x40: {  	[tilespmem:s22+$0xD0] =	vst v0  }
0x41: {  	[tilespmem:s22+$0x50] =	vst v0  }
0x42: {  	[tilespmem:s22+$0xFFFFFFD0] =	vst v0  }
0x43: {  	[tilespmem:s22+$0xFFFFFF50] =	vst v0  }
0x44: {  	[tilespmem:s22+$0xC0] =	vst v0  }
0x45: {  	[tilespmem:s22+$0x40] =	vst v0  }
0x46: {  	[tilespmem:s22+$0xFFFFFFC0] =	vst v0  }
0x47: {  	[tilespmem:s22+$0xFFFFFF40] =	vst v0  }
0x48: {  	[tilespmem:s22+$0xB0] =	vst v0  }
0x49: {  	[tilespmem:s22+$0x30] =	vst v0  }
0x4a: {  	[tilespmem:s22+$0xFFFFFFB0] =	vst v0  }
0x4b: {  	[tilespmem:s22+$0xFFFFFF30] =	vst v0  }
0x4c: {  	[tilespmem:s22+$0xA0] =	vst v0  }
0x4d: {  	[tilespmem:s22+$0x20] =	vst v0  }
0x4e: {  	[tilespmem:s22+$0xFFFFFFA0] =	vst v0  }
0x4f: {  	[tilespmem:s22+$0xFFFFFF20] =	vst v0  }
0x50: {  	[tilespmem:s22+$0x90] =	vst v0  }
.Ltmp0:
0x51: {  	[tilespmem:s22+$0x10] =	vst v0;
	(pc) =	sbr.rel @p0 .LBB2_2-.Ltmp0, $4  }
0x52: {  	[tilespmem:s22+$0xFFFFFF90] =	vst v0  }
0x53: {  	[tilespmem:s22+$0xFFFFFF10] =	vst v0  }
0x54: {  	[tilespmem:s22+$0x80] =	vst v0  }
0x55: {  	[tilespmem:s22+$0x0] =	vst v0  }
0x56: {  	[tilespmem:s22+$0xFFFFFF80] =	vst v0  }
0x57: {  	_ =	swait.ge [sflag:s16], $0xA000  }
0x58: {  	[sflag:s16] =	ssyncset.done $0x0  }
0x59: {  	s22 =	simm.s32 $0x0;
	[sflag:s16] =	ssyncadd.s32 $0xFFFF6000  }
.LBB2_4:
0x5a: {  	s23 =	sshllo.u32 s22, $0x1  }
0x5b: {  	p0 =	sge.u32 s23, s5  }
0x5c: {  	s23 =	sadd.s32 @!p0 s4, s23  }
0x5d: {  	s25 =	simm.s32 @!p0 $0x0;
	s23 =	sshll.u32 @!p0 s23, $0x7  }
0x5e: {  	s26 =	simm.s32 @!p0 $0x14400;
	s24 =	sadd.s32 @!p0 s3, s23;
	s23 =	sand.u32 @!p0 $0x1FFFFF80, s23  }
0x5f: {  	[tilespmem:s26], [sflag:$0x3] =	stream.linear.gather @!p0 [hbm4b:s24+s25], $0x400, $0x38;
	[tilespmem:$0x15000] =	vst v63  }
0x60: {  	s23 =	sadd.s32 @!p0 s3, s23  }
0x61: {  	s24 =	simm.s32 @!p0 $0x14C00;
	s23 =	sadd.s32 @!p0 $0x5000, s23  }
0x62: {  	[tilespmem:s24], [sflag:$0x3] =	stream.linear.gather @!p0 [hbm4b:s23+s25], $0x400, $0x38;
	[tilespmem:$0x15000] =	vst v63  }
0x63: {  	_ =	swait.ge [sflag:s17], $0x400  }
0x64: {  	[sflag:s17] =	ssyncset.done $0x0  }
0x65: {  	[sflag:s17] =	ssyncadd.s32 $0xFFFFFC00  }
0x66: {  	_ =	swait.ge [sflag:s17], $0x400  }
0x67: {  	[sflag:s17] =	ssyncset.done $0x0  }
0x68: {  	s24 =	simm.s32 $0x14040;
	[sflag:s17] =	ssyncadd.s32 $0xFFFFFC00  }
0x69: {  	s23 =	simm.s32 $0x14840;
	v1 =	vld [tilespmem:s24+$0x30]  }
0x6a: {  	v2 =	vld [tilespmem:s23+$0xFFFFFFC0]  }
0x6b: {  	v3 =	vld [tilespmem:s24+$0xFFFFFFC0]  }
0x6c: {  	v4 =	vld [tilespmem:s24+$0x20]  }
0x6d: {  	v12 =	vld [tilespmem:s24+$0xFFFFFFE0]  }
0x6e: {  	v5 =	vld [tilespmem:s24+$0xFFFFFFD0]  }
0x6f: {  	v7 =	vld [tilespmem:s24+$0x0];
	v10 =	vand.u32 $0x7F, v2;
	v2 =	vshll.u32 v2, $0x2;
	v9 =	vshll.u32 v1, $0x2  }
0x70: {  	v6 =	vld [tilespmem:s24+$0xFFFFFFF0];
	v11 =	vand.u32 $0x7F, v3;
	v1 =	vand.u32 $0x7F, v1;
	v14 =	vshll.u32 v3, $0x2  }
0x71: {  	v15 =	vshll.u32 v4, $0x2;
	v4 =	vand.u32 $0x7F, v4;
	v9 =	vand.u32 $0xFFFFFE00, v9  }
0x72: {  	v8 =	vld [tilespmem:s23+$0x30];
	v16 =	vshll.u32 v12, $0x2;
	v12 =	vand.u32 $0x7F, v12;
	v3 =	vor.u32 v1, v9  }
0x73: {  	v13 =	vld [tilespmem:s24+$0x10];
	v1 =	vand.u32 $0xFFFFFE00, v14;
	v9 =	vand.u32 $0xFFFFFE00, v15;
	v14 =	vand.u32 $0xFFFFFE00, v2  }
0x74: {  	v17 =	vld [tilespmem:s23+$0xFFFFFFD0];
	v2 =	vor.u32 v11, v1;
	v11 =	vor.u32 v4, v9;
	v1 =	vshll.u32 v7, $0x2  }
0x75: {  	v18 =	vld [tilespmem:s23+$0x0];
	v4 =	vshll.u32 v6, $0x2;
	v9 =	vshll.u32 v5, $0x2;
	v5 =	vand.u32 $0x7F, v5  }
0x76: {  	v19 =	vld [tilespmem:s23+$0x20];
	v6 =	vand.u32 $0x7F, v6;
	v7 =	vand.u32 $0x7F, v7;
	v9 =	vand.u32 $0xFFFFFE00, v9  }
0x77: {  	v21 =	vld [tilespmem:s23+$0xFFFFFFF0];
	v4 =	vand.u32 $0xFFFFFE00, v4;
	v1 =	vand.u32 $0xFFFFFE00, v1;
	v5 =	vor.u32 v5, v9  }
0x78: {  	v15 =	vld [tilespmem:s23+$0xFFFFFFE0];
	v9 =	vor.u32 v6, v4;
	v4 =	vand.u32 $0xFFFFFE00, v16;
	v6 =	vor.u32 v7, v1  }
0x79: {  	v7 =	vshll.u32 v13, $0x2;
	v4 =	vor.u32 v12, v4;
	v12 =	vand.u32 $0x7F, v13;
	v13 =	vld [tilespmem:s23+$0x10]  }
0x7a: {  	v20 =	vld.idx.msk [tilespmem:v3+s2+$0x0], $0xffff  }
0x7b: {  	v7 =	vand.u32 $0xFFFFFE00, v7;
	v22 =	vld.idx.msk [tilespmem:v11+s2+$0x0], $0xffff  }
0x7c: {  	v1 =	vor.u32 v10, v14;
	v14 =	vshll.u32 v19, $0x2;
	v7 =	vor.u32 v12, v7;
	v10 =	vld.idx.msk [tilespmem:v2+s2+$0x0], $0xffff  }
0x7d: {  	v14 =	vand.u32 $0xFFFFFE00, v14;
	v12 =	vand.u32 $0x7F, v19;
	v23 =	vld.idx.msk [tilespmem:v5+s2+$0x0], $0xffff  }
0x7e: {  	v24 =	vshll.u32 v21, $0x2;
	v25 =	vshll.u32 v8, $0x2;
	v16 =	vor.u32 v12, v14;
	v19 =	vld.idx.msk [tilespmem:v9+s2+$0x0], $0xffff  }
0x7f: {  	v12 =	vand.u32 $0x7F, v21;
	v14 =	vand.u32 $0xFFFFFE00, v24;
	v24 =	vor.u32 $0x80, v11;
	v21 =	vld.idx.msk [tilespmem:v6+s2+$0x0], $0xffff  }
0x80: {  	v8 =	vand.u32 $0x7F, v8;
	v14 =	vor.u32 v12, v14;
	v12 =	vand.u32 $0xFFFFFE00, v25;
	v26 =	vld.idx.msk [tilespmem:v4+s2+$0x0], $0xffff  }
0x81: {  	v8 =	vor.u32 v8, v12;
	v27 =	vld.idx.msk [tilespmem:v7+s2+$0x0], $0xffff  }
0x82: {  	v28 =	vor.u32 $0x80, v3;
	v25 =	vor.u32 $0x80, v9;
	v12 =	vshll.u32 v13, $0x2;
	[tilespmem:v1+s18+$0x0] =	vst.idx.add.f32.msk $0xffff, v10  }
0x83: {  	v29 =	vor.u32 $0x80, v16;
	v13 =	vand.u32 $0x7F, v13;
	v12 =	vand.u32 $0xFFFFFE00, v12;
	[tilespmem:v16+s18+$0x0] =	vst.idx.add.f32.msk $0xffff, v22  }
0x84: {  	v10 =	vshll.u32 v15, $0x2;
	v15 =	vand.u32 $0x7F, v15;
	v13 =	vor.u32 v13, v12;
	v24 =	vld.idx.msk [tilespmem:v24+s2+$0x0], $0xffff  }
0x85: {  	v12 =	vshll.u32 v17, $0x2;
	v17 =	vand.u32 $0x7F, v17;
	v10 =	vand.u32 $0xFFFFFE00, v10;
	[tilespmem:v14+s18+$0x0] =	vst.idx.add.f32.msk $0xffff, v19  }
0x86: {  	v12 =	vand.u32 $0xFFFFFE00, v12;
	v10 =	vor.u32 v15, v10;
	v15 =	vshll.u32 v18, $0x2;
	[tilespmem:v8+s18+$0x0] =	vst.idx.add.f32.msk $0xffff, v20  }
0x87: {  	v25 =	vld.idx.msk [tilespmem:v25+s2+$0x0], $0xffff;
	v20 =	vand.u32 $0xFFFFFE00, v15;
	v15 =	vor.u32 v17, v12  }
0x88: {  	v18 =	vand.u32 $0x7F, v18;
	v28 =	vld.idx.msk [tilespmem:v28+s2+$0x0], $0xffff;
	v17 =	vor.u32 $0x80, v7  }
0x89: {  	v12 =	vor.u32 v18, v20;
	v18 =	vor.u32 $0x80, v5;
	[tilespmem:v13+s18+$0x0] =	vst.idx.add.f32.msk $0xffff, v27  }
0x8a: {  	v19 =	vor.u32 $0x80, v4;
	[tilespmem:v29+s18+$0x0] =	vst.idx.add.f32.msk $0xffff, v24  }
0x8b: {  	[tilespmem:v10+s18+$0x0] =	vst.idx.add.f32.msk $0xffff, v26  }
0x8c: {  	[tilespmem:v15+s18+$0x0] =	vst.idx.add.f32.msk $0xffff, v23  }
0x8d: {  	v24 =	vor.u32 $0x80, v14;
	v27 =	vld.idx.msk [tilespmem:v17+s2+$0x0], $0xffff  }
0x8e: {  	v17 =	vld.idx.msk [tilespmem:v18+s2+$0x0], $0xffff;
	v18 =	vor.u32 $0x100, v11  }
0x8f: {  	v22 =	vld.idx.msk [tilespmem:v19+s2+$0x0], $0xffff;
	v19 =	vor.u32 $0x80, v8  }
0x90: {  	v63 =	vor.u32 $0x80, v13  }
0x91: {  	v20 =	vor.u32 $0x100, v3;
	[tilespmem:v12+s18+$0x0] =	vst.idx.add.f32.msk $0xffff, v21  }
0x92: {  	v21 =	vor.u32 $0x80, v6;
	[tilespmem:v24+s18+$0x0] =	vst.idx.add.f32.msk $0xffff, v25  }
0x93: {  	v24 =	vld.idx.msk [tilespmem:v18+s2+$0x0], $0xffff;
	v18 =	vor.u32 $0x80, v15  }
0x94: {  	[tilespmem:v19+s18+$0x0] =	vst.idx.add.f32.msk $0xffff, v28  }
0x95: {  	[tilespmem:v63+s18+$0x0] =	vst.idx.add.f32.msk $0xffff, v27  }
0x96: {  	v23 =	vld.idx.msk [tilespmem:v20+s2+$0x0], $0xffff  }
0x97: {  	s26 =	simm.s32 $0x0;
	s25 =	sshll.u32 s22, $0x1;
	v25 =	vor.u32 $0x80, v12;
	v26 =	vld.idx.msk [tilespmem:v21+s2+$0x0], $0xffff  }
.LBB2_5:
0x98: {  	s26 =	sadd.s32 $0x8, s26;
	[tilespmem:v18+s18+$0x0] =	vst.idx.add.f32.msk $0xffff, v17;
	s24 =	sadd.s32 $0x80, s24;
	s23 =	sadd.s32 $0x80, s23  }
0x99: {  	v17 =	vld [tilespmem:s23+$0x30];
	p0 =	slt.u32 s26, $0x38  }
0x9a: {  	v18 =	vld [tilespmem:s24+$0xFFFFFFD0]  }
0x9b: {  	v20 =	vld [tilespmem:s24+$0xFFFFFFE0]  }
0x9c: {  	v27 =	vor.u32 $0x100, v5;
	v21 =	vld [tilespmem:s24+$0xFFFFFFF0]  }
0x9d: {  	v19 =	vld [tilespmem:s24+$0x0]  }
0x9e: {  	v28 =	vld [tilespmem:s24+$0x10]  }
0x9f: {  	v29 =	vld [tilespmem:s24+$0x20]  }
0xa0: {  	[tilespmem:v25+s18+$0x0] =	vst.idx.add.f32.msk $0xffff, v26;
	v25 =	vor.u32 $0x100, v8  }
0xa1: {  	v26 =	vld.idx.msk [tilespmem:v27+s2+$0x0], $0xffff;
	v27 =	vor.u32 $0x100, v16  }
0xa2: {  	v31 =	vor.u32 $0x100, v9;
	v30 =	vld [tilespmem:s24+$0x30]  }
0xa3: {  	v33 =	vor.u32 $0x80, v2;
	v32 =	vld [tilespmem:s24+$0xFFFFFFC0]  }
0xa4: {  	v11 =	vor.u32 $0x180, v11;
	v34 =	vld [tilespmem:s23+$0xFFFFFFC0]  }
0xa5: {  	v35 =	vor.u32 $0x80, v10;
	[tilespmem:v25+s18+$0x0] =	vst.idx.add.f32.msk $0xffff, v23  }
0xa6: {  	v23 =	vor.u32 $0x100, v7;
	[tilespmem:v27+s18+$0x0] =	vst.idx.add.f32.msk $0xffff, v24  }
0xa7: {  	v24 =	vor.u32 $0x100, v4;
	v25 =	vld.idx.msk [tilespmem:v31+s2+$0x0], $0xffff  }
0xa8: {  	v31 =	vor.u32 $0x100, v6;
	v27 =	vld.idx.msk [tilespmem:v33+s2+$0x0], $0xffff  }
0xa9: {  	v33 =	vor.u32 $0x100, v15;
	v11 =	vld.idx.msk [tilespmem:v11+s2+$0x0], $0xffff  }
0xaa: {  	v16 =	vor.u32 $0x180, v16;
	[tilespmem:v35+s18+$0x0] =	vst.idx.add.f32.msk $0xffff, v22  }
0xab: {  	v22 =	vor.u32 $0x80, v1;
	v23 =	vld.idx.msk [tilespmem:v23+s2+$0x0], $0xffff  }
0xac: {  	v35 =	vor.u32 $0x100, v14;
	v24 =	vld.idx.msk [tilespmem:v24+s2+$0x0], $0xffff  }
0xad: {  	v9 =	vor.u32 $0x180, v9;
	v31 =	vld.idx.msk [tilespmem:v31+s2+$0x0], $0xffff  }
0xae: {  	[tilespmem:v33+s18+$0x0] =	vst.idx.add.f32.msk $0xffff, v26;
	v26 =	vor.u32 $0x100, v12  }
0xaf: {  	v3 =	vor.u32 $0x180, v3;
	[tilespmem:v16+s18+$0x0] =	vst.idx.add.f32.msk $0xffff, v11  }
0xb0: {  	v11 =	vor.u32 $0x100, v13;
	[tilespmem:v22+s18+$0x0] =	vst.idx.add.f32.msk $0xffff, v27  }
0xb1: {  	v16 =	vor.u32 $0x100, v2;
	[tilespmem:v35+s18+$0x0] =	vst.idx.add.f32.msk $0xffff, v25  }
0xb2: {  	v5 =	vor.u32 $0x180, v5;
	v9 =	vld.idx.msk [tilespmem:v9+s2+$0x0], $0xffff  }
0xb3: {  	v7 =	vor.u32 $0x180, v7;
	[tilespmem:v26+s18+$0x0] =	vst.idx.add.f32.msk $0xffff, v31  }
0xb4: {  	v14 =	vor.u32 $0x180, v14;
	v3 =	vld.idx.msk [tilespmem:v3+s2+$0x0], $0xffff  }
0xb5: {  	v6 =	vor.u32 $0x180, v6;
	[tilespmem:v11+s18+$0x0] =	vst.idx.add.f32.msk $0xffff, v23  }
0xb6: {  	v11 =	vld.idx.msk [tilespmem:v16+s2+$0x0], $0xffff;
	v16 =	vor.u32 $0x100, v10  }
0xb7: {  	v22 =	vor.u32 $0x100, v1;
	v5 =	vld.idx.msk [tilespmem:v5+s2+$0x0], $0xffff  }
0xb8: {  	v4 =	vor.u32 $0x180, v4;
	v2 =	vor.u32 $0x180, v2;
	v7 =	vld.idx.msk [tilespmem:v7+s2+$0x0], $0xffff  }
0xb9: {  	[tilespmem:v14+s18+$0x0] =	vst.idx.add.f32.msk $0xffff, v9  }
0xba: {  	v9 =	vor.u32 $0x180, v15;
	v6 =	vld.idx.msk [tilespmem:v6+s2+$0x0], $0xffff  }
0xbb: {  	v13 =	vor.u32 $0x180, v13;
	[tilespmem:v16+s18+$0x0] =	vst.idx.add.f32.msk $0xffff, v24  }
0xbc: {  	v8 =	vor.u32 $0x180, v8;
	[tilespmem:v22+s18+$0x0] =	vst.idx.add.f32.msk $0xffff, v11  }
0xbd: {  	v12 =	vor.u32 $0x180, v12;
	v14 =	vor.u32 $0x180, v1;
	v11 =	vld.idx.msk [tilespmem:v2+s2+$0x0], $0xffff  }
0xbe: {  	v10 =	vor.u32 $0x180, v10;
	v1 =	vand.u32 $0x7F, v34;
	v2 =	vshll.u32 v34, $0x2;
	v4 =	vld.idx.msk [tilespmem:v4+s2+$0x0], $0xffff  }
0xbf: {  	v15 =	vand.u32 $0x7F, v32;
	v16 =	vshll.u32 v32, $0x2;
	v2 =	vand.u32 $0xFFFFFE00, v2;
	[tilespmem:v9+s18+$0x0] =	vst.idx.add.f32.msk $0xffff, v5  }
0xc0: {  	v5 =	vand.u32 $0xFFFFFE00, v16;
	v1 =	vor.u32 v1, v2;
	v9 =	vshll.u32 v30, $0x2;
	[tilespmem:v13+s18+$0x0] =	vst.idx.add.f32.msk $0xffff, v7  }
0xc1: {  	v16 =	vand.u32 $0x7F, v30;
	v7 =	vand.u32 $0x7F, v29;
	v13 =	vshll.u32 v29, $0x2;
	[tilespmem:v8+s18+$0x0] =	vst.idx.add.f32.msk $0xffff, v3  }
0xc2: {  	v2 =	vor.u32 v15, v5;
	v3 =	vshll.u32 v28, $0x2;
	v5 =	vand.u32 $0xFFFFFE00, v13;
	[tilespmem:v12+s18+$0x0] =	vst.idx.add.f32.msk $0xffff, v6  }
0xc3: {  	v6 =	vshll.u32 v19, $0x2;
	v8 =	vand.u32 $0xFFFFFE00, v3;
	v3 =	vand.u32 $0xFFFFFE00, v9;
	[tilespmem:v14+s18+$0x0] =	vst.idx.add.f32.msk $0xffff, v11  }
0xc4: {  	v9 =	vshll.u32 v21, $0x2;
	v12 =	vand.u32 $0x7F, v28;
	v3 =	vor.u32 v16, v3;
	[tilespmem:v10+s18+$0x0] =	vst.idx.add.f32.msk $0xffff, v4  }
0xc5: {  	v13 =	vand.u32 $0x7F, v21;
	v9 =	vand.u32 $0xFFFFFE00, v9;
	v4 =	vshll.u32 v20, $0x2;
	v10 =	vld [tilespmem:s23+$0xFFFFFFE0]  }
0xc6: {  	v14 =	vshll.u32 v18, $0x2;
	v11 =	vor.u32 v7, v5;
	v4 =	vand.u32 $0xFFFFFE00, v4;
	v15 =	vld [tilespmem:s23+$0xFFFFFFD0]  }
0xc7: {  	v7 =	vor.u32 v12, v8;
	v5 =	vand.u32 $0xFFFFFE00, v14;
	v14 =	vand.u32 $0x7F, v20;
	v20 =	vld [tilespmem:s23+$0x0]  }
0xc8: {  	v8 =	vand.u32 $0x7F, v18;
	v4 =	vor.u32 v14, v4;
	v14 =	vand.u32 $0x7F, v17;
	v12 =	vld [tilespmem:s23+$0x20]  }
0xc9: {  	v6 =	vand.u32 $0xFFFFFE00, v6;
	v5 =	vor.u32 v8, v5;
	v8 =	vand.u32 $0x7F, v19;
	v18 =	vld.idx.msk [tilespmem:v3+s2+$0x0], $0xffff  }
0xca: {  	v9 =	vor.u32 v13, v9;
	v6 =	vor.u32 v8, v6;
	v16 =	vshll.u32 v10, $0x2;
	v19 =	vld [tilespmem:s23+$0xFFFFFFF0]  }
0xcb: {  	v8 =	vshll.u32 v17, $0x2;
	v21 =	vshll.u32 v15, $0x2;
	v13 =	vand.u32 $0xFFFFFE00, v16;
	v22 =	vld.idx.msk [tilespmem:v11+s2+$0x0], $0xffff  }
0xcc: {  	v8 =	vand.u32 $0xFFFFFE00, v8;
	v17 =	vld.idx.msk [tilespmem:v2+s2+$0x0], $0xffff;
	v16 =	vshll.u32 v20, $0x2  }
0xcd: {  	v8 =	vor.u32 v14, v8;
	v23 =	vand.u32 $0xFFFFFE00, v16;
	v24 =	vld [tilespmem:s23+$0x10];
	v16 =	vshll.u32 v12, $0x2  }
0xce: {  	v12 =	vand.u32 $0x7F, v12;
	v25 =	vld.idx.msk [tilespmem:v5+s2+$0x0], $0xffff;
	v14 =	vand.u32 $0xFFFFFE00, v16  }
0xcf: {  	v26 =	vld.idx.msk [tilespmem:v9+s2+$0x0], $0xffff;
	v27 =	vshll.u32 v19, $0x2;
	v16 =	vor.u32 v12, v14  }
0xd0: {  	v12 =	vand.u32 $0x7F, v19;
	v14 =	vand.u32 $0xFFFFFE00, v27;
	v19 =	vld.idx.msk [tilespmem:v6+s2+$0x0], $0xffff;
	v27 =	vor.u32 $0x80, v11  }
0xd1: {  	v28 =	vld.idx.msk [tilespmem:v4+s2+$0x0], $0xffff;
	v14 =	vor.u32 v12, v14  }
0xd2: {  	v29 =	vor.u32 $0x80, v9;
	[tilespmem:v1+s18+$0x0] =	vst.idx.add.f32.msk $0xffff, v17;
	v17 =	vor.u32 $0x80, v4;
	v30 =	vand.u32 $0x7F, v24  }
0xd3: {  	v31 =	vor.u32 $0x80, v3;
	v12 =	vand.u32 $0x7F, v20;
	v24 =	vshll.u32 v24, $0x2;
	v20 =	vld.idx.msk [tilespmem:v7+s2+$0x0], $0xffff  }
0xd4: {  	v10 =	vand.u32 $0x7F, v10;
	v12 =	vor.u32 v12, v23;
	v23 =	vand.u32 $0xFFFFFE00, v24;
	[tilespmem:v16+s18+$0x0] =	vst.idx.add.f32.msk $0xffff, v22  }
0xd5: {  	v10 =	vor.u32 v10, v13;
	v13 =	vor.u32 v30, v23;
	v23 =	vld.idx.msk [tilespmem:v27+s2+$0x0], $0xffff  }
0xd6: {  	v24 =	vor.u32 $0x80, v16;
	[tilespmem:v14+s18+$0x0] =	vst.idx.add.f32.msk $0xffff, v26  }
0xd7: {  	v26 =	vld.idx.msk [tilespmem:v29+s2+$0x0], $0xffff  }
0xd8: {  	v15 =	vand.u32 $0x7F, v15;
	v21 =	vand.u32 $0xFFFFFE00, v21;
	v27 =	vor.u32 $0x80, v6;
	[tilespmem:v8+s18+$0x0] =	vst.idx.add.f32.msk $0xffff, v18  }
0xd9: {  	v15 =	vor.u32 v15, v21;
	v18 =	vld.idx.msk [tilespmem:v31+s2+$0x0], $0xffff  }
0xda: {  	[tilespmem:v13+s18+$0x0] =	vst.idx.add.f32.msk $0xffff, v20  }
0xdb: {  	v20 =	vor.u32 $0x80, v7;
	[tilespmem:v10+s18+$0x0] =	vst.idx.add.f32.msk $0xffff, v28  }
0xdc: {  	v21 =	vor.u32 $0x80, v5;
	v22 =	vld.idx.msk [tilespmem:v17+s2+$0x0], $0xffff  }
0xdd: {  	[tilespmem:v24+s18+$0x0] =	vst.idx.add.f32.msk $0xffff, v23;
	v23 =	vor.u32 $0x80, v8  }
0xde: {  	v24 =	vor.u32 $0x100, v3;
	[tilespmem:v15+s18+$0x0] =	vst.idx.add.f32.msk $0xffff, v25  }
0xdf: {  	v28 =	vor.u32 $0x80, v14;
	[tilespmem:v12+s18+$0x0] =	vst.idx.add.f32.msk $0xffff, v19  }
0xe0: {  	v25 =	vor.u32 $0x80, v12;
	v19 =	vld.idx.msk [tilespmem:v20+s2+$0x0], $0xffff  }
0xe1: {  	v20 =	vor.u32 $0x100, v11;
	v17 =	vld.idx.msk [tilespmem:v21+s2+$0x0], $0xffff  }
0xe2: {  	v21 =	vor.u32 $0x80, v13;
	[tilespmem:v23+s18+$0x0] =	vst.idx.add.f32.msk $0xffff, v18  }
.Ltmp1:
0xe3: {  	v18 =	vor.u32 $0x80, v15;
	v23 =	vld.idx.msk [tilespmem:v24+s2+$0x0], $0xffff;
	(pc) =	sbr.rel @p0 .LBB2_5-.Ltmp1, $4  }
0xe4: {  	[tilespmem:v28+s18+$0x0] =	vst.idx.add.f32.msk $0xffff, v26  }
0xe5: {  	v26 =	vld.idx.msk [tilespmem:v27+s2+$0x0], $0xffff  }
0xe6: {  	v24 =	vld.idx.msk [tilespmem:v20+s2+$0x0], $0xffff  }
0xe7: {  	[tilespmem:v21+s18+$0x0] =	vst.idx.add.f32.msk $0xffff, v19  }
0xe8: {  	_ = 	snop  }
0xe9: {  	v19 =	vor.u32 $0x100, v5  }
0xea: {  	v20 =	vor.u32 $0x100, v8  }
0xeb: {  	v21 =	vor.u32 $0x100, v16  }
0xec: {  	[tilespmem:v18+s18+$0x0] =	vst.idx.add.f32.msk $0xffff, v17;
	v17 =	vor.u32 $0x100, v9  }
0xed: {  	v18 =	vor.u32 $0x80, v2;
	[tilespmem:v25+s18+$0x0] =	vst.idx.add.f32.msk $0xffff, v26  }
0xee: {  	v11 =	vor.u32 $0x180, v11;
	v19 =	vld.idx.msk [tilespmem:v19+s2+$0x0], $0xffff  }
0xef: {  	v3 =	vor.u32 $0x180, v3;
	[tilespmem:v20+s18+$0x0] =	vst.idx.add.f32.msk $0xffff, v23  }
0xf0: {  	v25 =	vor.u32 $0x80, v10;
	[tilespmem:v21+s18+$0x0] =	vst.idx.add.f32.msk $0xffff, v24  }
0xf1: {  	v20 =	vor.u32 $0x100, v7;
	v17 =	vld.idx.msk [tilespmem:v17+s2+$0x0], $0xffff  }
0xf2: {  	v21 =	vor.u32 $0x100, v4;
	v18 =	vld.idx.msk [tilespmem:v18+s2+$0x0], $0xffff  }
0xf3: {  	v23 =	vor.u32 $0x100, v6;
	v11 =	vld.idx.msk [tilespmem:v11+s2+$0x0], $0xffff  }
0xf4: {  	v24 =	vor.u32 $0x100, v15;
	v3 =	vld.idx.msk [tilespmem:v3+s2+$0x0], $0xffff  }
0xf5: {  	v16 =	vor.u32 $0x180, v16;
	[tilespmem:v25+s18+$0x0] =	vst.idx.add.f32.msk $0xffff, v22  }
0xf6: {  	v5 =	vor.u32 $0x180, v5;
	v20 =	vld.idx.msk [tilespmem:v20+s2+$0x0], $0xffff  }
0xf7: {  	v8 =	vor.u32 $0x180, v8;
	v21 =	vld.idx.msk [tilespmem:v21+s2+$0x0], $0xffff  }
0xf8: {  	v22 =	vor.u32 $0x80, v1;
	v23 =	vld.idx.msk [tilespmem:v23+s2+$0x0], $0xffff  }
0xf9: {  	v25 =	vor.u32 $0x100, v14;
	[tilespmem:v24+s18+$0x0] =	vst.idx.add.f32.msk $0xffff, v19  }
0xfa: {  	v9 =	vor.u32 $0x180, v9;
	[tilespmem:v16+s18+$0x0] =	vst.idx.add.f32.msk $0xffff, v11  }
0xfb: {  	v11 =	vor.u32 $0x100, v13;
	v5 =	vld.idx.msk [tilespmem:v5+s2+$0x0], $0xffff  }
0xfc: {  	v16 =	vor.u32 $0x100, v2;
	[tilespmem:v8+s18+$0x0] =	vst.idx.add.f32.msk $0xffff, v3  }
0xfd: {  	v19 =	vor.u32 $0x100, v12;
	[tilespmem:v22+s18+$0x0] =	vst.idx.add.f32.msk $0xffff, v18  }
0xfe: {  	v6 =	vor.u32 $0x180, v6;
	[tilespmem:v25+s18+$0x0] =	vst.idx.add.f32.msk $0xffff, v17  }
0xff: {  	v7 =	vor.u32 $0x180, v7;
	v9 =	vld.idx.msk [tilespmem:v9+s2+$0x0], $0xffff  }
0x100: {  	v14 =	vor.u32 $0x180, v14;
	[tilespmem:v11+s18+$0x0] =	vst.idx.add.f32.msk $0xffff, v20  }
0x101: {  	v11 =	vld.idx.msk [tilespmem:v16+s2+$0x0], $0xffff;
	v16 =	vor.u32 $0x100, v10  }
0x102: {  	v17 =	vor.u32 $0x100, v1;
	[tilespmem:v19+s18+$0x0] =	vst.idx.add.f32.msk $0xffff, v23  }
0x103: {  	v2 =	vor.u32 $0x180, v2;
	v6 =	vld.idx.msk [tilespmem:v6+s2+$0x0], $0xffff  }
0x104: {  	v4 =	vor.u32 $0x180, v4;
	v7 =	vld.idx.msk [tilespmem:v7+s2+$0x0], $0xffff  }
0x105: {  	v13 =	vor.u32 $0x180, v13;
	[tilespmem:v14+s18+$0x0] =	vst.idx.add.f32.msk $0xffff, v9  }
0x106: {  	v9 =	vor.u32 $0x180, v15;
	[tilespmem:v16+s18+$0x0] =	vst.idx.add.f32.msk $0xffff, v21  }
0x107: {  	[tilespmem:v17+s18+$0x0] =	vst.idx.add.f32.msk $0xffff, v11;
	v11 =	vor.u32 $0x180, v12  }
0x108: {  	v1 =	vor.u32 $0x180, v1;
	v2 =	vld.idx.msk [tilespmem:v2+s2+$0x0], $0xffff  }
0x109: {  	s23 =	sadd.s32 $0x2, s25;
	v10 =	vor.u32 $0x180, v10;
	v4 =	vld.idx.msk [tilespmem:v4+s2+$0x0], $0xffff  }
0x10a: {  	p0 =	sge.u32 s23, s5;
	[tilespmem:v13+s18+$0x0] =	vst.idx.add.f32.msk $0xffff, v7  }
0x10b: {  	s23 =	sadd.s32 @!p0 s4, s23;
	[tilespmem:v9+s18+$0x0] =	vst.idx.add.f32.msk $0xffff, v5  }
0x10c: {  	s23 =	sshll.u32 @!p0 s23, $0x7;
	[tilespmem:v11+s18+$0x0] =	vst.idx.add.f32.msk $0xffff, v6  }
0x10d: {  	s24 =	sadd.s32 @!p0 s3, s23;
	s23 =	sand.u32 @!p0 $0x1FFFFF80, s23;
	[tilespmem:v1+s18+$0x0] =	vst.idx.add.f32.msk $0xffff, v2  }
0x10e: {  	s25 =	simm.s32 @!p0 $0x0;
	s26 =	simm.s32 @!p0 $0x14000;
	s23 =	sadd.s32 @!p0 s3, s23;
	[tilespmem:v10+s18+$0x0] =	vst.idx.add.f32.msk $0xffff, v4  }
0x10f: {  	[tilespmem:s26], [sflag:$0x2] =	stream.linear.gather @!p0 [hbm4b:s24+s25], $0x400, $0x38;
	[tilespmem:$0x15000] =	vst v63  }
0x110: {  	s23 =	sadd.s32 @!p0 $0x5000, s23;
	s24 =	simm.s32 @!p0 $0x14800  }
0x111: {  	[tilespmem:s24], [sflag:$0x2] =	stream.linear.gather @!p0 [hbm4b:s23+s25], $0x400, $0x38;
	[tilespmem:$0x15000] =	vst v63  }
0x112: {  	_ =	swait.ge [sflag:s19], $0x400  }
0x113: {  	[sflag:s19] =	ssyncset.done $0x0  }
0x114: {  	[sflag:s19] =	ssyncadd.s32 $0xFFFFFC00  }
0x115: {  	_ =	swait.ge [sflag:s19], $0x400  }
0x116: {  	[sflag:s19] =	ssyncset.done $0x0  }
0x117: {  	s24 =	simm.s32 $0x14440;
	[sflag:s19] =	ssyncadd.s32 $0xFFFFFC00  }
0x118: {  	s23 =	simm.s32 $0x14C40;
	v1 =	vld [tilespmem:s24+$0x30]  }
0x119: {  	v2 =	vld [tilespmem:s23+$0xFFFFFFC0]  }
0x11a: {  	v3 =	vld [tilespmem:s24+$0xFFFFFFC0]  }
0x11b: {  	v4 =	vld [tilespmem:s24+$0x20]  }
0x11c: {  	v12 =	vld [tilespmem:s24+$0xFFFFFFE0]  }
0x11d: {  	v5 =	vld [tilespmem:s24+$0xFFFFFFD0]  }
0x11e: {  	v7 =	vld [tilespmem:s24+$0x0];
	v10 =	vand.u32 $0x7F, v2;
	v2 =	vshll.u32 v2, $0x2;
	v9 =	vshll.u32 v1, $0x2  }
0x11f: {  	v6 =	vld [tilespmem:s24+$0xFFFFFFF0];
	v11 =	vand.u32 $0x7F, v3;
	v1 =	vand.u32 $0x7F, v1;
	v14 =	vshll.u32 v3, $0x2  }
0x120: {  	v15 =	vshll.u32 v4, $0x2;
	v4 =	vand.u32 $0x7F, v4;
	v9 =	vand.u32 $0xFFFFFE00, v9  }
0x121: {  	v8 =	vld [tilespmem:s23+$0x30];
	v16 =	vshll.u32 v12, $0x2;
	v12 =	vand.u32 $0x7F, v12;
	v3 =	vor.u32 v1, v9  }
0x122: {  	v13 =	vld [tilespmem:s24+$0x10];
	v1 =	vand.u32 $0xFFFFFE00, v14;
	v9 =	vand.u32 $0xFFFFFE00, v15;
	v14 =	vand.u32 $0xFFFFFE00, v2  }
0x123: {  	v17 =	vld [tilespmem:s23+$0xFFFFFFD0];
	v2 =	vor.u32 v11, v1;
	v11 =	vor.u32 v4, v9;
	v1 =	vshll.u32 v7, $0x2  }
0x124: {  	v18 =	vld [tilespmem:s23+$0x0];
	v4 =	vshll.u32 v6, $0x2;
	v9 =	vshll.u32 v5, $0x2;
	v5 =	vand.u32 $0x7F, v5  }
0x125: {  	v19 =	vld [tilespmem:s23+$0x20];
	v6 =	vand.u32 $0x7F, v6;
	v7 =	vand.u32 $0x7F, v7;
	v9 =	vand.u32 $0xFFFFFE00, v9  }
0x126: {  	v21 =	vld [tilespmem:s23+$0xFFFFFFF0];
	v4 =	vand.u32 $0xFFFFFE00, v4;
	v1 =	vand.u32 $0xFFFFFE00, v1;
	v5 =	vor.u32 v5, v9  }
0x127: {  	v15 =	vld [tilespmem:s23+$0xFFFFFFE0];
	v9 =	vor.u32 v6, v4;
	v4 =	vand.u32 $0xFFFFFE00, v16;
	v6 =	vor.u32 v7, v1  }
0x128: {  	v7 =	vshll.u32 v13, $0x2;
	v4 =	vor.u32 v12, v4;
	v12 =	vand.u32 $0x7F, v13;
	v13 =	vld [tilespmem:s23+$0x10]  }
0x129: {  	v20 =	vld.idx.msk [tilespmem:v3+s2+$0x0], $0xffff  }
0x12a: {  	v7 =	vand.u32 $0xFFFFFE00, v7;
	v22 =	vld.idx.msk [tilespmem:v11+s2+$0x0], $0xffff  }
0x12b: {  	v1 =	vor.u32 v10, v14;
	v14 =	vshll.u32 v19, $0x2;
	v7 =	vor.u32 v12, v7;
	v10 =	vld.idx.msk [tilespmem:v2+s2+$0x0], $0xffff  }
0x12c: {  	v14 =	vand.u32 $0xFFFFFE00, v14;
	v12 =	vand.u32 $0x7F, v19;
	v23 =	vld.idx.msk [tilespmem:v5+s2+$0x0], $0xffff  }
0x12d: {  	v24 =	vshll.u32 v21, $0x2;
	v25 =	vshll.u32 v8, $0x2;
	v16 =	vor.u32 v12, v14;
	v19 =	vld.idx.msk [tilespmem:v9+s2+$0x0], $0xffff  }
0x12e: {  	v12 =	vand.u32 $0x7F, v21;
	v14 =	vand.u32 $0xFFFFFE00, v24;
	v24 =	vor.u32 $0x80, v11;
	v21 =	vld.idx.msk [tilespmem:v6+s2+$0x0], $0xffff  }
0x12f: {  	v8 =	vand.u32 $0x7F, v8;
	v14 =	vor.u32 v12, v14;
	v12 =	vand.u32 $0xFFFFFE00, v25;
	v26 =	vld.idx.msk [tilespmem:v4+s2+$0x0], $0xffff  }
0x130: {  	v8 =	vor.u32 v8, v12;
	v27 =	vld.idx.msk [tilespmem:v7+s2+$0x0], $0xffff  }
0x131: {  	v28 =	vor.u32 $0x80, v3;
	v25 =	vor.u32 $0x80, v9;
	v12 =	vshll.u32 v13, $0x2;
	[tilespmem:v1+s18+$0x0] =	vst.idx.add.f32.msk $0xffff, v10  }
0x132: {  	v29 =	vor.u32 $0x80, v16;
	v13 =	vand.u32 $0x7F, v13;
	v12 =	vand.u32 $0xFFFFFE00, v12;
	[tilespmem:v16+s18+$0x0] =	vst.idx.add.f32.msk $0xffff, v22  }
0x133: {  	v10 =	vshll.u32 v15, $0x2;
	v15 =	vand.u32 $0x7F, v15;
	v13 =	vor.u32 v13, v12;
	v24 =	vld.idx.msk [tilespmem:v24+s2+$0x0], $0xffff  }
0x134: {  	v12 =	vshll.u32 v17, $0x2;
	v17 =	vand.u32 $0x7F, v17;
	v10 =	vand.u32 $0xFFFFFE00, v10;
	[tilespmem:v14+s18+$0x0] =	vst.idx.add.f32.msk $0xffff, v19  }
0x135: {  	v12 =	vand.u32 $0xFFFFFE00, v12;
	v10 =	vor.u32 v15, v10;
	v15 =	vshll.u32 v18, $0x2;
	[tilespmem:v8+s18+$0x0] =	vst.idx.add.f32.msk $0xffff, v20  }
0x136: {  	v25 =	vld.idx.msk [tilespmem:v25+s2+$0x0], $0xffff;
	v20 =	vand.u32 $0xFFFFFE00, v15;
	v15 =	vor.u32 v17, v12  }
0x137: {  	v18 =	vand.u32 $0x7F, v18;
	v28 =	vld.idx.msk [tilespmem:v28+s2+$0x0], $0xffff;
	v17 =	vor.u32 $0x80, v7  }
0x138: {  	v12 =	vor.u32 v18, v20;
	v18 =	vor.u32 $0x80, v5;
	[tilespmem:v13+s18+$0x0] =	vst.idx.add.f32.msk $0xffff, v27  }
0x139: {  	v19 =	vor.u32 $0x80, v4;
	[tilespmem:v29+s18+$0x0] =	vst.idx.add.f32.msk $0xffff, v24  }
0x13a: {  	[tilespmem:v10+s18+$0x0] =	vst.idx.add.f32.msk $0xffff, v26  }
0x13b: {  	[tilespmem:v15+s18+$0x0] =	vst.idx.add.f32.msk $0xffff, v23  }
0x13c: {  	v24 =	vor.u32 $0x80, v14;
	v27 =	vld.idx.msk [tilespmem:v17+s2+$0x0], $0xffff  }
0x13d: {  	v17 =	vld.idx.msk [tilespmem:v18+s2+$0x0], $0xffff;
	v18 =	vor.u32 $0x100, v11  }
0x13e: {  	v22 =	vld.idx.msk [tilespmem:v19+s2+$0x0], $0xffff;
	v19 =	vor.u32 $0x80, v8  }
0x13f: {  	v63 =	vor.u32 $0x80, v13  }
0x140: {  	v20 =	vor.u32 $0x100, v3;
	[tilespmem:v12+s18+$0x0] =	vst.idx.add.f32.msk $0xffff, v21  }
0x141: {  	v21 =	vor.u32 $0x80, v6;
	[tilespmem:v24+s18+$0x0] =	vst.idx.add.f32.msk $0xffff, v25  }
0x142: {  	v24 =	vld.idx.msk [tilespmem:v18+s2+$0x0], $0xffff;
	v18 =	vor.u32 $0x80, v15  }
0x143: {  	[tilespmem:v19+s18+$0x0] =	vst.idx.add.f32.msk $0xffff, v28  }
0x144: {  	[tilespmem:v63+s18+$0x0] =	vst.idx.add.f32.msk $0xffff, v27  }
0x145: {  	v23 =	vld.idx.msk [tilespmem:v20+s2+$0x0], $0xffff  }
0x146: {  	s25 =	simm.s32 $0x0;
	v25 =	vor.u32 $0x80, v12;
	v26 =	vld.idx.msk [tilespmem:v21+s2+$0x0], $0xffff  }
.LBB2_7:
0x147: {  	s25 =	sadd.s32 $0x8, s25;
	[tilespmem:v18+s18+$0x0] =	vst.idx.add.f32.msk $0xffff, v17;
	s24 =	sadd.s32 $0x80, s24;
	s23 =	sadd.s32 $0x80, s23  }
0x148: {  	v17 =	vld [tilespmem:s23+$0x30];
	p0 =	slt.u32 s25, $0x38  }
0x149: {  	v18 =	vld [tilespmem:s24+$0xFFFFFFD0]  }
0x14a: {  	v20 =	vld [tilespmem:s24+$0xFFFFFFE0]  }
0x14b: {  	v27 =	vor.u32 $0x100, v5;
	v21 =	vld [tilespmem:s24+$0xFFFFFFF0]  }
0x14c: {  	v19 =	vld [tilespmem:s24+$0x0]  }
0x14d: {  	v28 =	vld [tilespmem:s24+$0x10]  }
0x14e: {  	v29 =	vld [tilespmem:s24+$0x20]  }
0x14f: {  	[tilespmem:v25+s18+$0x0] =	vst.idx.add.f32.msk $0xffff, v26;
	v25 =	vor.u32 $0x100, v8  }
0x150: {  	v26 =	vld.idx.msk [tilespmem:v27+s2+$0x0], $0xffff;
	v27 =	vor.u32 $0x100, v16  }
0x151: {  	v31 =	vor.u32 $0x100, v9;
	v30 =	vld [tilespmem:s24+$0x30]  }
0x152: {  	v33 =	vor.u32 $0x80, v2;
	v32 =	vld [tilespmem:s24+$0xFFFFFFC0]  }
0x153: {  	v11 =	vor.u32 $0x180, v11;
	v34 =	vld [tilespmem:s23+$0xFFFFFFC0]  }
0x154: {  	v35 =	vor.u32 $0x80, v10;
	[tilespmem:v25+s18+$0x0] =	vst.idx.add.f32.msk $0xffff, v23  }
0x155: {  	v23 =	vor.u32 $0x100, v7;
	[tilespmem:v27+s18+$0x0] =	vst.idx.add.f32.msk $0xffff, v24  }
0x156: {  	v24 =	vor.u32 $0x100, v4;
	v25 =	vld.idx.msk [tilespmem:v31+s2+$0x0], $0xffff  }
0x157: {  	v31 =	vor.u32 $0x100, v6;
	v27 =	vld.idx.msk [tilespmem:v33+s2+$0x0], $0xffff  }
0x158: {  	v33 =	vor.u32 $0x100, v15;
	v11 =	vld.idx.msk [tilespmem:v11+s2+$0x0], $0xffff  }
0x159: {  	v16 =	vor.u32 $0x180, v16;
	[tilespmem:v35+s18+$0x0] =	vst.idx.add.f32.msk $0xffff, v22  }
0x15a: {  	v22 =	vor.u32 $0x80, v1;
	v23 =	vld.idx.msk [tilespmem:v23+s2+$0x0], $0xffff  }
0x15b: {  	v35 =	vor.u32 $0x100, v14;
	v24 =	vld.idx.msk [tilespmem:v24+s2+$0x0], $0xffff  }
0x15c: {  	v9 =	vor.u32 $0x180, v9;
	v31 =	vld.idx.msk [tilespmem:v31+s2+$0x0], $0xffff  }
0x15d: {  	[tilespmem:v33+s18+$0x0] =	vst.idx.add.f32.msk $0xffff, v26;
	v26 =	vor.u32 $0x100, v12  }
0x15e: {  	v3 =	vor.u32 $0x180, v3;
	[tilespmem:v16+s18+$0x0] =	vst.idx.add.f32.msk $0xffff, v11  }
0x15f: {  	v11 =	vor.u32 $0x100, v13;
	[tilespmem:v22+s18+$0x0] =	vst.idx.add.f32.msk $0xffff, v27  }
0x160: {  	v16 =	vor.u32 $0x100, v2;
	[tilespmem:v35+s18+$0x0] =	vst.idx.add.f32.msk $0xffff, v25  }
0x161: {  	v5 =	vor.u32 $0x180, v5;
	v9 =	vld.idx.msk [tilespmem:v9+s2+$0x0], $0xffff  }
0x162: {  	v7 =	vor.u32 $0x180, v7;
	[tilespmem:v26+s18+$0x0] =	vst.idx.add.f32.msk $0xffff, v31  }
0x163: {  	v14 =	vor.u32 $0x180, v14;
	v3 =	vld.idx.msk [tilespmem:v3+s2+$0x0], $0xffff  }
0x164: {  	v6 =	vor.u32 $0x180, v6;
	[tilespmem:v11+s18+$0x0] =	vst.idx.add.f32.msk $0xffff, v23  }
0x165: {  	v11 =	vld.idx.msk [tilespmem:v16+s2+$0x0], $0xffff;
	v16 =	vor.u32 $0x100, v10  }
0x166: {  	v22 =	vor.u32 $0x100, v1;
	v5 =	vld.idx.msk [tilespmem:v5+s2+$0x0], $0xffff  }
0x167: {  	v4 =	vor.u32 $0x180, v4;
	v2 =	vor.u32 $0x180, v2;
	v7 =	vld.idx.msk [tilespmem:v7+s2+$0x0], $0xffff  }
0x168: {  	[tilespmem:v14+s18+$0x0] =	vst.idx.add.f32.msk $0xffff, v9  }
0x169: {  	v9 =	vor.u32 $0x180, v15;
	v6 =	vld.idx.msk [tilespmem:v6+s2+$0x0], $0xffff  }
0x16a: {  	v13 =	vor.u32 $0x180, v13;
	[tilespmem:v16+s18+$0x0] =	vst.idx.add.f32.msk $0xffff, v24  }
0x16b: {  	v8 =	vor.u32 $0x180, v8;
	[tilespmem:v22+s18+$0x0] =	vst.idx.add.f32.msk $0xffff, v11  }
0x16c: {  	v12 =	vor.u32 $0x180, v12;
	v14 =	vor.u32 $0x180, v1;
	v11 =	vld.idx.msk [tilespmem:v2+s2+$0x0], $0xffff  }
0x16d: {  	v10 =	vor.u32 $0x180, v10;
	v1 =	vand.u32 $0x7F, v34;
	v2 =	vshll.u32 v34, $0x2;
	v4 =	vld.idx.msk [tilespmem:v4+s2+$0x0], $0xffff  }
0x16e: {  	v15 =	vand.u32 $0x7F, v32;
	v16 =	vshll.u32 v32, $0x2;
	v2 =	vand.u32 $0xFFFFFE00, v2;
	[tilespmem:v9+s18+$0x0] =	vst.idx.add.f32.msk $0xffff, v5  }
0x16f: {  	v5 =	vand.u32 $0xFFFFFE00, v16;
	v1 =	vor.u32 v1, v2;
	v9 =	vshll.u32 v30, $0x2;
	[tilespmem:v13+s18+$0x0] =	vst.idx.add.f32.msk $0xffff, v7  }
0x170: {  	v16 =	vand.u32 $0x7F, v30;
	v7 =	vand.u32 $0x7F, v29;
	v13 =	vshll.u32 v29, $0x2;
	[tilespmem:v8+s18+$0x0] =	vst.idx.add.f32.msk $0xffff, v3  }
0x171: {  	v2 =	vor.u32 v15, v5;
	v3 =	vshll.u32 v28, $0x2;
	v5 =	vand.u32 $0xFFFFFE00, v13;
	[tilespmem:v12+s18+$0x0] =	vst.idx.add.f32.msk $0xffff, v6  }
0x172: {  	v6 =	vshll.u32 v19, $0x2;
	v8 =	vand.u32 $0xFFFFFE00, v3;
	v3 =	vand.u32 $0xFFFFFE00, v9;
	[tilespmem:v14+s18+$0x0] =	vst.idx.add.f32.msk $0xffff, v11  }
0x173: {  	v9 =	vshll.u32 v21, $0x2;
	v12 =	vand.u32 $0x7F, v28;
	v3 =	vor.u32 v16, v3;
	[tilespmem:v10+s18+$0x0] =	vst.idx.add.f32.msk $0xffff, v4  }
0x174: {  	v13 =	vand.u32 $0x7F, v21;
	v9 =	vand.u32 $0xFFFFFE00, v9;
	v4 =	vshll.u32 v20, $0x2;
	v10 =	vld [tilespmem:s23+$0xFFFFFFE0]  }
0x175: {  	v14 =	vshll.u32 v18, $0x2;
	v11 =	vor.u32 v7, v5;
	v4 =	vand.u32 $0xFFFFFE00, v4;
	v15 =	vld [tilespmem:s23+$0xFFFFFFD0]  }
0x176: {  	v7 =	vor.u32 v12, v8;
	v5 =	vand.u32 $0xFFFFFE00, v14;
	v14 =	vand.u32 $0x7F, v20;
	v20 =	vld [tilespmem:s23+$0x0]  }
0x177: {  	v8 =	vand.u32 $0x7F, v18;
	v4 =	vor.u32 v14, v4;
	v14 =	vand.u32 $0x7F, v17;
	v12 =	vld [tilespmem:s23+$0x20]  }
0x178: {  	v6 =	vand.u32 $0xFFFFFE00, v6;
	v5 =	vor.u32 v8, v5;
	v8 =	vand.u32 $0x7F, v19;
	v18 =	vld.idx.msk [tilespmem:v3+s2+$0x0], $0xffff  }
0x179: {  	v9 =	vor.u32 v13, v9;
	v6 =	vor.u32 v8, v6;
	v16 =	vshll.u32 v10, $0x2;
	v19 =	vld [tilespmem:s23+$0xFFFFFFF0]  }
0x17a: {  	v8 =	vshll.u32 v17, $0x2;
	v21 =	vshll.u32 v15, $0x2;
	v13 =	vand.u32 $0xFFFFFE00, v16;
	v22 =	vld.idx.msk [tilespmem:v11+s2+$0x0], $0xffff  }
0x17b: {  	v8 =	vand.u32 $0xFFFFFE00, v8;
	v17 =	vld.idx.msk [tilespmem:v2+s2+$0x0], $0xffff;
	v16 =	vshll.u32 v20, $0x2  }
0x17c: {  	v8 =	vor.u32 v14, v8;
	v23 =	vand.u32 $0xFFFFFE00, v16;
	v24 =	vld [tilespmem:s23+$0x10];
	v16 =	vshll.u32 v12, $0x2  }
0x17d: {  	v12 =	vand.u32 $0x7F, v12;
	v25 =	vld.idx.msk [tilespmem:v5+s2+$0x0], $0xffff;
	v14 =	vand.u32 $0xFFFFFE00, v16  }
0x17e: {  	v26 =	vld.idx.msk [tilespmem:v9+s2+$0x0], $0xffff;
	v27 =	vshll.u32 v19, $0x2;
	v16 =	vor.u32 v12, v14  }
0x17f: {  	v12 =	vand.u32 $0x7F, v19;
	v14 =	vand.u32 $0xFFFFFE00, v27;
	v19 =	vld.idx.msk [tilespmem:v6+s2+$0x0], $0xffff;
	v27 =	vor.u32 $0x80, v11  }
0x180: {  	v28 =	vld.idx.msk [tilespmem:v4+s2+$0x0], $0xffff;
	v14 =	vor.u32 v12, v14  }
0x181: {  	v29 =	vor.u32 $0x80, v9;
	[tilespmem:v1+s18+$0x0] =	vst.idx.add.f32.msk $0xffff, v17;
	v17 =	vor.u32 $0x80, v4;
	v30 =	vand.u32 $0x7F, v24  }
0x182: {  	v31 =	vor.u32 $0x80, v3;
	v12 =	vand.u32 $0x7F, v20;
	v24 =	vshll.u32 v24, $0x2;
	v20 =	vld.idx.msk [tilespmem:v7+s2+$0x0], $0xffff  }
0x183: {  	v10 =	vand.u32 $0x7F, v10;
	v12 =	vor.u32 v12, v23;
	v23 =	vand.u32 $0xFFFFFE00, v24;
	[tilespmem:v16+s18+$0x0] =	vst.idx.add.f32.msk $0xffff, v22  }
0x184: {  	v10 =	vor.u32 v10, v13;
	v13 =	vor.u32 v30, v23;
	v23 =	vld.idx.msk [tilespmem:v27+s2+$0x0], $0xffff  }
0x185: {  	v24 =	vor.u32 $0x80, v16;
	[tilespmem:v14+s18+$0x0] =	vst.idx.add.f32.msk $0xffff, v26  }
0x186: {  	v26 =	vld.idx.msk [tilespmem:v29+s2+$0x0], $0xffff  }
0x187: {  	v15 =	vand.u32 $0x7F, v15;
	v21 =	vand.u32 $0xFFFFFE00, v21;
	v27 =	vor.u32 $0x80, v6;
	[tilespmem:v8+s18+$0x0] =	vst.idx.add.f32.msk $0xffff, v18  }
0x188: {  	v15 =	vor.u32 v15, v21;
	v18 =	vld.idx.msk [tilespmem:v31+s2+$0x0], $0xffff  }
0x189: {  	[tilespmem:v13+s18+$0x0] =	vst.idx.add.f32.msk $0xffff, v20  }
0x18a: {  	v20 =	vor.u32 $0x80, v7;
	[tilespmem:v10+s18+$0x0] =	vst.idx.add.f32.msk $0xffff, v28  }
0x18b: {  	v21 =	vor.u32 $0x80, v5;
	v22 =	vld.idx.msk [tilespmem:v17+s2+$0x0], $0xffff  }
0x18c: {  	[tilespmem:v24+s18+$0x0] =	vst.idx.add.f32.msk $0xffff, v23;
	v23 =	vor.u32 $0x80, v8  }
0x18d: {  	v24 =	vor.u32 $0x100, v3;
	[tilespmem:v15+s18+$0x0] =	vst.idx.add.f32.msk $0xffff, v25  }
0x18e: {  	v28 =	vor.u32 $0x80, v14;
	[tilespmem:v12+s18+$0x0] =	vst.idx.add.f32.msk $0xffff, v19  }
0x18f: {  	v25 =	vor.u32 $0x80, v12;
	v19 =	vld.idx.msk [tilespmem:v20+s2+$0x0], $0xffff  }
0x190: {  	v20 =	vor.u32 $0x100, v11;
	v17 =	vld.idx.msk [tilespmem:v21+s2+$0x0], $0xffff  }
0x191: {  	v21 =	vor.u32 $0x80, v13;
	[tilespmem:v23+s18+$0x0] =	vst.idx.add.f32.msk $0xffff, v18  }
.Ltmp2:
0x192: {  	v18 =	vor.u32 $0x80, v15;
	v23 =	vld.idx.msk [tilespmem:v24+s2+$0x0], $0xffff;
	(pc) =	sbr.rel @p0 .LBB2_7-.Ltmp2, $4  }
0x193: {  	[tilespmem:v28+s18+$0x0] =	vst.idx.add.f32.msk $0xffff, v26  }
0x194: {  	v26 =	vld.idx.msk [tilespmem:v27+s2+$0x0], $0xffff  }
0x195: {  	v24 =	vld.idx.msk [tilespmem:v20+s2+$0x0], $0xffff  }
0x196: {  	[tilespmem:v21+s18+$0x0] =	vst.idx.add.f32.msk $0xffff, v19  }
0x197: {  	_ = 	snop  }
0x198: {  	v19 =	vor.u32 $0x100, v5  }
0x199: {  	v20 =	vor.u32 $0x100, v8  }
0x19a: {  	v21 =	vor.u32 $0x100, v16  }
0x19b: {  	[tilespmem:v18+s18+$0x0] =	vst.idx.add.f32.msk $0xffff, v17;
	v37 =	vor.u32 $0x100, v9  }
0x19c: {  	v38 =	vor.u32 $0x80, v2;
	[tilespmem:v25+s18+$0x0] =	vst.idx.add.f32.msk $0xffff, v26  }
0x19d: {  	v39 =	vor.u32 $0x80, v10;
	v19 =	vld.idx.msk [tilespmem:v19+s2+$0x0], $0xffff  }
0x19e: {  	v40 =	vor.u32 $0x100, v7;
	[tilespmem:v20+s18+$0x0] =	vst.idx.add.f32.msk $0xffff, v23  }
0x19f: {  	v42 =	vor.u32 $0x100, v6;
	[tilespmem:v21+s18+$0x0] =	vst.idx.add.f32.msk $0xffff, v24  }
0x1a0: {  	v11 =	vor.u32 $0x180, v11;
	v17 =	vld.idx.msk [tilespmem:v37+s2+$0x0], $0xffff  }
0x1a1: {  	v41 =	vor.u32 $0x100, v4;
	v18 =	vld.idx.msk [tilespmem:v38+s2+$0x0], $0xffff  }
0x1a2: {  	v3 =	vor.u32 $0x180, v3;
	[tilespmem:v39+s18+$0x0] =	vst.idx.add.f32.msk $0xffff, v22  }
0x1a3: {  	v43 =	vor.u32 $0x100, v15;
	v20 =	vld.idx.msk [tilespmem:v40+s2+$0x0], $0xffff  }
0x1a4: {  	v45 =	vor.u32 $0x80, v1;
	v23 =	vld.idx.msk [tilespmem:v42+s2+$0x0], $0xffff  }
0x1a5: {  	v46 =	vor.u32 $0x100, v14;
	v11 =	vld.idx.msk [tilespmem:v11+s2+$0x0], $0xffff  }
0x1a6: {  	v48 =	vor.u32 $0x100, v12;
	v21 =	vld.idx.msk [tilespmem:v41+s2+$0x0], $0xffff  }
0x1a7: {  	v49 =	vor.u32 $0x100, v13;
	v3 =	vld.idx.msk [tilespmem:v3+s2+$0x0], $0xffff  }
0x1a8: {  	v44 =	vor.u32 $0x180, v16;
	[tilespmem:v43+s18+$0x0] =	vst.idx.add.f32.msk $0xffff, v19  }
0x1a9: {  	v47 =	vor.u32 $0x180, v9;
	[tilespmem:v45+s18+$0x0] =	vst.idx.add.f32.msk $0xffff, v18  }
0x1aa: {  	v50 =	vor.u32 $0x100, v2;
	[tilespmem:v46+s18+$0x0] =	vst.idx.add.f32.msk $0xffff, v17  }
0x1ab: {  	v51 =	vor.u32 $0x180, v5;
	[tilespmem:v48+s18+$0x0] =	vst.idx.add.f32.msk $0xffff, v23  }
0x1ac: {  	v52 =	vor.u32 $0x180, v7;
	[tilespmem:v49+s18+$0x0] =	vst.idx.add.f32.msk $0xffff, v20  }
0x1ad: {  	v54 =	vor.u32 $0x180, v6;
	[tilespmem:v44+s18+$0x0] =	vst.idx.add.f32.msk $0xffff, v11  }
0x1ae: {  	v56 =	vor.u32 $0x100, v10;
	v9 =	vld.idx.msk [tilespmem:v47+s2+$0x0], $0xffff  }
0x1af: {  	v61 =	vor.u32 $0x180, v8;
	v55 =	vld.idx.msk [tilespmem:v50+s2+$0x0], $0xffff  }
0x1b0: {  	v58 =	vor.u32 $0x180, v4;
	v5 =	vld.idx.msk [tilespmem:v51+s2+$0x0], $0xffff  }
0x1b1: {  	v53 =	vor.u32 $0x180, v14;
	v7 =	vld.idx.msk [tilespmem:v52+s2+$0x0], $0xffff  }
0x1b2: {  	v57 =	vor.u32 $0x100, v1;
	v6 =	vld.idx.msk [tilespmem:v54+s2+$0x0], $0xffff  }
0x1b3: {  	v2 =	vor.u32 $0x180, v2;
	[tilespmem:v56+s18+$0x0] =	vst.idx.add.f32.msk $0xffff, v21  }
0x1b4: {  	v59 =	vor.u32 $0x180, v15;
	[tilespmem:v61+s18+$0x0] =	vst.idx.add.f32.msk $0xffff, v3  }
0x1b5: {  	v60 =	vor.u32 $0x180, v13;
	v4 =	vld.idx.msk [tilespmem:v58+s2+$0x0], $0xffff  }
0x1b6: {  	v62 =	vor.u32 $0x180, v12;
	[tilespmem:v53+s18+$0x0] =	vst.idx.add.f32.msk $0xffff, v9  }
0x1b7: {  	v63 =	vor.u32 $0x180, v10;
	s22 =	sadd.s32 $0x1, s22;
	[tilespmem:v57+s18+$0x0] =	vst.idx.add.f32.msk $0xffff, v55  }
0x1b8: {  	v1 =	vor.u32 $0x180, v1;
	p0 =	sne.s32 s22, s9;
	v2 =	vld.idx.msk [tilespmem:v2+s2+$0x0], $0xffff  }
.Ltmp3:
0x1b9: {  	[tilespmem:v59+s18+$0x0] =	vst.idx.add.f32.msk $0xffff, v5;
	(pc) =	sbr.rel @p0 .LBB2_4-.Ltmp3, $4  }
0x1ba: {  	[tilespmem:v60+s18+$0x0] =	vst.idx.add.f32.msk $0xffff, v7  }
0x1bb: {  	[tilespmem:v62+s18+$0x0] =	vst.idx.add.f32.msk $0xffff, v6  }
0x1bc: {  	[tilespmem:v63+s18+$0x0] =	vst.idx.add.f32.msk $0xffff, v4  }
0x1bd: {  	[tilespmem:v1+s18+$0x0] =	vst.idx.add.f32.msk $0xffff, v2  }
0x1be: {  	s21 =	sadd.s32 $0x1, s21  }
0x1bf: {  	p0 =	sne.s32 s21, s11  }
.Ltmp4:
0x1c0: {  	_ = 	snop;
	(pc) =	sbr.rel @p0 .LBB2_1-.Ltmp4, $4  }
0x1c1: {  	[hbm4b:s10+s2] =	stream.linear.scatter [tilespmem:s18], [sflag:$0x4], $0xA000, $0x38;
	[tilespmem:$0x15000] =	vst v63  }
0x1c2: {  	_ =	swait.ge [sflag:s20], $0xA000  }
0x1c3: {  	[sflag:s20] =	ssyncset.done $0x0  }
0x1c4: {  	[sflag:s20] =	ssyncadd.s32 $0xFFFF6000  }
0x1c5: {  	_ =	sfence.sel $0x180000  }
0x1c6: {  	[bflag:$0x0] =	sbarrier.arrive $0xFFFF  }
0x1c7: {  	p0 =	sne.s32 s1, $0x0;
	_ =	strace $0x9000004D  }
0x1c8: {  	s0 =	sadd.s32 @!p0 $0x100000, s0;
	[bflag:$0x2] =	sbarrier.arrive $0xFFFF  }
0x1c9: {  	[sflag:s0] =	ssyncadd.tile.s32 @!p0 $0x1;
	_ =	shalt  }
.Lfunc_end2:
_tile_overlayer_lowered:
.L_overlay_start_2:
0x1ca: {  	(tag) =	ssettag $0x2  }
0x1cb: {  	s0 =	rddreg [dreg:$0x0];
	s2 =	stileid.u32  }
0x1cc: {  	s1 =	rddreg [dreg:$0x1];
	p0 =	sne.s32 s2, $0x0  }
0x1cd: {  	s3 =	rddreg [dreg:$0x2];
	[bflag:$0x3] =	sbarrier.arrive $0xFFFF;
	s2 =	simm.s32 @!p0 $0x1C04  }
0x1ce: {  	[timem:s3], [sflag:s2] =	dma.local @!p0 [hbm:s0], s1  }
0x1cf: {  	s0 =	simm.s32 @!p0 $0x4  }
0x1d0: {  	_ =	swait.ge @!p0 [sflag:s0], s1  }
0x1d1: {  	s1 =	ssub.s32 @!p0 $0x0, s1;
	[sflag:s0] =	ssyncset.done @!p0 $0x0  }
0x1d2: {  	[sflag:s0] =	ssyncadd.s32 @!p0 s1  }
0x1d3: {  	[bflag:$0x3] =	sbarrier.arrive $0xFFFF  }
0x1d4: {  	_ =	shalt  }

// kernel: kernel.8.cloned.1.call-start
scs
__scs_entry_jumppad:
0x0: {  	(pc) =	sbr.rel $0x88, $3  }
0x1: {  	(tag) =	ssettag $0x0;
	lr =	simm.s32 $0x1  }
0x2: {  	[smem:$0x3F9B] =	sst lr;
	_ =	strace $0xD0000000  }
0x3: {  	_ = 	snop  }
0x4: {  	_ = 	snop  }
0x5: {  	_ = 	snop  }
0x6: {  	_ = 	snop  }
0x7: {  	_ = 	snop  }
__scs_overlays_trampoline_lowered:
0x8: {  	[smem:$0x3FAA] =	sst s0  }
0x9: {  	[smem:$0x3FAB] =	sst s1  }
0xa: {  	[smem:$0x3FAC] =	sst s2  }
0xb: {  	[smem:$0x3FAD] =	sst s3  }
0xc: {  	[smem:$0x3FAE] =	sst s4  }
0xd: {  	[smem:$0x3FAF] =	sst s5  }
0xe: {  	[smem:$0x3FB0] =	sst s6  }
0xf: {  	[smem:$0x3FB1] =	sst s7  }
0x10: {  	[smem:$0x3FB2] =	sst s8  }
0x11: {  	[smem:$0x3FB3] =	sst s9;
	s0 =	simm.s32 @!p0 $0x0  }
0x12: {  	s1 =	sld [smem:$0x3F99];
	s0 =	simm.s32 @p0 $0x1  }
0x13: {  	[smem:$0x3FB4] =	sst s0;
	s0 =	simm.s32 @!p1 $0x0  }
0x14: {  	s2 =	sld [smem:$0x3F98];
	s0 =	simm.s32 @p1 $0x1  }
0x15: {  	[smem:$0x3FB5] =	sst s0;
	s0 =	simm.s32 @!p2 $0x0  }
0x16: {  	s3 =	sld [smem:$0x3FDB];
	s0 =	simm.s32 @p2 $0x1  }
0x17: {  	s4 =	simm.s32 $0x1BF5;
	[smem:$0x3FB7] =	sst s0  }
0x18: {  	s0 =	sld [smem:$0x3F9A];
	_ =	swait.ge [sflag:s4], $0x0  }
0x19: {  	s7 =	sld [smem:$0x3F9B]  }
0x1a: {  	s8 =	sadd.s32 $0xFFFFE003, lr  }
0x1b: {  	s9 =	sadd.s32 $0xFFFFFEF7, lr;
	s5 =	simm.s32 $0xFFFFFFFF;
	p2 =	slt.u32 s8, $0xFFFFF086  }
0x1c: {  	p1 =	slt.u32 s9, $0xF7A;
	s5 =	simm.s32 @!p2 $0x0  }
0x1d: {  	s5 =	simm.s32 @p1 $0x1;
	p0 =	seq.s32 s7, s2  }
0x1e: {  	s7 =	smul.u32 @!p0 $0xF7A, s2;
	p2 =	seq.s32 @!p0 s5, $0x0  }
0x1f: {  	s9 =	smul.u32 $0xF7A, s1;
	s8 =	simm.s32 @!p0 $0x1BF5;
	p2 =	por !p2, p0  }
0x20: {  	[sflag:s8] =	ssyncset.s32 @!p0 $0xFFFFF086;
	s6 =	sadd.s32 @!p0 s3, s7;
	s7 =	simm.s32 @!p0 $0x108  }
0x21: {  	s3 =	sadd.s32 s3, s9;
	s6 =	sadd.s32 @!p0 $0x88, s6;
	s7 =	simm.s32 @p2 $0x1082  }
0x22: {  	[simem:s7], [sflag:s8] =	dma.local @!p0 [hbm:s6], $0xF7A  }
0x23: {  	s9 =	sor.u32 $0xD0000000, s2;
	s6 =	simm.s32 $0x108;
	_ =	swait.ge @!p0 [sflag:s8], $0x0  }
0x24: {  	s3 =	sadd.s32 $0x88, s3;
	s6 =	simm.s32 @!p1 $0x1082;
	[sflag:s4] =	ssyncset.s32 $0xFFFFF086  }
0x25: {  	[simem:s6], [sflag:s4] =	dma.local [hbm:s3], $0xF7A  }
0x26: {  	[smem:$0x3F9B] =	sst s1;
	(tag) =	ssettag s2;
	_ =	strace s9  }
0x27: {  	s1 =	sld [smem:$0x3FAB]  }
0x28: {  	s2 =	sld [smem:$0x3FAC]  }
0x29: {  	s4 =	sld [smem:$0x3FAE]  }
0x2a: {  	p0 =	seq.s32 s5, $0x0;
	s5 =	sld [smem:$0x3FAF]  }
0x2b: {  	s6 =	sld [smem:$0x3FB0]  }
0x2c: {  	s7 =	sld [smem:$0x3FB1]  }
0x2d: {  	s3 =	simm.s32 $0x108;
	s8 =	sld [smem:$0x3FB2]  }
0x2e: {  	s3 =	simm.s32 @!p0 $0x1082;
	s9 =	sld [smem:$0x3FB3]  }
0x2f: {  	lr =	sadd.s32 s0, s3;
	s0 =	sld [smem:$0x3FAA]  }
0x30: {  	s3 =	sld [smem:$0x3FAD]  }
0x31: {  	[smem:$0x3FB6] =	sst s10  }
0x32: {  	s10 =	sld [smem:$0x3FB4];
	_ =	sdelay $0x3  }
0x33: {  	p0 =	seq.s32 s10, $0x1;
	s10 =	sld [smem:$0x3FB6];
	_ =	sdelay $0x3  }
0x34: {  	[smem:$0x3FB6] =	sst s10  }
0x35: {  	s10 =	sld [smem:$0x3FB5];
	_ =	sdelay $0x3  }
0x36: {  	p1 =	seq.s32 s10, $0x1;
	s10 =	sld [smem:$0x3FB6];
	_ =	sdelay $0x3  }
0x37: {  	[smem:$0x3FB6] =	sst s10  }
0x38: {  	s10 =	sld [smem:$0x3FB7]  }
0x39: {  	_ = 	snop;
	(pc) =	sbr.ind lr, $3  }
0x3a: {  	_ = 	snop  }
0x3b: {  	_ = 	snop  }
0x3c: {  	p2 =	seq.s32 s10, $0x1;
	s10 =	sld [smem:$0x3FB6]  }
0x3d: {  	_ =	shalt  }
0x3e: {  	_ =	shalt  }
0x3f: {  	_ =	shalt  }
0x40: {  	_ =	shalt  }
0x41: {  	_ =	shalt  }
0x42: {  	_ =	shalt  }
0x43: {  	_ =	shalt  }
0x44: {  	_ =	shalt  }
0x45: {  	_ =	shalt  }
0x46: {  	_ =	shalt  }
0x47: {  	_ =	shalt  }
0x48: {  	_ =	shalt  }
0x49: {  	_ =	shalt  }
0x4a: {  	_ =	shalt  }
0x4b: {  	_ =	shalt  }
0x4c: {  	_ =	shalt  }
0x4d: {  	_ =	shalt  }
0x4e: {  	_ =	shalt  }
0x4f: {  	_ =	shalt  }
0x50: {  	_ =	shalt  }
0x51: {  	_ =	shalt  }
0x52: {  	_ =	shalt  }
0x53: {  	_ =	shalt  }
0x54: {  	_ =	shalt  }
0x55: {  	_ =	shalt  }
0x56: {  	_ =	shalt  }
0x57: {  	_ =	shalt  }
0x58: {  	_ =	shalt  }
0x59: {  	_ =	shalt  }
0x5a: {  	_ =	shalt  }
0x5b: {  	_ =	shalt  }
0x5c: {  	_ =	shalt  }
0x5d: {  	_ =	shalt  }
0x5e: {  	_ =	shalt  }
0x5f: {  	_ =	shalt  }
0x60: {  	_ =	shalt  }
0x61: {  	_ =	shalt  }
0x62: {  	_ =	shalt  }
0x63: {  	_ =	shalt  }
0x64: {  	_ =	shalt  }
0x65: {  	_ =	shalt  }
0x66: {  	_ =	shalt  }
0x67: {  	_ =	shalt  }
0x68: {  	_ =	shalt  }
0x69: {  	_ =	shalt  }
0x6a: {  	_ =	shalt  }
0x6b: {  	_ =	shalt  }
0x6c: {  	_ =	shalt  }
0x6d: {  	_ =	shalt  }
0x6e: {  	_ =	shalt  }
0x6f: {  	_ =	shalt  }
0x70: {  	_ =	shalt  }
0x71: {  	_ =	shalt  }
0x72: {  	_ =	shalt  }
0x73: {  	_ =	shalt  }
0x74: {  	_ =	shalt  }
0x75: {  	_ =	shalt  }
0x76: {  	_ =	shalt  }
0x77: {  	_ =	shalt  }
0x78: {  	_ =	shalt  }
0x79: {  	_ =	shalt  }
0x7a: {  	_ =	shalt  }
0x7b: {  	_ =	shalt  }
0x7c: {  	_ =	shalt  }
0x7d: {  	_ =	shalt  }
0x7e: {  	_ =	shalt  }
0x7f: {  	_ =	shalt  }
0x80: {  	_ =	shalt  }
0x81: {  	_ =	shalt  }
0x82: {  	_ =	shalt  }
0x83: {  	_ =	shalt  }
0x84: {  	_ =	shalt  }
0x85: {  	_ =	shalt  }
0x86: {  	_ =	shalt  }
0x87: {  	_ =	shalt  }
.Lfunc_end0:
.L_simem_size_0:
called_computation_lowered:
.L_overlay_start_0:
0x88: {  	s2 =	sld [smem:$0x3FD9]  }
0x89: {  	s3 =	sld [smem:$0x3FFE];
	_ =	sdelay $0x1  }
0x8a: {  	s1 =	srdreg.scid  }
0x8b: {  	s0 =	sand.u32 $0x1, s1  }
0x8c: {  	s16 =	sshll.u32 s0, $0xA;
	s2 =	sadd.s32 s3, s2  }
0x8d: {  	s2 =	sadd.s32 s2, s16  }
0x8e: {  	[smem:$0x3FC2] =	sst s2  }
0x8f: {  	_ = 	snop  }
0x90: {  	(tm) =	ssettm $0x1  }
0x91: {  	s17 =	sld [smem:$0x3FFB];
	_ =	sdelay $0x3  }
0x92: {  	_ =	strace s17  }
0x93: {  	s2 =	sld [smem:$0x3FFC];
	_ =	sdelay $0x3  }
0x94: {  	_ =	strace s2  }
0x95: {  	s2 =	sld [smem:$0x3FFD];
	_ =	sdelay $0x3  }
0x96: {  	_ =	strace s2  }
0x97: {  	_ =	strace $0x8FFFFFFF  }
0x98: {  	s18 =	sld [smem:$0x3FDB];
	_ =	sdelay $0x1  }
0x99: {  	s19 =	simm.s32 $_scs_section_size  }
0x9a: {  	s4 =	simm.s32 $_size__tile_overlayer_lowered;
	s5 =	simm.s32 $_tile_overlayer_lowered  }
0x9b: {  	s22 =	simm.s32 $0x1BFF;
	s21 =	sshll.u32 s5, $0x1;
	s2 =	sadd.s32 s19, s18  }
0x9c: {  	s6 =	simm.s32 $0x0;
	s20 =	sshll.u32 s4, $0x1;
	s4 =	sadd.s32 s21, s2  }
0x9d: {  	[timem:s6], [sflag:s22] =	dma.local [hbm:s4], s20  }
0x9e: {  	_ =	swait.ge [sflag:s22], s20  }
0x9f: {  	s3 =	ssub.s32 $0x0, s20;
	[sflag:s22] =	ssyncset.done $0x0  }
0xa0: {  	[sflag:s22] =	ssyncadd.s32 s3;
	_ =	sdelay $0x1  }
0xa1: {  	s23 =	simm.s32 $0x1B8B  }
0xa2: {  	_ =	swait.ge [sflag:s23], $0x1  }
0xa3: {  	[sflag:s23] =	ssyncset.done $0x0  }
0xa4: {  	s25 =	simm.s32 $0x1B8E;
	s24 =	sld [smem:$0x3FFE];
	[sflag:s23] =	ssyncadd.s32 $0xFFFFFFFF  }
0xa5: {  	s26 =	simm.s32 $execute0_lowered;
	[smem:$0x3FD2] =	sst s25  }
0xa6: {  	s4 =	sshll.u32 s26, $0x1;
	_ =	strace $0x80000046;
	[dreg:$0x1] =	wrdreg $0xFFFFFFFF  }
0xa7: {  	s28 =	simm.s32 $_size_execute0_lowered;
	s2 =	sadd.s32 s2, s4;
	[dreg:$0x0] =	wrdreg $0x0  }
0xa8: {  	s4 =	sshll.u32 s28, $0x1;
	[dreg:$0x2] =	wrdreg s2  }
0xa9: {  	[dreg:$0x3] =	wrdreg s4  }
0xaa: {  	[dreg:$0x4] =	wrdreg $0xC0  }
0xab: {  	_ =	task [dreg:s6], $0x5FFFF  }
0xac: {  	[dreg:$0x1] =	wrdreg $0xFFFFFFFF  }
0xad: {  	[dreg:$0x0] =	wrdreg $0x60  }
0xae: {  	[dreg:$0x2] =	wrdreg s24  }
0xaf: {  	[dreg:$0x3] =	wrdreg $0x9  }
0xb0: {  	_ =	task.clear_ibuf [dreg:s6], $0x4FFFF;
	_ =	strace $0x90000046  }
0xb1: {  	s29 =	simm.s32 $0x9;
	_ =	strace $0x80000048  }
0xb2: {  	_ =	swait.ge [sflag:s29], $0x1  }
0xb3: {  	[sflag:s29] =	ssyncadd.s32 $0xFFFFFFFF  }
0xb4: {  	_ =	strace $0x90000048  }
0xb5: {  	_ =	sfence  }
0xb6: {  	s30 =	sld [smem:$0x0];
	_ =	sdelay $0x2  }
0xb7: {  	s31 =	sshll.u32 s1, $0xD;
	s1 =	sshrl.u32 s1, $0x2  }
0xb8: {  	s3 =	sand.u32 $0x4000, s31;
	s1 =	sadd.s32 s1, s30  }
0xb9: {  	s0 =	sor.u32 s3, s0;
	s1 =	sshll.u32 s1, $0x11  }
0xba: {  	s0 =	sor.u32 s1, s0  }
0xbb: {  	s0 =	sadd.s32 $0x8F2B, s0  }
0xbc: {  	[sflag:s0] =	ssyncadd.remote.s32 $0x1  }
0xbd: {  	_ =	sfence.sel $0xFFFF  }
0xbe: {  	[dreg:$0x0] =	wrdreg $0xFFFFFFFF;
	(pc) =	sbr.abs _section_cstart, $3  }
0xbf: {  	[dreg:$0x1] =	wrdreg $0xFFFFFFFF  }
0xc0: {  	_ =	task.clear_ibuf [dreg:s6], $0x2FFFF;
	_ =	strace $0x9FFFFFFF  }
0xc1: {  	(tm) =	ssettm $0x7FFFFFFF  }
tec
execute0_lowered:
.L_overlay_start_1:
0x0: {  	(tag) =	ssettag $0x1  }
0x1: {  	s1 =	srdreg.scid  }
0x2: {  	s1 =	sand.u32 $0x1, s1  }
0x3: {  	p0 =	seq.s32 s1, $0x1  }
.Ltmp0:
0x4: {  	_ = 	snop;
	(pc) =	sbr.rel @p0 .LBB2_6-.Ltmp0, $4  }
0x5: {  	_ = 	snop  }
0x6: {  	s2 =	rddreg [dreg:$0x0];
	s3 =	simm.s32 $0x0  }
0x7: {  	[smem:$0x7FF] =	sst s3  }
0x8: {  	s0 =	rddreg [dreg:$0x1];
	_ =	strace $0x80000047;
	s1 =	stileid.u32  }
0x9: {  	s4 =	smul.u32 $0x2800, s1;
	_ =	sdelay $0x1  }
0xa: {  	s5 =	sadd.s32 $0x2600, s2;
	s4 =	sshrl.u32 s4, $0x3  }
0xb: {  	s4 =	sadd.s32 s5, s4  }
0xc: {  	s28 =	simm.s32 $0x2800;
	s4 =	sadd.s32 $0x5000, s4  }
0xd: {  	[tilespmem:s28], [sflag:$0x1] =	stream.linear.gather [hbm4b:s4+s3], $0x2800, $0x38;
	[tilespmem:$0x5000] =	vst v63  }
0xe: {  	v0 =	vimm.f32 $0.0e+00;
	s3 =	simm.s32 $0x40  }
0xf: {  	s29 =	sshrl.u32 s1, $0x3;
	[tilespmem:s3+$0xFFFFFFC0] =	vst v0  }
0x10: {  	s30 =	sshll.u32 s1, $0x7;
	s4 =	smul.u32 $0x14000, s29;
	[tilespmem:s3+$0x30] =	vst v0  }
0x11: {  	s5 =	sand.u32 $0x380, s30;
	[tilespmem:s3+$0x20] =	vst v0  }
0x12: {  	[tilespmem:s3+$0x10] =	vst v0;
	s4 =	sor.u32 s5, s4  }
0x13: {  	[tilespmem:s3+$0x0] =	vst v0;
	s4 =	sshrl.u32 s4, $0x3  }
0x14: {  	[tilespmem:s3+$0xFFFFFFF0] =	vst v0;
	s31 =	sadd.s32 s4, s2  }
0x15: {  	[tilespmem:s3+$0xFFFFFFE0] =	vst v0;
	s4 =	simm.s32 $0x0;
	s2 =	sadd.s32 $0xC600, s31  }
.LBB2_2:
0x16: {  	s4 =	sadd.s32 $0x8, s4;
	[tilespmem:s3+$0xFFFFFFD0] =	vst v0;
	s3 =	sadd.s32 $0x80, s3  }
0x17: {  	[tilespmem:s3+$0xFFFFFFC0] =	vst v0;
	p0 =	slt.u32 s4, $0x278  }
0x18: {  	[tilespmem:s3+$0x30] =	vst v0  }
.Ltmp1:
0x19: {  	[tilespmem:s3+$0x20] =	vst v0;
	(pc) =	sbr.rel @p0 .LBB2_2-.Ltmp1, $4  }
0x1a: {  	[tilespmem:s3+$0x10] =	vst v0  }
0x1b: {  	[tilespmem:s3+$0x0] =	vst v0  }
0x1c: {  	[tilespmem:s3+$0xFFFFFFF0] =	vst v0  }
0x1d: {  	[tilespmem:s3+$0xFFFFFFE0] =	vst v0  }
0x1e: {  	[tilespmem:s3+$0xFFFFFFD0] =	vst v0;
	s31 =	simm.s32 $0x1  }
0x1f: {  	_ =	swait.ge [sflag:s31], $0x2800  }
0x20: {  	[sflag:s31] =	ssyncset.done $0x0  }
0x21: {  	s4 =	simm.s32 $0x2820;
	[sflag:s31] =	ssyncadd.s32 $0xFFFFD800  }
0x22: {  	v4 =	vld [tilespmem:s4+$0x10];
	_ =	sdelay $0x4  }
0x23: {  	v3 =	vld [tilespmem:s4+$0xFFFFFFE0]  }
0x24: {  	v1 =	vld [tilespmem:s4+$0xFFFFFFF0]  }
0x25: {  	v0 =	vimm.f32 $1.000000000e+00;
	s3 =	simm.s32 $0x0;
	v2 =	vld [tilespmem:s4+$0x0]  }
0x26: {  	s5 =	simm.s32 $0x2860;
	s4 =	simm.s32 $0x0;
	[tilespmem:v4+s3+$0x0] =	vst.idx.add.f32.msk $0xffff, v0  }
.LBB2_4:
0x27: {  	v4 =	vld [tilespmem:s5+$0x10];
	s4 =	sadd.s32 $0x4, s4  }
0x28: {  	v5 =	vld [tilespmem:s5+$0xFFFFFFF0];
	p0 =	slt.u32 s4, $0x27C  }
0x29: {  	v6 =	vld [tilespmem:s5+$0x0]  }
0x2a: {  	v7 =	vld [tilespmem:s5+$0xFFFFFFE0]  }
.Ltmp2:
0x2b: {  	[tilespmem:v3+s3+$0x0] =	vst.idx.add.f32.msk $0xffff, v0;
	(pc) =	sbr.rel @p0 .LBB2_4-.Ltmp2, $4  }
0x2c: {  	[tilespmem:v1+s3+$0x0] =	vst.idx.add.f32.msk $0xffff, v0  }
0x2d: {  	[tilespmem:v2+s3+$0x0] =	vst.idx.add.f32.msk $0xffff, v0;
	v1 =	vmov v5  }
0x2e: {  	v2 =	vmov v6  }
0x2f: {  	s5 =	sadd.s32 $0x40, s5;
	[tilespmem:v4+s3+$0x0] =	vst.idx.add.f32.msk $0xffff, v0;
	v3 =	vmov v7  }
0x30: {  	_ =	sdelay $0x3  }
0x31: {  	[tilespmem:v3+s3+$0x0] =	vst.idx.add.f32.msk $0xffff, v0  }
0x32: {  	[tilespmem:v1+s3+$0x0] =	vst.idx.add.f32.msk $0xffff, v0;
	s30 =	simm.s32 $0x80  }
0x33: {  	[tilespmem:v2+s3+$0x0] =	vst.idx.add.f32.msk $0xffff, v0;
	s4 =	simm.s32 $0x400;
	s5 =	simm.s32 $0x0;
	s31 =	simm.s32 $0x2  }
0x34: {  	[hbm4b:s2+s30] =	stream.strided.scatter [tilespmem:s5], [sflag:$0x2], $0x2800, s4, s30, $0x38;
	[tilespmem:$0x5000] =	vst v63  }
0x35: {  	_ =	swait.ge [sflag:s31], $0x2800  }
0x36: {  	[sflag:s31] =	ssyncset.done $0x0  }
0x37: {  	[sflag:s31] =	ssyncadd.s32 $0xFFFFD800  }
.LBB2_6:
0x38: {  	_ =	sfence.sel $0x180000  }
0x39: {  	[bflag:$0x0] =	sbarrier.arrive $0xFFFF  }
0x3a: {  	p0 =	sne.s32 s1, $0x0;
	_ =	strace $0x90000047  }
0x3b: {  	s0 =	sadd.s32 @!p0 $0x100000, s0;
	[bflag:$0x2] =	sbarrier.arrive $0xFFFF  }
0x3c: {  	[sflag:s0] =	ssyncadd.tile.s32 @!p0 $0x1;
	_ =	shalt  }
.Lfunc_end2:
_tile_overlayer_lowered:
.L_overlay_start_2:
0x3d: {  	(tag) =	ssettag $0x2  }
0x3e: {  	s0 =	rddreg [dreg:$0x0];
	s2 =	stileid.u32  }
0x3f: {  	s1 =	rddreg [dreg:$0x1];
	p0 =	sne.s32 s2, $0x0  }
0x40: {  	s3 =	rddreg [dreg:$0x2];
	[bflag:$0x3] =	sbarrier.arrive $0xFFFF;
	s2 =	simm.s32 @!p0 $0x1C02  }
0x41: {  	[timem:s3], [sflag:s2] =	dma.local @!p0 [hbm:s0], s1  }
0x42: {  	s0 =	simm.s32 @!p0 $0x2  }
0x43: {  	_ =	swait.ge @!p0 [sflag:s0], s1  }
0x44: {  	s1 =	ssub.s32 @!p0 $0x0, s1;
	[sflag:s0] =	ssyncset.done @!p0 $0x0  }
0x45: {  	[sflag:s0] =	ssyncadd.s32 @!p0 s1  }
0x46: {  	[bflag:$0x3] =	sbarrier.arrive $0xFFFF  }
0x47: {  	_ =	shalt  }

</sc_bundles>
